<compile_context>
chip_gen: v7x
topology: tpu7x:2x2x1
jax: 0.10.2.dev20260603
libtpu: 0.0.44.dev20260713+nightly
codegen_flags: <defaults>
</compile_context>

<pallas_src>
import functools

import numpy as np

import jax
import jax.numpy as jnp
from jax import lax
from jax.experimental import pallas as pl
from jax.experimental.pallas import tpu as pltpu
from jax.experimental.pallas import tpu_sc as plsc


def _z(i):
    return i * 0


N = 10000
E = 160000
WD = 32
EF = 16
LW = 128
N2 = 10240

NC = 2
NS = 16
NW = NC * NS
EPW = E // NW
CHUNK = 1000
NCHUNK = EPW // CHUNK
RPT = N2 // NS


HW = 48


def _gather_body(x_hbm, src_hbm, out_hbm, idx_v, rows_v, gsem, os0, os1):
    wid = lax.axis_index("c") * NS + lax.axis_index("s")
    base = wid * EPW
    osem = (os0, os1)
    outs = {}
    pltpu.sync_copy(src_hbm.at[pl.ds(base, CHUNK)], idx_v.at[np.int32(0)])
    for c in range(NCHUNK):
        b = c % 2
        if c >= 2:
            outs[c - 2].wait()
        g = pltpu.async_copy(x_hbm.at[idx_v.at[np.int32(b)]], rows_v.at[np.int32(b)], gsem)
        if c + 1 < NCHUNK:
            pltpu.sync_copy(src_hbm.at[pl.ds(base + (c + 1) * CHUNK, CHUNK)],
                            idx_v.at[np.int32((c + 1) % 2)])
        g.wait()
        outs[c] = pltpu.async_copy(
            rows_v.at[np.int32(b)],
            out_hbm.at[pl.ds(base + c * CHUNK, CHUNK), pl.ds(0, WD)],
            osem[b])
    outs[NCHUNK - 2].wait()
    outs[NCHUNK - 1].wait()


def _scatter_body(msg_hbm, dst_hbm, zz_hbm, agg_hbm, idx_v, rows_v, agg_sh,
                  ls0, ls1):
    cid = lax.axis_index("c")
    sid = lax.axis_index("s")
    wid = cid * NS + sid
    pltpu.sync_copy(zz_hbm, agg_sh.at[pl.ds(sid * RPT, RPT)])
    plsc.subcore_barrier()
    base = wid * EPW
    lsem = (ls0, ls1)
    loads = {}
    pltpu.sync_copy(dst_hbm.at[pl.ds(base, CHUNK)], idx_v.at[np.int32(0)])
    loads[0] = pltpu.async_copy(
        msg_hbm.at[pl.ds(base, CHUNK), pl.ds(0, HW)], rows_v.at[np.int32(0)], lsem[0])
    for c in range(NCHUNK):
        b = c % 2
        if c + 1 < NCHUNK:
            nb = (c + 1) % 2
            pltpu.sync_copy(dst_hbm.at[pl.ds(base + (c + 1) * CHUNK, CHUNK)],
                            idx_v.at[np.int32(nb)])
            loads[c + 1] = pltpu.async_copy(
                msg_hbm.at[pl.ds(base + (c + 1) * CHUNK, CHUNK),
                           pl.ds(0, HW)],
                rows_v.at[np.int32(nb)], lsem[nb])
        loads[c].wait()
        pltpu.sync_copy(rows_v.at[np.int32(b)], agg_sh.at[idx_v.at[np.int32(b)]], add=True)
    plsc.subcore_barrier()
    pltpu.sync_copy(agg_sh.at[pl.ds(sid * RPT, RPT)],
                    agg_hbm.at[pl.ds(cid * N2 + sid * RPT, RPT), pl.ds(0, HW)])


@functools.lru_cache(maxsize=None)
def _sc_kernels():
    mesh = plsc.VectorSubcoreMesh(core_axis_name="c", subcore_axis_name="s")
    cp = pltpu.CompilerParams(use_tc_tiling_on_sc=False)
    gather = pl.kernel(
        _gather_body,
        mesh=mesh,
        compiler_params=cp,
        out_type=jax.ShapeDtypeStruct((E, LW), jnp.float32),
        scratch_types=[
            pltpu.VMEM((2, CHUNK), jnp.int32),
            pltpu.VMEM((2, CHUNK, WD), jnp.float32),
            pltpu.SemaphoreType.DMA,
            pltpu.SemaphoreType.DMA,
            pltpu.SemaphoreType.DMA,
        ],
    )
    scatter = pl.kernel(
        _scatter_body,
        mesh=mesh,
        compiler_params=cp,
        out_type=jax.ShapeDtypeStruct((NC * N2, LW), jnp.float32),
        scratch_types=[
            pltpu.VMEM((2, CHUNK), jnp.int32),
            pltpu.VMEM((2, CHUNK, HW), jnp.float32),
            pltpu.VMEM_SHARED((N2, HW), jnp.float32),
            pltpu.SemaphoreType.DMA,
            pltpu.SemaphoreType.DMA,
        ],
    )
    return gather, scatter


BE = 6400


def _edge_body(xs_ref, eat_ref, rt_ref, tt_ref, m2_ref, dbt_ref, cv_ref,
               msg_ref):
    bf = jnp.bfloat16
    xs = xs_ref[:, :WD].astype(bf)
    arep = lax.dot_general(eat_ref[...].astype(bf), rt_ref[...],
                           (((0,), (0,)), ((), ())),
                           preferred_element_type=jnp.float32).astype(bf)
    xst = jnp.dot(xs, tt_ref[...],
                  preferred_element_type=jnp.float32).astype(bf)
    z = arep * xst
    m33 = (jnp.dot(z, m2_ref[...], preferred_element_type=jnp.float32)
           + jnp.dot(xs, dbt_ref[...], preferred_element_type=jnp.float32)
           + cv_ref[...])
    msg_ref[...] = jnp.concatenate(
        [m33, jnp.zeros((BE, LW - 2 * WD), jnp.float32)], axis=1)


def _tc_edge(xs, eat, rt, tt, m2, dbt, cv):
    return pl.pallas_call(
        _edge_body,
        grid=(E // BE,),
        in_specs=[
            pl.BlockSpec((BE, LW), lambda i: (i, _z(i))),
            pl.BlockSpec((EF, BE), lambda i: (_z(i), i)),
            pl.BlockSpec((EF, EF * WD), lambda i: (_z(i), _z(i))),
            pl.BlockSpec((WD, EF * WD), lambda i: (_z(i), _z(i))),
            pl.BlockSpec((EF * WD, 2 * WD), lambda i: (_z(i), _z(i))),
            pl.BlockSpec((WD, 2 * WD), lambda i: (_z(i), _z(i))),
            pl.BlockSpec((1, 2 * WD), lambda i: (_z(i), _z(i))),
        ],
        out_specs=pl.BlockSpec((BE, LW), lambda i: (i, _z(i))),
        out_shape=jax.ShapeDtypeStruct((E, LW), jnp.float32),
    )(xs, eat, rt, tt, m2, dbt, cv)


BN = 1024


def _fin_body(a0_ref, a1_ref, x_ref, wt_ref, b_ref, out_ref):
    agg = a0_ref[...] + a1_ref[...]
    cnt = agg[:, WD:WD + 1]
    mean = agg / jnp.maximum(cnt, 1.0)
    lin = jnp.dot(x_ref[...], wt_ref[...], preferred_element_type=jnp.float32,
                  precision=lax.Precision.HIGHEST)
    out_ref[...] = jnp.tanh(mean + lin + b_ref[...])


def _tc_finalize(aggp, x, wt, b2):
    nb = N2 // BN
    return pl.pallas_call(
        _fin_body,
        grid=(nb,),
        in_specs=[
            pl.BlockSpec((BN, LW), lambda i: (i, _z(i))),
            pl.BlockSpec((BN, LW), lambda i: (i + nb, _z(i))),
            pl.BlockSpec((BN, LW), lambda i: (i, _z(i))),
            pl.BlockSpec((LW, LW), lambda i: (_z(i), _z(i))),
            pl.BlockSpec((1, LW), lambda i: (_z(i), _z(i))),
        ],
        out_specs=pl.BlockSpec((BN, LW), lambda i: (i, _z(i))),
        out_shape=jax.ShapeDtypeStruct((N2, LW), jnp.float32),
    )(aggp, aggp, x, wt, b2)


def kernel(x, edge_index, edge_attr, dW0, db0, W0, b0, dW1, db1, W1, b1):
    f32 = jnp.float32
    src = edge_index[0].astype(jnp.int32)
    dst = edge_index[1].astype(jnp.int32)
    eat = edge_attr.astype(f32).T
    h = jnp.zeros((N2, LW), f32).at[:N, :WD].set(x.astype(f32))
    zz = jnp.zeros((RPT, HW), f32)

    bf = jnp.bfloat16
    rt = jnp.kron(jnp.eye(EF, dtype=bf), jnp.ones((1, WD), bf))
    tt = jnp.tile(jnp.eye(WD, dtype=bf), (1, EF))
    cv = jnp.zeros((1, 2 * WD), f32).at[0, WD].set(1.0)

    for dW, db, W, b in ((dW0, db0, W0, b0), (dW1, db1, W1, b1)):
        m2 = jnp.zeros((EF * WD, 2 * WD), bf).at[:, :WD].set(
            jnp.transpose(dW.astype(bf).reshape(EF, WD, WD),
                          (0, 2, 1)).reshape(EF * WD, WD))
        dbt = jnp.zeros((WD, 2 * WD), bf).at[:, :WD].set(
            db.astype(bf).reshape(WD, WD).T)
        wt = jnp.zeros((LW, LW), f32).at[:WD, :WD].set(W.astype(f32).T)
        b2 = jnp.zeros((1, LW), f32).at[0, :WD].set(b.astype(f32))

        sc_gather, sc_scatter = _sc_kernels()
        xs = sc_gather(h[:, :WD], src)
        msg = _tc_edge(xs, eat, rt, tt, m2, dbt, cv)
        aggp = sc_scatter(msg, dst, zz)
        h = _tc_finalize(aggp, h, wt, b2)
    return h[:N, :WD].astype(jnp.float64)

# --- scband reference (transcript-rebuilt; emitter-appended) ---
"""Pipeline reference for scband-graph-neural-kernel-47330539602121 (READ-ONLY COPY).

The authoritative reference and input builder live on the scoring server;
editing this copy changes nothing except your own understanding.
"""

import jax, jax.numpy as jnp
import numpy as np
jax.config.update("jax_enable_x64", True)

N = 10000
E = 160000
WD = 32
EF = 16


def setup_inputs(seed: int = 0) -> dict:
    key = jax.random.key(seed)
    ks = jax.random.split(key, 11)
    x = jax.random.normal(ks[0], (N, WD), dtype=jnp.float32)
    edge_index = jax.random.randint(ks[1], (2, E), 0, N, dtype=jnp.int64)
    edge_attr = jax.random.uniform(ks[2], (E, EF), dtype=jnp.float32)

    def lin(k, fan_in, shape):
        return (jax.random.uniform(k, shape, dtype=jnp.float32) * 2.0 - 1.0) / np.sqrt(fan_in)

    inp = {"x": x, "edge_index": edge_index, "edge_attr": edge_attr}
    for l in range(2):
        inp[f"dW{l}"] = lin(ks[3 + 4 * l], EF, (EF, WD * WD))
        inp[f"db{l}"] = lin(ks[4 + 4 * l], EF, (WD * WD,))
        inp[f"W{l}"] = lin(ks[5 + 4 * l], WD, (WD, WD))
        inp[f"b{l}"] = lin(ks[6 + 4 * l], WD, (WD,))
    return inp


def _gno_layer(x, edge_index, edge_attr, dW, db, Wl, bl):
    # GNOBlock (PINA graph neural operator layer):
    #   kernel k(e) = dense(edge_attr), a Linear(edge_features -> width^2) since internal_n_layers=0
    #   message     = k(e) @ x_src   (per-edge matvec)
    #   aggregate   = mean over incoming edges at dst
    #   update      = tanh(aggr + W @ x + b)
    src = edge_index[0]
    dst = edge_index[1]
    kmat = (edge_attr @ dW + db).reshape(-1, WD, WD)
    msg = jnp.einsum('eij,ej->ei', kmat, x[src])
    agg = jax.ops.segment_sum(msg, dst, num_segments=N)
    cnt = jax.ops.segment_sum(jnp.ones((E,), jnp.float32), dst, num_segments=N)
    mean = agg / jnp.clip(cnt, 1.0)[:, None]
    return jnp.tanh(mean + x @ Wl.T + bl)


def reference(x, edge_index, edge_attr, dW0, db0, W0, b0, dW1, db1, W1, b1):
    # GraphNeuralKernel with shared_weights=False, n_layers=2: two independent GNOBlocks in sequence
    x = _gno_layer(x, edge_index, edge_attr, dW0, db0, W0, b0)
    x = _gno_layer(x, edge_index, edge_attr, dW1, db1, W1, b1)
    return x

if __name__ == "__main__":
    import jax
    _d = setup_inputs()
    print(jax.jit(kernel)(*tuple(_d.values())))

</pallas_src>

<mosaic_0001>
#map = affine_map<(d0, d1) -> (0, 0)>
#map1 = affine_map<(d0, d1) -> (0)>
module attributes {stable_mosaic.version = 14 : i64} {
  func.func @_gather_body(%arg0: i32, %arg1: i32, %arg2: memref<10240x32xf32, #tpu.memory_space<hbm>>, %arg3: memref<160000xi32, #tpu.memory_space<hbm>>, %arg4: memref<160000x128xf32, #tpu.memory_space<hbm>>, %arg5: memref<2x1000xi32, #tpu.memory_space<vmem>>, %arg6: memref<2x1000x32xf32, #tpu.memory_space<vmem>>, %arg7: memref<!tpu.dma_semaphore, #tpu.memory_space<semaphore_mem>>, %arg8: memref<!tpu.dma_semaphore, #tpu.memory_space<semaphore_mem>>, %arg9: memref<!tpu.dma_semaphore, #tpu.memory_space<semaphore_mem>>) attributes {dimension_semantics = [#tpu.dimension_semantics<core_parallel>, #tpu.dimension_semantics<subcore_parallel>], iteration_bounds = array<i64: 2, 16>, scalar_prefetch = 0 : i64, scratch_operands = 5 : i64, tpu.core_type = #tpu.core_type<sc_vector_subcore>, window_params = [{transform_indices = #map}, {transform_indices = #map1}, {transform_indices = #map}]} {
    %mul3A = arith.constant 16 : i32
    %mul3A_0 = arith.muli %arg0, %mul3A : i32
    %add3A = arith.addi %mul3A_0, %arg1 : i32
    %mul3A_1 = arith.constant 5000 : i32
    %mul3A_2 = arith.muli %add3A, %mul3A_1 : i32
    %run_scoped3A = arith.constant 0 : i32
    "tpu.region"() ({
      %run_scoped3A_273 = tpu.sem_alloc : memref<!tpu.dma_semaphore, #tpu.memory_space<semaphore_mem>>
      %dma_start3A_274 = arith.constant 0 : i32
      %dma_start3A_275 = tpu.memref_slice %arg5[%run_scoped3A, %dma_start3A_274] : memref<2x1000xi32, #tpu.memory_space<vmem>> -> memref<1x1000xi32, #tpu.memory_space<vmem>>
      %dma_start3A_276 = tpu.memref_squeeze %dma_start3A_275 : memref<1x1000xi32, #tpu.memory_space<vmem>> -> memref<1000xi32, #tpu.memory_space<vmem>>
      %dma_start3A_277 = tpu.memref_slice %arg3[%mul3A_2] : memref<160000xi32, #tpu.memory_space<hbm>> -> memref<1000xi32, #tpu.memory_space<hbm>>
      %dma_start3A_278 = arith.constant 0 : i32
      %dma_start3A_279 = tpu.memref_slice %arg5[%run_scoped3A, %dma_start3A_278] : memref<2x1000xi32, #tpu.memory_space<vmem>> -> memref<1x1000xi32, #tpu.memory_space<vmem>>
      %dma_start3A_280 = tpu.memref_squeeze %dma_start3A_279 : memref<1x1000xi32, #tpu.memory_space<vmem>> -> memref<1000xi32, #tpu.memory_space<vmem>>
      %dma_start3A_281 = tpu.memref_slice %arg3[%mul3A_2] : memref<160000xi32, #tpu.memory_space<hbm>> -> memref<1000xi32, #tpu.memory_space<hbm>>
      tpu.enqueue_dma source(%dma_start3A_281 : memref<1000xi32, #tpu.memory_space<hbm>>) target(%dma_start3A_280 : memref<1000xi32, #tpu.memory_space<vmem>>) target_semaphore(%run_scoped3A_273 : memref<!tpu.dma_semaphore, #tpu.memory_space<semaphore_mem>>)
      %dma_wait3A_282 = arith.constant 0 : i32
      %dma_wait3A_283 = tpu.memref_slice %arg5[%run_scoped3A, %dma_wait3A_282] : memref<2x1000xi32, #tpu.memory_space<vmem>> -> memref<1x1000xi32, #tpu.memory_space<vmem>>
      %dma_wait3A_284 = tpu.memref_squeeze %dma_wait3A_283 : memref<1x1000xi32, #tpu.memory_space<vmem>> -> memref<1000xi32, #tpu.memory_space<vmem>>
      %dma_wait3A_285 = tpu.memref_slice %arg3[%mul3A_2] : memref<160000xi32, #tpu.memory_space<hbm>> -> memref<1000xi32, #tpu.memory_space<hbm>>
      %dma_wait3A_286 = arith.constant 0 : i32
      %dma_wait3A_287 = tpu.memref_slice %arg5[%run_scoped3A, %dma_wait3A_286] : memref<2x1000xi32, #tpu.memory_space<vmem>> -> memref<1x1000xi32, #tpu.memory_space<vmem>>
      %dma_wait3A_288 = tpu.memref_squeeze %dma_wait3A_287 : memref<1x1000xi32, #tpu.memory_space<vmem>> -> memref<1000xi32, #tpu.memory_space<vmem>>
      %dma_wait3A_289 = tpu.memref_slice %arg3[%mul3A_2] : memref<160000xi32, #tpu.memory_space<hbm>> -> memref<1000xi32, #tpu.memory_space<hbm>>
      tpu.wait_dma2 semaphore(%run_scoped3A_273 : memref<!tpu.dma_semaphore, #tpu.memory_space<semaphore_mem>>) src(%dma_wait3A_289 : memref<1000xi32, #tpu.memory_space<hbm>>) dst(%dma_wait3A_288 : memref<1000xi32, #tpu.memory_space<vmem>>)
      tpu.yield
    }) : () -> ()
    %dma_start3A = arith.constant 0 : i32
    %dma_start3A_3 = arith.constant 0 : i32
    %dma_start3A_4 = arith.constant 0 : i32
    %dma_start3A_5 = arith.constant 0 : i32
    %dma_start3A_6 = tpu.memref_slice %arg6[%dma_start3A_3, %dma_start3A_4, %dma_start3A_5] : memref<2x1000x32xf32, #tpu.memory_space<vmem>> -> memref<1x1000x32xf32, #tpu.memory_space<vmem>>
    %dma_start3A_7 = tpu.memref_squeeze %dma_start3A_6 : memref<1x1000x32xf32, #tpu.memory_space<vmem>> -> memref<1000x32xf32, #tpu.memory_space<vmem>>
    %dma_start3A_8 = arith.constant 0 : i32
    %dma_start3A_9 = tpu.memref_slice %arg5[%dma_start3A, %dma_start3A_8] : memref<2x1000xi32, #tpu.memory_space<vmem>> -> memref<1x1000xi32, #tpu.memory_space<vmem>>
    %dma_start3A_10 = tpu.memref_squeeze %dma_start3A_9 : memref<1x1000xi32, #tpu.memory_space<vmem>> -> memref<1000xi32, #tpu.memory_space<vmem>>
    %dma_start3A_11 = arith.constant 0 : i32
    %dma_start3A_12 = arith.constant 0 : i32
    %dma_start3A_13 = tpu.memref_slice %arg2[%dma_start3A_11, %dma_start3A_12] : memref<10240x32xf32, #tpu.memory_space<hbm>> -> memref<10240x32xf32, #tpu.memory_space<hbm>>
    tpu.enqueue_indirect_dma source(%dma_start3A_13 : memref<10240x32xf32, #tpu.memory_space<hbm>>) target(%dma_start3A_7 : memref<1000x32xf32, #tpu.memory_space<vmem>>) offsets(%dma_start3A_10 : memref<1000xi32, #tpu.memory_space<vmem>>) semaphore(%arg7 : memref<!tpu.dma_semaphore, #tpu.memory_space<semaphore_mem>>)
    %add3A_14 = arith.constant 1000 : i32
    %add3A_15 = arith.addi %mul3A_2, %add3A_14 : i32
    %run_scoped3A_16 = arith.constant 1 : i32
    "tpu.region"() ({
      %run_scoped3A_273 = tpu.sem_alloc : memref<!tpu.dma_semaphore, #tpu.memory_space<semaphore_mem>>
      %dma_start3A_274 = arith.constant 0 : i32
      %dma_start3A_275 = tpu.memref_slice %arg5[%run_scoped3A_16, %dma_start3A_274] : memref<2x1000xi32, #tpu.memory_space<vmem>> -> memref<1x1000xi32, #tpu.memory_space<vmem>>
      %dma_start3A_276 = tpu.memref_squeeze %dma_start3A_275 : memref<1x1000xi32, #tpu.memory_space<vmem>> -> memref<1000xi32, #tpu.memory_space<vmem>>
      %dma_start3A_277 = tpu.memref_slice %arg3[%add3A_15] : memref<160000xi32, #tpu.memory_space<hbm>> -> memref<1000xi32, #tpu.memory_space<hbm>>
      %dma_start3A_278 = arith.constant 0 : i32
      %dma_start3A_279 = tpu.memref_slice %arg5[%run_scoped3A_16, %dma_start3A_278] : memref<2x1000xi32, #tpu.memory_space<vmem>> -> memref<1x1000xi32, #tpu.memory_space<vmem>>
      %dma_start3A_280 = tpu.memref_squeeze %dma_start3A_279 : memref<1x1000xi32, #tpu.memory_space<vmem>> -> memref<1000xi32, #tpu.memory_space<vmem>>
      %dma_start3A_281 = tpu.memref_slice %arg3[%add3A_15] : memref<160000xi32, #tpu.memory_space<hbm>> -> memref<1000xi32, #tpu.memory_space<hbm>>
      tpu.enqueue_dma source(%dma_start3A_281 : memref<1000xi32, #tpu.memory_space<hbm>>) target(%dma_start3A_280 : memref<1000xi32, #tpu.memory_space<vmem>>) target_semaphore(%run_scoped3A_273 : memref<!tpu.dma_semaphore, #tpu.memory_space<semaphore_mem>>)
      %dma_wait3A_282 = arith.constant 0 : i32
      %dma_wait3A_283 = tpu.memref_slice %arg5[%run_scoped3A_16, %dma_wait3A_282] : memref<2x1000xi32, #tpu.memory_space<vmem>> -> memref<1x1000xi32, #tpu.memory_space<vmem>>
      %dma_wait3A_284 = tpu.memref_squeeze %dma_wait3A_283 : memref<1x1000xi32, #tpu.memory_space<vmem>> -> memref<1000xi32, #tpu.memory_space<vmem>>
      %dma_wait3A_285 = tpu.memref_slice %arg3[%add3A_15] : memref<160000xi32, #tpu.memory_space<hbm>> -> memref<1000xi32, #tpu.memory_space<hbm>>
      %dma_wait3A_286 = arith.constant 0 : i32
      %dma_wait3A_287 = tpu.memref_slice %arg5[%run_scoped3A_16, %dma_wait3A_286] : memref<2x1000xi32, #tpu.memory_space<vmem>> -> memref<1x1000xi32, #tpu.memory_space<vmem>>
      %dma_wait3A_288 = tpu.memref_squeeze %dma_wait3A_287 : memref<1x1000xi32, #tpu.memory_space<vmem>> -> memref<1000xi32, #tpu.memory_space<vmem>>
      %dma_wait3A_289 = tpu.memref_slice %arg3[%add3A_15] : memref<160000xi32, #tpu.memory_space<hbm>> -> memref<1000xi32, #tpu.memory_space<hbm>>
      tpu.wait_dma2 semaphore(%run_scoped3A_273 : memref<!tpu.dma_semaphore, #tpu.memory_space<semaphore_mem>>) src(%dma_wait3A_289 : memref<1000xi32, #tpu.memory_space<hbm>>) dst(%dma_wait3A_288 : memref<1000xi32, #tpu.memory_space<vmem>>)
      tpu.yield
    }) : () -> ()
    %dma_wait3A = arith.constant 0 : i32
    %dma_wait3A_17 = arith.constant 0 : i32
    %dma_wait3A_18 = arith.constant 0 : i32
    %dma_wait3A_19 = arith.constant 0 : i32
    %dma_wait3A_20 = tpu.memref_slice %arg6[%dma_wait3A_17, %dma_wait3A_18, %dma_wait3A_19] : memref<2x1000x32xf32, #tpu.memory_space<vmem>> -> memref<1x1000x32xf32, #tpu.memory_space<vmem>>
    %dma_wait3A_21 = tpu.memref_squeeze %dma_wait3A_20 : memref<1x1000x32xf32, #tpu.memory_space<vmem>> -> memref<1000x32xf32, #tpu.memory_space<vmem>>
    %dma_wait3A_22 = arith.constant 0 : i32
    %dma_wait3A_23 = tpu.memref_slice %arg5[%dma_wait3A, %dma_wait3A_22] : memref<2x1000xi32, #tpu.memory_space<vmem>> -> memref<1x1000xi32, #tpu.memory_space<vmem>>
    %dma_wait3A_24 = tpu.memref_squeeze %dma_wait3A_23 : memref<1x1000xi32, #tpu.memory_space<vmem>> -> memref<1000xi32, #tpu.memory_space<vmem>>
    %dma_wait3A_25 = arith.constant 0 : i32
    %dma_wait3A_26 = arith.constant 0 : i32
    %dma_wait3A_27 = tpu.memref_slice %arg2[%dma_wait3A_25, %dma_wait3A_26] : memref<10240x32xf32, #tpu.memory_space<hbm>> -> memref<10240x32xf32, #tpu.memory_space<hbm>>
    tpu.wait_indirect_dma semaphore(%arg7 : memref<!tpu.dma_semaphore, #tpu.memory_space<semaphore_mem>>) src(%dma_wait3A_27 : memref<10240x32xf32, #tpu.memory_space<hbm>>) dst(%dma_wait3A_21 : memref<1000x32xf32, #tpu.memory_space<vmem>>)
    %add3A_28 = arith.constant 0 : i32
    %add3A_29 = arith.addi %mul3A_2, %add3A_28 : i32
    %dma_start3A_30 = arith.constant 0 : i32
    %dma_start3A_31 = arith.constant 0 : i32
    %dma_start3A_32 = arith.constant 0 : i32
    %dma_start3A_33 = tpu.memref_slice %arg6[%dma_start3A_30, %dma_start3A_31, %dma_start3A_32] : memref<2x1000x32xf32, #tpu.memory_space<vmem>> -> memref<1x1000x32xf32, #tpu.memory_space<vmem>>
    %dma_start3A_34 = tpu.memref_squeeze %dma_start3A_33 : memref<1x1000x32xf32, #tpu.memory_space<vmem>> -> memref<1000x32xf32, #tpu.memory_space<vmem>>
    %dma_start3A_35 = arith.constant 0 : i32
    %dma_start3A_36 = tpu.memref_slice %arg4[%add3A_29, %dma_start3A_35] : memref<160000x128xf32, #tpu.memory_space<hbm>> -> memref<1000x32xf32, #tpu.memory_space<hbm>>
    %dma_start3A_37 = arith.constant 0 : i32
    %dma_start3A_38 = tpu.memref_slice %arg4[%add3A_29, %dma_start3A_37] : memref<160000x128xf32, #tpu.memory_space<hbm>> -> memref<1000x32xf32, #tpu.memory_space<hbm>>
    %dma_start3A_39 = arith.constant 0 : i32
    %dma_start3A_40 = arith.constant 0 : i32
    %dma_start3A_41 = tpu.memref_slice %arg6[%dma_start3A_30, %dma_start3A_39, %dma_start3A_40] : memref<2x1000x32xf32, #tpu.memory_space<vmem>> -> memref<1x1000x32xf32, #tpu.memory_space<vmem>>
    %dma_start3A_42 = tpu.memref_squeeze %dma_start3A_41 : memref<1x1000x32xf32, #tpu.memory_space<vmem>> -> memref<1000x32xf32, #tpu.memory_space<vmem>>
    tpu.enqueue_dma source(%dma_start3A_42 : memref<1000x32xf32, #tpu.memory_space<vmem>>) target(%dma_start3A_38 : memref<1000x32xf32, #tpu.memory_space<hbm>>) target_semaphore(%arg8 : memref<!tpu.dma_semaphore, #tpu.memory_space<semaphore_mem>>)
    %dma_start3A_43 = arith.constant 1 : i32
    %dma_start3A_44 = arith.constant 1 : i32
    %dma_start3A_45 = arith.constant 0 : i32
    %dma_start3A_46 = arith.constant 0 : i32
    %dma_start3A_47 = tpu.memref_slice %arg6[%dma_start3A_44, %dma_start3A_45, %dma_start3A_46] : memref<2x1000x32xf32, #tpu.memory_space<vmem>> -> memref<1x1000x32xf32, #tpu.memory_space<vmem>>
    %dma_start3A_48 = tpu.memref_squeeze %dma_start3A_47 : memref<1x1000x32xf32, #tpu.memory_space<vmem>> -> memref<1000x32xf32, #tpu.memory_space<vmem>>
    %dma_start3A_49 = arith.constant 0 : i32
    %dma_start3A_50 = tpu.memref_slice %arg5[%dma_start3A_43, %dma_start3A_49] : memref<2x1000xi32, #tpu.memory_space<vmem>> -> memref<1x1000xi32, #tpu.memory_space<vmem>>
    %dma_start3A_51 = tpu.memref_squeeze %dma_start3A_50 : memref<1x1000xi32, #tpu.memory_space<vmem>> -> memref<1000xi32, #tpu.memory_space<vmem>>
    %dma_start3A_52 = arith.constant 0 : i32
    %dma_start3A_53 = arith.constant 0 : i32
    %dma_start3A_54 = tpu.memref_slice %arg2[%dma_start3A_52, %dma_start3A_53] : memref<10240x32xf32, #tpu.memory_space<hbm>> -> memref<10240x32xf32, #tpu.memory_space<hbm>>
    tpu.enqueue_indirect_dma source(%dma_start3A_54 : memref<10240x32xf32, #tpu.memory_space<hbm>>) target(%dma_start3A_48 : memref<1000x32xf32, #tpu.memory_space<vmem>>) offsets(%dma_start3A_51 : memref<1000xi32, #tpu.memory_space<vmem>>) semaphore(%arg7 : memref<!tpu.dma_semaphore, #tpu.memory_space<semaphore_mem>>)
    %add3A_55 = arith.constant 2000 : i32
    %add3A_56 = arith.addi %mul3A_2, %add3A_55 : i32
    %run_scoped3A_57 = arith.constant 0 : i32
    "tpu.region"() ({
      %run_scoped3A_273 = tpu.sem_alloc : memref<!tpu.dma_semaphore, #tpu.memory_space<semaphore_mem>>
      %dma_start3A_274 = arith.constant 0 : i32
      %dma_start3A_275 = tpu.memref_slice %arg5[%run_scoped3A_57, %dma_start3A_274] : memref<2x1000xi32, #tpu.memory_space<vmem>> -> memref<1x1000xi32, #tpu.memory_space<vmem>>
      %dma_start3A_276 = tpu.memref_squeeze %dma_start3A_275 : memref<1x1000xi32, #tpu.memory_space<vmem>> -> memref<1000xi32, #tpu.memory_space<vmem>>
      %dma_start3A_277 = tpu.memref_slice %arg3[%add3A_56] : memref<160000xi32, #tpu.memory_space<hbm>> -> memref<1000xi32, #tpu.memory_space<hbm>>
      %dma_start3A_278 = arith.constant 0 : i32
      %dma_start3A_279 = tpu.memref_slice %arg5[%run_scoped3A_57, %dma_start3A_278] : memref<2x1000xi32, #tpu.memory_space<vmem>> -> memref<1x1000xi32, #tpu.memory_space<vmem>>
      %dma_start3A_280 = tpu.memref_squeeze %dma_start3A_279 : memref<1x1000xi32, #tpu.memory_space<vmem>> -> memref<1000xi32, #tpu.memory_space<vmem>>
      %dma_start3A_281 = tpu.memref_slice %arg3[%add3A_56] : memref<160000xi32, #tpu.memory_space<hbm>> -> memref<1000xi32, #tpu.memory_space<hbm>>
      tpu.enqueue_dma source(%dma_start3A_281 : memref<1000xi32, #tpu.memory_space<hbm>>) target(%dma_start3A_280 : memref<1000xi32, #tpu.memory_space<vmem>>) target_semaphore(%run_scoped3A_273 : memref<!tpu.dma_semaphore, #tpu.memory_space<semaphore_mem>>)
      %dma_wait3A_282 = arith.constant 0 : i32
      %dma_wait3A_283 = tpu.memref_slice %arg5[%run_scoped3A_57, %dma_wait3A_282] : memref<2x1000xi32, #tpu.memory_space<vmem>> -> memref<1x1000xi32, #tpu.memory_space<vmem>>
      %dma_wait3A_284 = tpu.memref_squeeze %dma_wait3A_283 : memref<1x1000xi32, #tpu.memory_space<vmem>> -> memref<1000xi32, #tpu.memory_space<vmem>>
      %dma_wait3A_285 = tpu.memref_slice %arg3[%add3A_56] : memref<160000xi32, #tpu.memory_space<hbm>> -> memref<1000xi32, #tpu.memory_space<hbm>>
      %dma_wait3A_286 = arith.constant 0 : i32
      %dma_wait3A_287 = tpu.memref_slice %arg5[%run_scoped3A_57, %dma_wait3A_286] : memref<2x1000xi32, #tpu.memory_space<vmem>> -> memref<1x1000xi32, #tpu.memory_space<vmem>>
      %dma_wait3A_288 = tpu.memref_squeeze %dma_wait3A_287 : memref<1x1000xi32, #tpu.memory_space<vmem>> -> memref<1000xi32, #tpu.memory_space<vmem>>
      %dma_wait3A_289 = tpu.memref_slice %arg3[%add3A_56] : memref<160000xi32, #tpu.memory_space<hbm>> -> memref<1000xi32, #tpu.memory_space<hbm>>
      tpu.wait_dma2 semaphore(%run_scoped3A_273 : memref<!tpu.dma_semaphore, #tpu.memory_space<semaphore_mem>>) src(%dma_wait3A_289 : memref<1000xi32, #tpu.memory_space<hbm>>) dst(%dma_wait3A_288 : memref<1000xi32, #tpu.memory_space<vmem>>)
      tpu.yield
    }) : () -> ()
    %dma_wait3A_58 = arith.constant 1 : i32
    %dma_wait3A_59 = arith.constant 1 : i32
    %dma_wait3A_60 = arith.constant 0 : i32
    %dma_wait3A_61 = arith.constant 0 : i32
    %dma_wait3A_62 = tpu.memref_slice %arg6[%dma_wait3A_59, %dma_wait3A_60, %dma_wait3A_61] : memref<2x1000x32xf32, #tpu.memory_space<vmem>> -> memref<1x1000x32xf32, #tpu.memory_space<vmem>>
    %dma_wait3A_63 = tpu.memref_squeeze %dma_wait3A_62 : memref<1x1000x32xf32, #tpu.memory_space<vmem>> -> memref<1000x32xf32, #tpu.memory_space<vmem>>
    %dma_wait3A_64 = arith.constant 0 : i32
    %dma_wait3A_65 = tpu.memref_slice %arg5[%dma_wait3A_58, %dma_wait3A_64] : memref<2x1000xi32, #tpu.memory_space<vmem>> -> memref<1x1000xi32, #tpu.memory_space<vmem>>
    %dma_wait3A_66 = tpu.memref_squeeze %dma_wait3A_65 : memref<1x1000xi32, #tpu.memory_space<vmem>> -> memref<1000xi32, #tpu.memory_space<vmem>>
    %dma_wait3A_67 = arith.constant 0 : i32
    %dma_wait3A_68 = arith.constant 0 : i32
    %dma_wait3A_69 = tpu.memref_slice %arg2[%dma_wait3A_67, %dma_wait3A_68] : memref<10240x32xf32, #tpu.memory_space<hbm>> -> memref<10240x32xf32, #tpu.memory_space<hbm>>
    tpu.wait_indirect_dma semaphore(%arg7 : memref<!tpu.dma_semaphore, #tpu.memory_space<semaphore_mem>>) src(%dma_wait3A_69 : memref<10240x32xf32, #tpu.memory_space<hbm>>) dst(%dma_wait3A_63 : memref<1000x32xf32, #tpu.memory_space<vmem>>)
    %add3A_70 = arith.constant 1000 : i32
    %add3A_71 = arith.addi %mul3A_2, %add3A_70 : i32
    %dma_start3A_72 = arith.constant 1 : i32
    %dma_start3A_73 = arith.constant 0 : i32
    %dma_start3A_74 = arith.constant 0 : i32
    %dma_start3A_75 = tpu.memref_slice %arg6[%dma_start3A_72, %dma_start3A_73, %dma_start3A_74] : memref<2x1000x32xf32, #tpu.memory_space<vmem>> -> memref<1x1000x32xf32, #tpu.memory_space<vmem>>
    %dma_start3A_76 = tpu.memref_squeeze %dma_start3A_75 : memref<1x1000x32xf32, #tpu.memory_space<vmem>> -> memref<1000x32xf32, #tpu.memory_space<vmem>>
    %dma_start3A_77 = arith.constant 0 : i32
    %dma_start3A_78 = tpu.memref_slice %arg4[%add3A_71, %dma_start3A_77] : memref<160000x128xf32, #tpu.memory_space<hbm>> -> memref<1000x32xf32, #tpu.memory_space<hbm>>
    %dma_start3A_79 = arith.constant 0 : i32
    %dma_start3A_80 = tpu.memref_slice %arg4[%add3A_71, %dma_start3A_79] : memref<160000x128xf32, #tpu.memory_space<hbm>> -> memref<1000x32xf32, #tpu.memory_space<hbm>>
    %dma_start3A_81 = arith.constant 0 : i32
    %dma_start3A_82 = arith.constant 0 : i32
    %dma_start3A_83 = tpu.memref_slice %arg6[%dma_start3A_72, %dma_start3A_81, %dma_start3A_82] : memref<2x1000x32xf32, #tpu.memory_space<vmem>> -> memref<1x1000x32xf32, #tpu.memory_space<vmem>>
    %dma_start3A_84 = tpu.memref_squeeze %dma_start3A_83 : memref<1x1000x32xf32, #tpu.memory_space<vmem>> -> memref<1000x32xf32, #tpu.memory_space<vmem>>
    tpu.enqueue_dma source(%dma_start3A_84 : memref<1000x32xf32, #tpu.memory_space<vmem>>) target(%dma_start3A_80 : memref<1000x32xf32, #tpu.memory_space<hbm>>) target_semaphore(%arg9 : memref<!tpu.dma_semaphore, #tpu.memory_space<semaphore_mem>>)
    %dma_wait3A_85 = arith.constant 0 : i32
    %dma_wait3A_86 = arith.constant 0 : i32
    %dma_wait3A_87 = arith.constant 0 : i32
    %dma_wait3A_88 = tpu.memref_slice %arg6[%dma_wait3A_85, %dma_wait3A_86, %dma_wait3A_87] : memref<2x1000x32xf32, #tpu.memory_space<vmem>> -> memref<1x1000x32xf32, #tpu.memory_space<vmem>>
    %dma_wait3A_89 = tpu.memref_squeeze %dma_wait3A_88 : memref<1x1000x32xf32, #tpu.memory_space<vmem>> -> memref<1000x32xf32, #tpu.memory_space<vmem>>
    %dma_wait3A_90 = arith.constant 0 : i32
    %dma_wait3A_91 = tpu.memref_slice %arg4[%add3A_29, %dma_wait3A_90] : memref<160000x128xf32, #tpu.memory_space<hbm>> -> memref<1000x32xf32, #tpu.memory_space<hbm>>
    %dma_wait3A_92 = arith.constant 0 : i32
    %dma_wait3A_93 = tpu.memref_slice %arg4[%add3A_29, %dma_wait3A_92] : memref<160000x128xf32, #tpu.memory_space<hbm>> -> memref<1000x32xf32, #tpu.memory_space<hbm>>
    %dma_wait3A_94 = arith.constant 0 : i32
    %dma_wait3A_95 = arith.constant 0 : i32
    %dma_wait3A_96 = tpu.memref_slice %arg6[%dma_wait3A_85, %dma_wait3A_94, %dma_wait3A_95] : memref<2x1000x32xf32, #tpu.memory_space<vmem>> -> memref<1x1000x32xf32, #tpu.memory_space<vmem>>
    %dma_wait3A_97 = tpu.memref_squeeze %dma_wait3A_96 : memref<1x1000x32xf32, #tpu.memory_space<vmem>> -> memref<1000x32xf32, #tpu.memory_space<vmem>>
    tpu.wait_dma2 semaphore(%arg8 : memref<!tpu.dma_semaphore, #tpu.memory_space<semaphore_mem>>) src(%dma_wait3A_97 : memref<1000x32xf32, #tpu.memory_space<vmem>>) dst(%dma_wait3A_93 : memref<1000x32xf32, #tpu.memory_space<hbm>>)
    %dma_start3A_98 = arith.constant 0 : i32
    %dma_start3A_99 = arith.constant 0 : i32
    %dma_start3A_100 = arith.constant 0 : i32
    %dma_start3A_101 = arith.constant 0 : i32
    %dma_start3A_102 = tpu.memref_slice %arg6[%dma_start3A_99, %dma_start3A_100, %dma_start3A_101] : memref<2x1000x32xf32, #tpu.memory_space<vmem>> -> memref<1x1000x32xf32, #tpu.memory_space<vmem>>
    %dma_start3A_103 = tpu.memref_squeeze %dma_start3A_102 : memref<1x1000x32xf32, #tpu.memory_space<vmem>> -> memref<1000x32xf32, #tpu.memory_space<vmem>>
    %dma_start3A_104 = arith.constant 0 : i32
    %dma_start3A_105 = tpu.memref_slice %arg5[%dma_start3A_98, %dma_start3A_104] : memref<2x1000xi32, #tpu.memory_space<vmem>> -> memref<1x1000xi32, #tpu.memory_space<vmem>>
    %dma_start3A_106 = tpu.memref_squeeze %dma_start3A_105 : memref<1x1000xi32, #tpu.memory_space<vmem>> -> memref<1000xi32, #tpu.memory_space<vmem>>
    %dma_start3A_107 = arith.constant 0 : i32
    %dma_start3A_108 = arith.constant 0 : i32
    %dma_start3A_109 = tpu.memref_slice %arg2[%dma_start3A_107, %dma_start3A_108] : memref<10240x32xf32, #tpu.memory_space<hbm>> -> memref<10240x32xf32, #tpu.memory_space<hbm>>
    tpu.enqueue_indirect_dma source(%dma_start3A_109 : memref<10240x32xf32, #tpu.memory_space<hbm>>) target(%dma_start3A_103 : memref<1000x32xf32, #tpu.memory_space<vmem>>) offsets(%dma_start3A_106 : memref<1000xi32, #tpu.memory_space<vmem>>) semaphore(%arg7 : memref<!tpu.dma_semaphore, #tpu.memory_space<semaphore_mem>>)
    %add3A_110 = arith.constant 3000 : i32
    %add3A_111 = arith.addi %mul3A_2, %add3A_110 : i32
    %run_scoped3A_112 = arith.constant 1 : i32
    "tpu.region"() ({
      %run_scoped3A_273 = tpu.sem_alloc : memref<!tpu.dma_semaphore, #tpu.memory_space<semaphore_mem>>
      %dma_start3A_274 = arith.constant 0 : i32
      %dma_start3A_275 = tpu.memref_slice %arg5[%run_scoped3A_112, %dma_start3A_274] : memref<2x1000xi32, #tpu.memory_space<vmem>> -> memref<1x1000xi32, #tpu.memory_space<vmem>>
      %dma_start3A_276 = tpu.memref_squeeze %dma_start3A_275 : memref<1x1000xi32, #tpu.memory_space<vmem>> -> memref<1000xi32, #tpu.memory_space<vmem>>
      %dma_start3A_277 = tpu.memref_slice %arg3[%add3A_111] : memref<160000xi32, #tpu.memory_space<hbm>> -> memref<1000xi32, #tpu.memory_space<hbm>>
      %dma_start3A_278 = arith.constant 0 : i32
      %dma_start3A_279 = tpu.memref_slice %arg5[%run_scoped3A_112, %dma_start3A_278] : memref<2x1000xi32, #tpu.memory_space<vmem>> -> memref<1x1000xi32, #tpu.memory_space<vmem>>
      %dma_start3A_280 = tpu.memref_squeeze %dma_start3A_279 : memref<1x1000xi32, #tpu.memory_space<vmem>> -> memref<1000xi32, #tpu.memory_space<vmem>>
      %dma_start3A_281 = tpu.memref_slice %arg3[%add3A_111] : memref<160000xi32, #tpu.memory_space<hbm>> -> memref<1000xi32, #tpu.memory_space<hbm>>
      tpu.enqueue_dma source(%dma_start3A_281 : memref<1000xi32, #tpu.memory_space<hbm>>) target(%dma_start3A_280 : memref<1000xi32, #tpu.memory_space<vmem>>) target_semaphore(%run_scoped3A_273 : memref<!tpu.dma_semaphore, #tpu.memory_space<semaphore_mem>>)
      %dma_wait3A_282 = arith.constant 0 : i32
      %dma_wait3A_283 = tpu.memref_slice %arg5[%run_scoped3A_112, %dma_wait3A_282] : memref<2x1000xi32, #tpu.memory_space<vmem>> -> memref<1x1000xi32, #tpu.memory_space<vmem>>
      %dma_wait3A_284 = tpu.memref_squeeze %dma_wait3A_283 : memref<1x1000xi32, #tpu.memory_space<vmem>> -> memref<1000xi32, #tpu.memory_space<vmem>>
      %dma_wait3A_285 = tpu.memref_slice %arg3[%add3A_111] : memref<160000xi32, #tpu.memory_space<hbm>> -> memref<1000xi32, #tpu.memory_space<hbm>>
      %dma_wait3A_286 = arith.constant 0 : i32
      %dma_wait3A_287 = tpu.memref_slice %arg5[%run_scoped3A_112, %dma_wait3A_286] : memref<2x1000xi32, #tpu.memory_space<vmem>> -> memref<1x1000xi32, #tpu.memory_space<vmem>>
      %dma_wait3A_288 = tpu.memref_squeeze %dma_wait3A_287 : memref<1x1000xi32, #tpu.memory_space<vmem>> -> memref<1000xi32, #tpu.memory_space<vmem>>
      %dma_wait3A_289 = tpu.memref_slice %arg3[%add3A_111] : memref<160000xi32, #tpu.memory_space<hbm>> -> memref<1000xi32, #tpu.memory_space<hbm>>
      tpu.wait_dma2 semaphore(%run_scoped3A_273 : memref<!tpu.dma_semaphore, #tpu.memory_space<semaphore_mem>>) src(%dma_wait3A_289 : memref<1000xi32, #tpu.memory_space<hbm>>) dst(%dma_wait3A_288 : memref<1000xi32, #tpu.memory_space<vmem>>)
      tpu.yield
    }) : () -> ()
    %dma_wait3A_113 = arith.constant 0 : i32
    %dma_wait3A_114 = arith.constant 0 : i32
    %dma_wait3A_115 = arith.constant 0 : i32
    %dma_wait3A_116 = arith.constant 0 : i32
    %dma_wait3A_117 = tpu.memref_slice %arg6[%dma_wait3A_114, %dma_wait3A_115, %dma_wait3A_116] : memref<2x1000x32xf32, #tpu.memory_space<vmem>> -> memref<1x1000x32xf32, #tpu.memory_space<vmem>>
    %dma_wait3A_118 = tpu.memref_squeeze %dma_wait3A_117 : memref<1x1000x32xf32, #tpu.memory_space<vmem>> -> memref<1000x32xf32, #tpu.memory_space<vmem>>
    %dma_wait3A_119 = arith.constant 0 : i32
    %dma_wait3A_120 = tpu.memref_slice %arg5[%dma_wait3A_113, %dma_wait3A_119] : memref<2x1000xi32, #tpu.memory_space<vmem>> -> memref<1x1000xi32, #tpu.memory_space<vmem>>
    %dma_wait3A_121 = tpu.memref_squeeze %dma_wait3A_120 : memref<1x1000xi32, #tpu.memory_space<vmem>> -> memref<1000xi32, #tpu.memory_space<vmem>>
    %dma_wait3A_122 = arith.constant 0 : i32
    %dma_wait3A_123 = arith.constant 0 : i32
    %dma_wait3A_124 = tpu.memref_slice %arg2[%dma_wait3A_122, %dma_wait3A_123] : memref<10240x32xf32, #tpu.memory_space<hbm>> -> memref<10240x32xf32, #tpu.memory_space<hbm>>
    tpu.wait_indirect_dma semaphore(%arg7 : memref<!tpu.dma_semaphore, #tpu.memory_space<semaphore_mem>>) src(%dma_wait3A_124 : memref<10240x32xf32, #tpu.memory_space<hbm>>) dst(%dma_wait3A_118 : memref<1000x32xf32, #tpu.memory_space<vmem>>)
    %add3A_125 = arith.constant 2000 : i32
    %add3A_126 = arith.addi %mul3A_2, %add3A_125 : i32
    %dma_start3A_127 = arith.constant 0 : i32
    %dma_start3A_128 = arith.constant 0 : i32
    %dma_start3A_129 = arith.constant 0 : i32
    %dma_start3A_130 = tpu.memref_slice %arg6[%dma_start3A_127, %dma_start3A_128, %dma_start3A_129] : memref<2x1000x32xf32, #tpu.memory_space<vmem>> -> memref<1x1000x32xf32, #tpu.memory_space<vmem>>
    %dma_start3A_131 = tpu.memref_squeeze %dma_start3A_130 : memref<1x1000x32xf32, #tpu.memory_space<vmem>> -> memref<1000x32xf32, #tpu.memory_space<vmem>>
    %dma_start3A_132 = arith.constant 0 : i32
    %dma_start3A_133 = tpu.memref_slice %arg4[%add3A_126, %dma_start3A_132] : memref<160000x128xf32, #tpu.memory_space<hbm>> -> memref<1000x32xf32, #tpu.memory_space<hbm>>
    %dma_start3A_134 = arith.constant 0 : i32
    %dma_start3A_135 = tpu.memref_slice %arg4[%add3A_126, %dma_start3A_134] : memref<160000x128xf32, #tpu.memory_space<hbm>> -> memref<1000x32xf32, #tpu.memory_space<hbm>>
    %dma_start3A_136 = arith.constant 0 : i32
    %dma_start3A_137 = arith.constant 0 : i32
    %dma_start3A_138 = tpu.memref_slice %arg6[%dma_start3A_127, %dma_start3A_136, %dma_start3A_137] : memref<2x1000x32xf32, #tpu.memory_space<vmem>> -> memref<1x1000x32xf32, #tpu.memory_space<vmem>>
    %dma_start3A_139 = tpu.memref_squeeze %dma_start3A_138 : memref<1x1000x32xf32, #tpu.memory_space<vmem>> -> memref<1000x32xf32, #tpu.memory_space<vmem>>
    tpu.enqueue_dma source(%dma_start3A_139 : memref<1000x32xf32, #tpu.memory_space<vmem>>) target(%dma_start3A_135 : memref<1000x32xf32, #tpu.memory_space<hbm>>) target_semaphore(%arg8 : memref<!tpu.dma_semaphore, #tpu.memory_space<semaphore_mem>>)
    %dma_wait3A_140 = arith.constant 1 : i32
    %dma_wait3A_141 = arith.constant 0 : i32
    %dma_wait3A_142 = arith.constant 0 : i32
    %dma_wait3A_143 = tpu.memref_slice %arg6[%dma_wait3A_140, %dma_wait3A_141, %dma_wait3A_142] : memref<2x1000x32xf32, #tpu.memory_space<vmem>> -> memref<1x1000x32xf32, #tpu.memory_space<vmem>>
    %dma_wait3A_144 = tpu.memref_squeeze %dma_wait3A_143 : memref<1x1000x32xf32, #tpu.memory_space<vmem>> -> memref<1000x32xf32, #tpu.memory_space<vmem>>
    %dma_wait3A_145 = arith.constant 0 : i32
    %dma_wait3A_146 = tpu.memref_slice %arg4[%add3A_71, %dma_wait3A_145] : memref<160000x128xf32, #tpu.memory_space<hbm>> -> memref<1000x32xf32, #tpu.memory_space<hbm>>
    %dma_wait3A_147 = arith.constant 0 : i32
    %dma_wait3A_148 = tpu.memref_slice %arg4[%add3A_71, %dma_wait3A_147] : memref<160000x128xf32, #tpu.memory_space<hbm>> -> memref<1000x32xf32, #tpu.memory_space<hbm>>
    %dma_wait3A_149 = arith.constant 0 : i32
    %dma_wait3A_150 = arith.constant 0 : i32
    %dma_wait3A_151 = tpu.memref_slice %arg6[%dma_wait3A_140, %dma_wait3A_149, %dma_wait3A_150] : memref<2x1000x32xf32, #tpu.memory_space<vmem>> -> memref<1x1000x32xf32, #tpu.memory_space<vmem>>
    %dma_wait3A_152 = tpu.memref_squeeze %dma_wait3A_151 : memref<1x1000x32xf32, #tpu.memory_space<vmem>> -> memref<1000x32xf32, #tpu.memory_space<vmem>>
    tpu.wait_dma2 semaphore(%arg9 : memref<!tpu.dma_semaphore, #tpu.memory_space<semaphore_mem>>) src(%dma_wait3A_152 : memref<1000x32xf32, #tpu.memory_space<vmem>>) dst(%dma_wait3A_148 : memref<1000x32xf32, #tpu.memory_space<hbm>>)
    %dma_start3A_153 = arith.constant 1 : i32
    %dma_start3A_154 = arith.constant 1 : i32
    %dma_start3A_155 = arith.constant 0 : i32
    %dma_start3A_156 = arith.constant 0 : i32
    %dma_start3A_157 = tpu.memref_slice %arg6[%dma_start3A_154, %dma_start3A_155, %dma_start3A_156] : memref<2x1000x32xf32, #tpu.memory_space<vmem>> -> memref<1x1000x32xf32, #tpu.memory_space<vmem>>
    %dma_start3A_158 = tpu.memref_squeeze %dma_start3A_157 : memref<1x1000x32xf32, #tpu.memory_space<vmem>> -> memref<1000x32xf32, #tpu.memory_space<vmem>>
    %dma_start3A_159 = arith.constant 0 : i32
    %dma_start3A_160 = tpu.memref_slice %arg5[%dma_start3A_153, %dma_start3A_159] : memref<2x1000xi32, #tpu.memory_space<vmem>> -> memref<1x1000xi32, #tpu.memory_space<vmem>>
    %dma_start3A_161 = tpu.memref_squeeze %dma_start3A_160 : memref<1x1000xi32, #tpu.memory_space<vmem>> -> memref<1000xi32, #tpu.memory_space<vmem>>
    %dma_start3A_162 = arith.constant 0 : i32
    %dma_start3A_163 = arith.constant 0 : i32
    %dma_start3A_164 = tpu.memref_slice %arg2[%dma_start3A_162, %dma_start3A_163] : memref<10240x32xf32, #tpu.memory_space<hbm>> -> memref<10240x32xf32, #tpu.memory_space<hbm>>
    tpu.enqueue_indirect_dma source(%dma_start3A_164 : memref<10240x32xf32, #tpu.memory_space<hbm>>) target(%dma_start3A_158 : memref<1000x32xf32, #tpu.memory_space<vmem>>) offsets(%dma_start3A_161 : memref<1000xi32, #tpu.memory_space<vmem>>) semaphore(%arg7 : memref<!tpu.dma_semaphore, #tpu.memory_space<semaphore_mem>>)
    %add3A_165 = arith.constant 4000 : i32
    %add3A_166 = arith.addi %mul3A_2, %add3A_165 : i32
    %run_scoped3A_167 = arith.constant 0 : i32
    "tpu.region"() ({
      %run_scoped3A_273 = tpu.sem_alloc : memref<!tpu.dma_semaphore, #tpu.memory_space<semaphore_mem>>
      %dma_start3A_274 = arith.constant 0 : i32
      %dma_start3A_275 = tpu.memref_slice %arg5[%run_scoped3A_167, %dma_start3A_274] : memref<2x1000xi32, #tpu.memory_space<vmem>> -> memref<1x1000xi32, #tpu.memory_space<vmem>>
      %dma_start3A_276 = tpu.memref_squeeze %dma_start3A_275 : memref<1x1000xi32, #tpu.memory_space<vmem>> -> memref<1000xi32, #tpu.memory_space<vmem>>
      %dma_start3A_277 = tpu.memref_slice %arg3[%add3A_166] : memref<160000xi32, #tpu.memory_space<hbm>> -> memref<1000xi32, #tpu.memory_space<hbm>>
      %dma_start3A_278 = arith.constant 0 : i32
      %dma_start3A_279 = tpu.memref_slice %arg5[%run_scoped3A_167, %dma_start3A_278] : memref<2x1000xi32, #tpu.memory_space<vmem>> -> memref<1x1000xi32, #tpu.memory_space<vmem>>
      %dma_start3A_280 = tpu.memref_squeeze %dma_start3A_279 : memref<1x1000xi32, #tpu.memory_space<vmem>> -> memref<1000xi32, #tpu.memory_space<vmem>>
      %dma_start3A_281 = tpu.memref_slice %arg3[%add3A_166] : memref<160000xi32, #tpu.memory_space<hbm>> -> memref<1000xi32, #tpu.memory_space<hbm>>
      tpu.enqueue_dma source(%dma_start3A_281 : memref<1000xi32, #tpu.memory_space<hbm>>) target(%dma_start3A_280 : memref<1000xi32, #tpu.memory_space<vmem>>) target_semaphore(%run_scoped3A_273 : memref<!tpu.dma_semaphore, #tpu.memory_space<semaphore_mem>>)
      %dma_wait3A_282 = arith.constant 0 : i32
      %dma_wait3A_283 = tpu.memref_slice %arg5[%run_scoped3A_167, %dma_wait3A_282] : memref<2x1000xi32, #tpu.memory_space<vmem>> -> memref<1x1000xi32, #tpu.memory_space<vmem>>
      %dma_wait3A_284 = tpu.memref_squeeze %dma_wait3A_283 : memref<1x1000xi32, #tpu.memory_space<vmem>> -> memref<1000xi32, #tpu.memory_space<vmem>>
      %dma_wait3A_285 = tpu.memref_slice %arg3[%add3A_166] : memref<160000xi32, #tpu.memory_space<hbm>> -> memref<1000xi32, #tpu.memory_space<hbm>>
      %dma_wait3A_286 = arith.constant 0 : i32
      %dma_wait3A_287 = tpu.memref_slice %arg5[%run_scoped3A_167, %dma_wait3A_286] : memref<2x1000xi32, #tpu.memory_space<vmem>> -> memref<1x1000xi32, #tpu.memory_space<vmem>>
      %dma_wait3A_288 = tpu.memref_squeeze %dma_wait3A_287 : memref<1x1000xi32, #tpu.memory_space<vmem>> -> memref<1000xi32, #tpu.memory_space<vmem>>
      %dma_wait3A_289 = tpu.memref_slice %arg3[%add3A_166] : memref<160000xi32, #tpu.memory_space<hbm>> -> memref<1000xi32, #tpu.memory_space<hbm>>
      tpu.wait_dma2 semaphore(%run_scoped3A_273 : memref<!tpu.dma_semaphore, #tpu.memory_space<semaphore_mem>>) src(%dma_wait3A_289 : memref<1000xi32, #tpu.memory_space<hbm>>) dst(%dma_wait3A_288 : memref<1000xi32, #tpu.memory_space<vmem>>)
      tpu.yield
    }) : () -> ()
    %dma_wait3A_168 = arith.constant 1 : i32
    %dma_wait3A_169 = arith.constant 1 : i32
    %dma_wait3A_170 = arith.constant 0 : i32
    %dma_wait3A_171 = arith.constant 0 : i32
    %dma_wait3A_172 = tpu.memref_slice %arg6[%dma_wait3A_169, %dma_wait3A_170, %dma_wait3A_171] : memref<2x1000x32xf32, #tpu.memory_space<vmem>> -> memref<1x1000x32xf32, #tpu.memory_space<vmem>>
    %dma_wait3A_173 = tpu.memref_squeeze %dma_wait3A_172 : memref<1x1000x32xf32, #tpu.memory_space<vmem>> -> memref<1000x32xf32, #tpu.memory_space<vmem>>
    %dma_wait3A_174 = arith.constant 0 : i32
    %dma_wait3A_175 = tpu.memref_slice %arg5[%dma_wait3A_168, %dma_wait3A_174] : memref<2x1000xi32, #tpu.memory_space<vmem>> -> memref<1x1000xi32, #tpu.memory_space<vmem>>
    %dma_wait3A_176 = tpu.memref_squeeze %dma_wait3A_175 : memref<1x1000xi32, #tpu.memory_space<vmem>> -> memref<1000xi32, #tpu.memory_space<vmem>>
    %dma_wait3A_177 = arith.constant 0 : i32
    %dma_wait3A_178 = arith.constant 0 : i32
    %dma_wait3A_179 = tpu.memref_slice %arg2[%dma_wait3A_177, %dma_wait3A_178] : memref<10240x32xf32, #tpu.memory_space<hbm>> -> memref<10240x32xf32, #tpu.memory_space<hbm>>
    tpu.wait_indirect_dma semaphore(%arg7 : memref<!tpu.dma_semaphore, #tpu.memory_space<semaphore_mem>>) src(%dma_wait3A_179 : memref<10240x32xf32, #tpu.memory_space<hbm>>) dst(%dma_wait3A_173 : memref<1000x32xf32, #tpu.memory_space<vmem>>)
    %add3A_180 = arith.constant 3000 : i32
    %add3A_181 = arith.addi %mul3A_2, %add3A_180 : i32
    %dma_start3A_182 = arith.constant 1 : i32
    %dma_start3A_183 = arith.constant 0 : i32
    %dma_start3A_184 = arith.constant 0 : i32
    %dma_start3A_185 = tpu.memref_slice %arg6[%dma_start3A_182, %dma_start3A_183, %dma_start3A_184] : memref<2x1000x32xf32, #tpu.memory_space<vmem>> -> memref<1x1000x32xf32, #tpu.memory_space<vmem>>
    %dma_start3A_186 = tpu.memref_squeeze %dma_start3A_185 : memref<1x1000x32xf32, #tpu.memory_space<vmem>> -> memref<1000x32xf32, #tpu.memory_space<vmem>>
    %dma_start3A_187 = arith.constant 0 : i32
    %dma_start3A_188 = tpu.memref_slice %arg4[%add3A_181, %dma_start3A_187] : memref<160000x128xf32, #tpu.memory_space<hbm>> -> memref<1000x32xf32, #tpu.memory_space<hbm>>
    %dma_start3A_189 = arith.constant 0 : i32
    %dma_start3A_190 = tpu.memref_slice %arg4[%add3A_181, %dma_start3A_189] : memref<160000x128xf32, #tpu.memory_space<hbm>> -> memref<1000x32xf32, #tpu.memory_space<hbm>>
    %dma_start3A_191 = arith.constant 0 : i32
    %dma_start3A_192 = arith.constant 0 : i32
    %dma_start3A_193 = tpu.memref_slice %arg6[%dma_start3A_182, %dma_start3A_191, %dma_start3A_192] : memref<2x1000x32xf32, #tpu.memory_space<vmem>> -> memref<1x1000x32xf32, #tpu.memory_space<vmem>>
    %dma_start3A_194 = tpu.memref_squeeze %dma_start3A_193 : memref<1x1000x32xf32, #tpu.memory_space<vmem>> -> memref<1000x32xf32, #tpu.memory_space<vmem>>
    tpu.enqueue_dma source(%dma_start3A_194 : memref<1000x32xf32, #tpu.memory_space<vmem>>) target(%dma_start3A_190 : memref<1000x32xf32, #tpu.memory_space<hbm>>) target_semaphore(%arg9 : memref<!tpu.dma_semaphore, #tpu.memory_space<semaphore_mem>>)
    %dma_wait3A_195 = arith.constant 0 : i32
    %dma_wait3A_196 = arith.constant 0 : i32
    %dma_wait3A_197 = arith.constant 0 : i32
    %dma_wait3A_198 = tpu.memref_slice %arg6[%dma_wait3A_195, %dma_wait3A_196, %dma_wait3A_197] : memref<2x1000x32xf32, #tpu.memory_space<vmem>> -> memref<1x1000x32xf32, #tpu.memory_space<vmem>>
    %dma_wait3A_199 = tpu.memref_squeeze %dma_wait3A_198 : memref<1x1000x32xf32, #tpu.memory_space<vmem>> -> memref<1000x32xf32, #tpu.memory_space<vmem>>
    %dma_wait3A_200 = arith.constant 0 : i32
    %dma_wait3A_201 = tpu.memref_slice %arg4[%add3A_126, %dma_wait3A_200] : memref<160000x128xf32, #tpu.memory_space<hbm>> -> memref<1000x32xf32, #tpu.memory_space<hbm>>
    %dma_wait3A_202 = arith.constant 0 : i32
    %dma_wait3A_203 = tpu.memref_slice %arg4[%add3A_126, %dma_wait3A_202] : memref<160000x128xf32, #tpu.memory_space<hbm>> -> memref<1000x32xf32, #tpu.memory_space<hbm>>
    %dma_wait3A_204 = arith.constant 0 : i32
    %dma_wait3A_205 = arith.constant 0 : i32
    %dma_wait3A_206 = tpu.memref_slice %arg6[%dma_wait3A_195, %dma_wait3A_204, %dma_wait3A_205] : memref<2x1000x32xf32, #tpu.memory_space<vmem>> -> memref<1x1000x32xf32, #tpu.memory_space<vmem>>
    %dma_wait3A_207 = tpu.memref_squeeze %dma_wait3A_206 : memref<1x1000x32xf32, #tpu.memory_space<vmem>> -> memref<1000x32xf32, #tpu.memory_space<vmem>>
    tpu.wait_dma2 semaphore(%arg8 : memref<!tpu.dma_semaphore, #tpu.memory_space<semaphore_mem>>) src(%dma_wait3A_207 : memref<1000x32xf32, #tpu.memory_space<vmem>>) dst(%dma_wait3A_203 : memref<1000x32xf32, #tpu.memory_space<hbm>>)
    %dma_start3A_208 = arith.constant 0 : i32
    %dma_start3A_209 = arith.constant 0 : i32
    %dma_start3A_210 = arith.constant 0 : i32
    %dma_start3A_211 = arith.constant 0 : i32
    %dma_start3A_212 = tpu.memref_slice %arg6[%dma_start3A_209, %dma_start3A_210, %dma_start3A_211] : memref<2x1000x32xf32, #tpu.memory_space<vmem>> -> memref<1x1000x32xf32, #tpu.memory_space<vmem>>
    %dma_start3A_213 = tpu.memref_squeeze %dma_start3A_212 : memref<1x1000x32xf32, #tpu.memory_space<vmem>> -> memref<1000x32xf32, #tpu.memory_space<vmem>>
    %dma_start3A_214 = arith.constant 0 : i32
    %dma_start3A_215 = tpu.memref_slice %arg5[%dma_start3A_208, %dma_start3A_214] : memref<2x1000xi32, #tpu.memory_space<vmem>> -> memref<1x1000xi32, #tpu.memory_space<vmem>>
    %dma_start3A_216 = tpu.memref_squeeze %dma_start3A_215 : memref<1x1000xi32, #tpu.memory_space<vmem>> -> memref<1000xi32, #tpu.memory_space<vmem>>
    %dma_start3A_217 = arith.constant 0 : i32
    %dma_start3A_218 = arith.constant 0 : i32
    %dma_start3A_219 = tpu.memref_slice %arg2[%dma_start3A_217, %dma_start3A_218] : memref<10240x32xf32, #tpu.memory_space<hbm>> -> memref<10240x32xf32, #tpu.memory_space<hbm>>
    tpu.enqueue_indirect_dma source(%dma_start3A_219 : memref<10240x32xf32, #tpu.memory_space<hbm>>) target(%dma_start3A_213 : memref<1000x32xf32, #tpu.memory_space<vmem>>) offsets(%dma_start3A_216 : memref<1000xi32, #tpu.memory_space<vmem>>) semaphore(%arg7 : memref<!tpu.dma_semaphore, #tpu.memory_space<semaphore_mem>>)
    %dma_wait3A_220 = arith.constant 0 : i32
    %dma_wait3A_221 = arith.constant 0 : i32
    %dma_wait3A_222 = arith.constant 0 : i32
    %dma_wait3A_223 = arith.constant 0 : i32
    %dma_wait3A_224 = tpu.memref_slice %arg6[%dma_wait3A_221, %dma_wait3A_222, %dma_wait3A_223] : memref<2x1000x32xf32, #tpu.memory_space<vmem>> -> memref<1x1000x32xf32, #tpu.memory_space<vmem>>
    %dma_wait3A_225 = tpu.memref_squeeze %dma_wait3A_224 : memref<1x1000x32xf32, #tpu.memory_space<vmem>> -> memref<1000x32xf32, #tpu.memory_space<vmem>>
    %dma_wait3A_226 = arith.constant 0 : i32
    %dma_wait3A_227 = tpu.memref_slice %arg5[%dma_wait3A_220, %dma_wait3A_226] : memref<2x1000xi32, #tpu.memory_space<vmem>> -> memref<1x1000xi32, #tpu.memory_space<vmem>>
    %dma_wait3A_228 = tpu.memref_squeeze %dma_wait3A_227 : memref<1x1000xi32, #tpu.memory_space<vmem>> -> memref<1000xi32, #tpu.memory_space<vmem>>
    %dma_wait3A_229 = arith.constant 0 : i32
    %dma_wait3A_230 = arith.constant 0 : i32
    %dma_wait3A_231 = tpu.memref_slice %arg2[%dma_wait3A_229, %dma_wait3A_230] : memref<10240x32xf32, #tpu.memory_space<hbm>> -> memref<10240x32xf32, #tpu.memory_space<hbm>>
    tpu.wait_indirect_dma semaphore(%arg7 : memref<!tpu.dma_semaphore, #tpu.memory_space<semaphore_mem>>) src(%dma_wait3A_231 : memref<10240x32xf32, #tpu.memory_space<hbm>>) dst(%dma_wait3A_225 : memref<1000x32xf32, #tpu.memory_space<vmem>>)
    %add3A_232 = arith.constant 4000 : i32
    %add3A_233 = arith.addi %mul3A_2, %add3A_232 : i32
    %dma_start3A_234 = arith.constant 0 : i32
    %dma_start3A_235 = arith.constant 0 : i32
    %dma_start3A_236 = arith.constant 0 : i32
    %dma_start3A_237 = tpu.memref_slice %arg6[%dma_start3A_234, %dma_start3A_235, %dma_start3A_236] : memref<2x1000x32xf32, #tpu.memory_space<vmem>> -> memref<1x1000x32xf32, #tpu.memory_space<vmem>>
    %dma_start3A_238 = tpu.memref_squeeze %dma_start3A_237 : memref<1x1000x32xf32, #tpu.memory_space<vmem>> -> memref<1000x32xf32, #tpu.memory_space<vmem>>
    %dma_start3A_239 = arith.constant 0 : i32
    %dma_start3A_240 = tpu.memref_slice %arg4[%add3A_233, %dma_start3A_239] : memref<160000x128xf32, #tpu.memory_space<hbm>> -> memref<1000x32xf32, #tpu.memory_space<hbm>>
    %dma_start3A_241 = arith.constant 0 : i32
    %dma_start3A_242 = tpu.memref_slice %arg4[%add3A_233, %dma_start3A_241] : memref<160000x128xf32, #tpu.memory_space<hbm>> -> memref<1000x32xf32, #tpu.memory_space<hbm>>
    %dma_start3A_243 = arith.constant 0 : i32
    %dma_start3A_244 = arith.constant 0 : i32
    %dma_start3A_245 = tpu.memref_slice %arg6[%dma_start3A_234, %dma_start3A_243, %dma_start3A_244] : memref<2x1000x32xf32, #tpu.memory_space<vmem>> -> memref<1x1000x32xf32, #tpu.memory_space<vmem>>
    %dma_start3A_246 = tpu.memref_squeeze %dma_start3A_245 : memref<1x1000x32xf32, #tpu.memory_space<vmem>> -> memref<1000x32xf32, #tpu.memory_space<vmem>>
    tpu.enqueue_dma source(%dma_start3A_246 : memref<1000x32xf32, #tpu.memory_space<vmem>>) target(%dma_start3A_242 : memref<1000x32xf32, #tpu.memory_space<hbm>>) target_semaphore(%arg8 : memref<!tpu.dma_semaphore, #tpu.memory_space<semaphore_mem>>)
    %dma_wait3A_247 = arith.constant 1 : i32
    %dma_wait3A_248 = arith.constant 0 : i32
    %dma_wait3A_249 = arith.constant 0 : i32
    %dma_wait3A_250 = tpu.memref_slice %arg6[%dma_wait3A_247, %dma_wait3A_248, %dma_wait3A_249] : memref<2x1000x32xf32, #tpu.memory_space<vmem>> -> memref<1x1000x32xf32, #tpu.memory_space<vmem>>
    %dma_wait3A_251 = tpu.memref_squeeze %dma_wait3A_250 : memref<1x1000x32xf32, #tpu.memory_space<vmem>> -> memref<1000x32xf32, #tpu.memory_space<vmem>>
    %dma_wait3A_252 = arith.constant 0 : i32
    %dma_wait3A_253 = tpu.memref_slice %arg4[%add3A_181, %dma_wait3A_252] : memref<160000x128xf32, #tpu.memory_space<hbm>> -> memref<1000x32xf32, #tpu.memory_space<hbm>>
    %dma_wait3A_254 = arith.constant 0 : i32
    %dma_wait3A_255 = tpu.memref_slice %arg4[%add3A_181, %dma_wait3A_254] : memref<160000x128xf32, #tpu.memory_space<hbm>> -> memref<1000x32xf32, #tpu.memory_space<hbm>>
    %dma_wait3A_256 = arith.constant 0 : i32
    %dma_wait3A_257 = arith.constant 0 : i32
    %dma_wait3A_258 = tpu.memref_slice %arg6[%dma_wait3A_247, %dma_wait3A_256, %dma_wait3A_257] : memref<2x1000x32xf32, #tpu.memory_space<vmem>> -> memref<1x1000x32xf32, #tpu.memory_space<vmem>>
    %dma_wait3A_259 = tpu.memref_squeeze %dma_wait3A_258 : memref<1x1000x32xf32, #tpu.memory_space<vmem>> -> memref<1000x32xf32, #tpu.memory_space<vmem>>
    tpu.wait_dma2 semaphore(%arg9 : memref<!tpu.dma_semaphore, #tpu.memory_space<semaphore_mem>>) src(%dma_wait3A_259 : memref<1000x32xf32, #tpu.memory_space<vmem>>) dst(%dma_wait3A_255 : memref<1000x32xf32, #tpu.memory_space<hbm>>)
    %dma_wait3A_260 = arith.constant 0 : i32
    %dma_wait3A_261 = arith.constant 0 : i32
    %dma_wait3A_262 = arith.constant 0 : i32
    %dma_wait3A_263 = tpu.memref_slice %arg6[%dma_wait3A_260, %dma_wait3A_261, %dma_wait3A_262] : memref<2x1000x32xf32, #tpu.memory_space<vmem>> -> memref<1x1000x32xf32, #tpu.memory_space<vmem>>
    %dma_wait3A_264 = tpu.memref_squeeze %dma_wait3A_263 : memref<1x1000x32xf32, #tpu.memory_space<vmem>> -> memref<1000x32xf32, #tpu.memory_space<vmem>>
    %dma_wait3A_265 = arith.constant 0 : i32
    %dma_wait3A_266 = tpu.memref_slice %arg4[%add3A_233, %dma_wait3A_265] : memref<160000x128xf32, #tpu.memory_space<hbm>> -> memref<1000x32xf32, #tpu.memory_space<hbm>>
    %dma_wait3A_267 = arith.constant 0 : i32
    %dma_wait3A_268 = tpu.memref_slice %arg4[%add3A_233, %dma_wait3A_267] : memref<160000x128xf32, #tpu.memory_space<hbm>> -> memref<1000x32xf32, #tpu.memory_space<hbm>>
    %dma_wait3A_269 = arith.constant 0 : i32
    %dma_wait3A_270 = arith.constant 0 : i32
    %dma_wait3A_271 = tpu.memref_slice %arg6[%dma_wait3A_260, %dma_wait3A_269, %dma_wait3A_270] : memref<2x1000x32xf32, #tpu.memory_space<vmem>> -> memref<1x1000x32xf32, #tpu.memory_space<vmem>>
    %dma_wait3A_272 = tpu.memref_squeeze %dma_wait3A_271 : memref<1x1000x32xf32, #tpu.memory_space<vmem>> -> memref<1000x32xf32, #tpu.memory_space<vmem>>
    tpu.wait_dma2 semaphore(%arg8 : memref<!tpu.dma_semaphore, #tpu.memory_space<semaphore_mem>>) src(%dma_wait3A_272 : memref<1000x32xf32, #tpu.memory_space<vmem>>) dst(%dma_wait3A_268 : memref<1000x32xf32, #tpu.memory_space<hbm>>)
    return
  }
}

#map = affine_map<(d0, d1) -> (0, 0)>
#map1 = affine_map<(d0, d1) -> (0)>
module attributes {stable_mosaic.version = 14 : i64} {
  func.func @_scatter_body(%arg0: i32, %arg1: i32, %arg2: memref<160000x128xf32, #tpu.memory_space<hbm>>, %arg3: memref<160000xi32, #tpu.memory_space<hbm>>, %arg4: memref<640x48xf32, #tpu.memory_space<hbm>>, %arg5: memref<20480x128xf32, #tpu.memory_space<hbm>>, %arg6: memref<2x1000xi32, #tpu.memory_space<vmem>>, %arg7: memref<2x1000x48xf32, #tpu.memory_space<vmem>>, %arg8: memref<10240x48xf32, #tpu.memory_space<vmem_shared>>, %arg9: memref<!tpu.dma_semaphore, #tpu.memory_space<semaphore_mem>>, %arg10: memref<!tpu.dma_semaphore, #tpu.memory_space<semaphore_mem>>) attributes {dimension_semantics = [#tpu.dimension_semantics<core_parallel>, #tpu.dimension_semantics<subcore_parallel>], iteration_bounds = array<i64: 2, 16>, scalar_prefetch = 0 : i64, scratch_operands = 5 : i64, tpu.core_type = #tpu.core_type<sc_vector_subcore>, window_params = [{transform_indices = #map}, {transform_indices = #map1}, {transform_indices = #map}, {transform_indices = #map}]} {
    %mul3A = arith.constant 16 : i32
    %mul3A_0 = arith.muli %arg0, %mul3A : i32
    %add3A = arith.addi %mul3A_0, %arg1 : i32
    %mul3A_1 = arith.constant 640 : i32
    %mul3A_2 = arith.muli %arg1, %mul3A_1 : i32
    "tpu.region"() ({
      %run_scoped3A_171 = tpu.sem_alloc : memref<!tpu.dma_semaphore, #tpu.memory_space<semaphore_mem>>
      %dma_start3A_172 = arith.constant 0 : i32
      %dma_start3A_173 = tpu.memref_slice %arg8[%mul3A_2, %dma_start3A_172] : memref<10240x48xf32, #tpu.memory_space<vmem_shared>> -> memref<640x48xf32, #tpu.memory_space<vmem_shared>>
      tpu.enqueue_dma source(%arg4 : memref<640x48xf32, #tpu.memory_space<hbm>>) target(%dma_start3A_173 : memref<640x48xf32, #tpu.memory_space<vmem_shared>>) target_semaphore(%run_scoped3A_171 : memref<!tpu.dma_semaphore, #tpu.memory_space<semaphore_mem>>)
      %dma_wait3A_174 = arith.constant 0 : i32
      %dma_wait3A_175 = tpu.memref_slice %arg8[%mul3A_2, %dma_wait3A_174] : memref<10240x48xf32, #tpu.memory_space<vmem_shared>> -> memref<640x48xf32, #tpu.memory_space<vmem_shared>>
      tpu.wait_dma2 semaphore(%run_scoped3A_171 : memref<!tpu.dma_semaphore, #tpu.memory_space<semaphore_mem>>) src(%arg4 : memref<640x48xf32, #tpu.memory_space<hbm>>) dst(%dma_wait3A_175 : memref<640x48xf32, #tpu.memory_space<vmem_shared>>)
      tpu.yield
    }) : () -> ()
    %barrier3A = arith.constant 0 : index
    tpu.barrier barrier_id(%barrier3A)
    %mul3A_3 = arith.constant 5000 : i32
    %mul3A_4 = arith.muli %add3A, %mul3A_3 : i32
    %run_scoped3A = arith.constant 0 : i32
    "tpu.region"() ({
      %run_scoped3A_171 = tpu.sem_alloc : memref<!tpu.dma_semaphore, #tpu.memory_space<semaphore_mem>>
      %dma_start3A_172 = arith.constant 0 : i32
      %dma_start3A_173 = tpu.memref_slice %arg6[%run_scoped3A, %dma_start3A_172] : memref<2x1000xi32, #tpu.memory_space<vmem>> -> memref<1x1000xi32, #tpu.memory_space<vmem>>
      %dma_start3A_174 = tpu.memref_squeeze %dma_start3A_173 : memref<1x1000xi32, #tpu.memory_space<vmem>> -> memref<1000xi32, #tpu.memory_space<vmem>>
      %dma_start3A_175 = tpu.memref_slice %arg3[%mul3A_4] : memref<160000xi32, #tpu.memory_space<hbm>> -> memref<1000xi32, #tpu.memory_space<hbm>>
      %dma_start3A_176 = arith.constant 0 : i32
      %dma_start3A_177 = tpu.memref_slice %arg6[%run_scoped3A, %dma_start3A_176] : memref<2x1000xi32, #tpu.memory_space<vmem>> -> memref<1x1000xi32, #tpu.memory_space<vmem>>
      %dma_start3A_178 = tpu.memref_squeeze %dma_start3A_177 : memref<1x1000xi32, #tpu.memory_space<vmem>> -> memref<1000xi32, #tpu.memory_space<vmem>>
      %dma_start3A_179 = tpu.memref_slice %arg3[%mul3A_4] : memref<160000xi32, #tpu.memory_space<hbm>> -> memref<1000xi32, #tpu.memory_space<hbm>>
      tpu.enqueue_dma source(%dma_start3A_179 : memref<1000xi32, #tpu.memory_space<hbm>>) target(%dma_start3A_178 : memref<1000xi32, #tpu.memory_space<vmem>>) target_semaphore(%run_scoped3A_171 : memref<!tpu.dma_semaphore, #tpu.memory_space<semaphore_mem>>)
      %dma_wait3A_180 = arith.constant 0 : i32
      %dma_wait3A_181 = tpu.memref_slice %arg6[%run_scoped3A, %dma_wait3A_180] : memref<2x1000xi32, #tpu.memory_space<vmem>> -> memref<1x1000xi32, #tpu.memory_space<vmem>>
      %dma_wait3A_182 = tpu.memref_squeeze %dma_wait3A_181 : memref<1x1000xi32, #tpu.memory_space<vmem>> -> memref<1000xi32, #tpu.memory_space<vmem>>
      %dma_wait3A_183 = tpu.memref_slice %arg3[%mul3A_4] : memref<160000xi32, #tpu.memory_space<hbm>> -> memref<1000xi32, #tpu.memory_space<hbm>>
      %dma_wait3A_184 = arith.constant 0 : i32
      %dma_wait3A_185 = tpu.memref_slice %arg6[%run_scoped3A, %dma_wait3A_184] : memref<2x1000xi32, #tpu.memory_space<vmem>> -> memref<1x1000xi32, #tpu.memory_space<vmem>>
      %dma_wait3A_186 = tpu.memref_squeeze %dma_wait3A_185 : memref<1x1000xi32, #tpu.memory_space<vmem>> -> memref<1000xi32, #tpu.memory_space<vmem>>
      %dma_wait3A_187 = tpu.memref_slice %arg3[%mul3A_4] : memref<160000xi32, #tpu.memory_space<hbm>> -> memref<1000xi32, #tpu.memory_space<hbm>>
      tpu.wait_dma2 semaphore(%run_scoped3A_171 : memref<!tpu.dma_semaphore, #tpu.memory_space<semaphore_mem>>) src(%dma_wait3A_187 : memref<1000xi32, #tpu.memory_space<hbm>>) dst(%dma_wait3A_186 : memref<1000xi32, #tpu.memory_space<vmem>>)
      tpu.yield
    }) : () -> ()
    %dma_start3A = arith.constant 0 : i32
    %dma_start3A_5 = arith.constant 0 : i32
    %dma_start3A_6 = arith.constant 0 : i32
    %dma_start3A_7 = tpu.memref_slice %arg7[%dma_start3A, %dma_start3A_5, %dma_start3A_6] : memref<2x1000x48xf32, #tpu.memory_space<vmem>> -> memref<1x1000x48xf32, #tpu.memory_space<vmem>>
    %dma_start3A_8 = tpu.memref_squeeze %dma_start3A_7 : memref<1x1000x48xf32, #tpu.memory_space<vmem>> -> memref<1000x48xf32, #tpu.memory_space<vmem>>
    %dma_start3A_9 = arith.constant 0 : i32
    %dma_start3A_10 = tpu.memref_slice %arg2[%mul3A_4, %dma_start3A_9] : memref<160000x128xf32, #tpu.memory_space<hbm>> -> memref<1000x48xf32, #tpu.memory_space<hbm>>
    %dma_start3A_11 = arith.constant 0 : i32
    %dma_start3A_12 = arith.constant 0 : i32
    %dma_start3A_13 = tpu.memref_slice %arg7[%dma_start3A, %dma_start3A_11, %dma_start3A_12] : memref<2x1000x48xf32, #tpu.memory_space<vmem>> -> memref<1x1000x48xf32, #tpu.memory_space<vmem>>
    %dma_start3A_14 = tpu.memref_squeeze %dma_start3A_13 : memref<1x1000x48xf32, #tpu.memory_space<vmem>> -> memref<1000x48xf32, #tpu.memory_space<vmem>>
    %dma_start3A_15 = arith.constant 0 : i32
    %dma_start3A_16 = tpu.memref_slice %arg2[%mul3A_4, %dma_start3A_15] : memref<160000x128xf32, #tpu.memory_space<hbm>> -> memref<1000x48xf32, #tpu.memory_space<hbm>>
    tpu.enqueue_dma source(%dma_start3A_16 : memref<1000x48xf32, #tpu.memory_space<hbm>>) target(%dma_start3A_14 : memref<1000x48xf32, #tpu.memory_space<vmem>>) target_semaphore(%arg9 : memref<!tpu.dma_semaphore, #tpu.memory_space<semaphore_mem>>)
    %add3A_17 = arith.constant 1000 : i32
    %add3A_18 = arith.addi %mul3A_4, %add3A_17 : i32
    %run_scoped3A_19 = arith.constant 1 : i32
    "tpu.region"() ({
      %run_scoped3A_171 = tpu.sem_alloc : memref<!tpu.dma_semaphore, #tpu.memory_space<semaphore_mem>>
      %dma_start3A_172 = arith.constant 0 : i32
      %dma_start3A_173 = tpu.memref_slice %arg6[%run_scoped3A_19, %dma_start3A_172] : memref<2x1000xi32, #tpu.memory_space<vmem>> -> memref<1x1000xi32, #tpu.memory_space<vmem>>
      %dma_start3A_174 = tpu.memref_squeeze %dma_start3A_173 : memref<1x1000xi32, #tpu.memory_space<vmem>> -> memref<1000xi32, #tpu.memory_space<vmem>>
      %dma_start3A_175 = tpu.memref_slice %arg3[%add3A_18] : memref<160000xi32, #tpu.memory_space<hbm>> -> memref<1000xi32, #tpu.memory_space<hbm>>
      %dma_start3A_176 = arith.constant 0 : i32
      %dma_start3A_177 = tpu.memref_slice %arg6[%run_scoped3A_19, %dma_start3A_176] : memref<2x1000xi32, #tpu.memory_space<vmem>> -> memref<1x1000xi32, #tpu.memory_space<vmem>>
      %dma_start3A_178 = tpu.memref_squeeze %dma_start3A_177 : memref<1x1000xi32, #tpu.memory_space<vmem>> -> memref<1000xi32, #tpu.memory_space<vmem>>
      %dma_start3A_179 = tpu.memref_slice %arg3[%add3A_18] : memref<160000xi32, #tpu.memory_space<hbm>> -> memref<1000xi32, #tpu.memory_space<hbm>>
      tpu.enqueue_dma source(%dma_start3A_179 : memref<1000xi32, #tpu.memory_space<hbm>>) target(%dma_start3A_178 : memref<1000xi32, #tpu.memory_space<vmem>>) target_semaphore(%run_scoped3A_171 : memref<!tpu.dma_semaphore, #tpu.memory_space<semaphore_mem>>)
      %dma_wait3A_180 = arith.constant 0 : i32
      %dma_wait3A_181 = tpu.memref_slice %arg6[%run_scoped3A_19, %dma_wait3A_180] : memref<2x1000xi32, #tpu.memory_space<vmem>> -> memref<1x1000xi32, #tpu.memory_space<vmem>>
      %dma_wait3A_182 = tpu.memref_squeeze %dma_wait3A_181 : memref<1x1000xi32, #tpu.memory_space<vmem>> -> memref<1000xi32, #tpu.memory_space<vmem>>
      %dma_wait3A_183 = tpu.memref_slice %arg3[%add3A_18] : memref<160000xi32, #tpu.memory_space<hbm>> -> memref<1000xi32, #tpu.memory_space<hbm>>
      %dma_wait3A_184 = arith.constant 0 : i32
      %dma_wait3A_185 = tpu.memref_slice %arg6[%run_scoped3A_19, %dma_wait3A_184] : memref<2x1000xi32, #tpu.memory_space<vmem>> -> memref<1x1000xi32, #tpu.memory_space<vmem>>
      %dma_wait3A_186 = tpu.memref_squeeze %dma_wait3A_185 : memref<1x1000xi32, #tpu.memory_space<vmem>> -> memref<1000xi32, #tpu.memory_space<vmem>>
      %dma_wait3A_187 = tpu.memref_slice %arg3[%add3A_18] : memref<160000xi32, #tpu.memory_space<hbm>> -> memref<1000xi32, #tpu.memory_space<hbm>>
      tpu.wait_dma2 semaphore(%run_scoped3A_171 : memref<!tpu.dma_semaphore, #tpu.memory_space<semaphore_mem>>) src(%dma_wait3A_187 : memref<1000xi32, #tpu.memory_space<hbm>>) dst(%dma_wait3A_186 : memref<1000xi32, #tpu.memory_space<vmem>>)
      tpu.yield
    }) : () -> ()
    %add3A_20 = arith.constant 1000 : i32
    %add3A_21 = arith.addi %mul3A_4, %add3A_20 : i32
    %dma_start3A_22 = arith.constant 1 : i32
    %dma_start3A_23 = arith.constant 0 : i32
    %dma_start3A_24 = arith.constant 0 : i32
    %dma_start3A_25 = tpu.memref_slice %arg7[%dma_start3A_22, %dma_start3A_23, %dma_start3A_24] : memref<2x1000x48xf32, #tpu.memory_space<vmem>> -> memref<1x1000x48xf32, #tpu.memory_space<vmem>>
    %dma_start3A_26 = tpu.memref_squeeze %dma_start3A_25 : memref<1x1000x48xf32, #tpu.memory_space<vmem>> -> memref<1000x48xf32, #tpu.memory_space<vmem>>
    %dma_start3A_27 = arith.constant 0 : i32
    %dma_start3A_28 = tpu.memref_slice %arg2[%add3A_21, %dma_start3A_27] : memref<160000x128xf32, #tpu.memory_space<hbm>> -> memref<1000x48xf32, #tpu.memory_space<hbm>>
    %dma_start3A_29 = arith.constant 0 : i32
    %dma_start3A_30 = arith.constant 0 : i32
    %dma_start3A_31 = tpu.memref_slice %arg7[%dma_start3A_22, %dma_start3A_29, %dma_start3A_30] : memref<2x1000x48xf32, #tpu.memory_space<vmem>> -> memref<1x1000x48xf32, #tpu.memory_space<vmem>>
    %dma_start3A_32 = tpu.memref_squeeze %dma_start3A_31 : memref<1x1000x48xf32, #tpu.memory_space<vmem>> -> memref<1000x48xf32, #tpu.memory_space<vmem>>
    %dma_start3A_33 = arith.constant 0 : i32
    %dma_start3A_34 = tpu.memref_slice %arg2[%add3A_21, %dma_start3A_33] : memref<160000x128xf32, #tpu.memory_space<hbm>> -> memref<1000x48xf32, #tpu.memory_space<hbm>>
    tpu.enqueue_dma source(%dma_start3A_34 : memref<1000x48xf32, #tpu.memory_space<hbm>>) target(%dma_start3A_32 : memref<1000x48xf32, #tpu.memory_space<vmem>>) target_semaphore(%arg10 : memref<!tpu.dma_semaphore, #tpu.memory_space<semaphore_mem>>)
    %dma_wait3A = arith.constant 0 : i32
    %dma_wait3A_35 = arith.constant 0 : i32
    %dma_wait3A_36 = arith.constant 0 : i32
    %dma_wait3A_37 = tpu.memref_slice %arg7[%dma_wait3A, %dma_wait3A_35, %dma_wait3A_36] : memref<2x1000x48xf32, #tpu.memory_space<vmem>> -> memref<1x1000x48xf32, #tpu.memory_space<vmem>>
    %dma_wait3A_38 = tpu.memref_squeeze %dma_wait3A_37 : memref<1x1000x48xf32, #tpu.memory_space<vmem>> -> memref<1000x48xf32, #tpu.memory_space<vmem>>
    %dma_wait3A_39 = arith.constant 0 : i32
    %dma_wait3A_40 = tpu.memref_slice %arg2[%mul3A_4, %dma_wait3A_39] : memref<160000x128xf32, #tpu.memory_space<hbm>> -> memref<1000x48xf32, #tpu.memory_space<hbm>>
    %dma_wait3A_41 = arith.constant 0 : i32
    %dma_wait3A_42 = arith.constant 0 : i32
    %dma_wait3A_43 = tpu.memref_slice %arg7[%dma_wait3A, %dma_wait3A_41, %dma_wait3A_42] : memref<2x1000x48xf32, #tpu.memory_space<vmem>> -> memref<1x1000x48xf32, #tpu.memory_space<vmem>>
    %dma_wait3A_44 = tpu.memref_squeeze %dma_wait3A_43 : memref<1x1000x48xf32, #tpu.memory_space<vmem>> -> memref<1000x48xf32, #tpu.memory_space<vmem>>
    %dma_wait3A_45 = arith.constant 0 : i32
    %dma_wait3A_46 = tpu.memref_slice %arg2[%mul3A_4, %dma_wait3A_45] : memref<160000x128xf32, #tpu.memory_space<hbm>> -> memref<1000x48xf32, #tpu.memory_space<hbm>>
    tpu.wait_dma2 semaphore(%arg9 : memref<!tpu.dma_semaphore, #tpu.memory_space<semaphore_mem>>) src(%dma_wait3A_46 : memref<1000x48xf32, #tpu.memory_space<hbm>>) dst(%dma_wait3A_44 : memref<1000x48xf32, #tpu.memory_space<vmem>>)
    %run_scoped3A_47 = arith.constant 0 : i32
    %run_scoped3A_48 = arith.constant 0 : i32
    "tpu.region"() ({
      %run_scoped3A_171 = tpu.sem_alloc : memref<!tpu.dma_semaphore, #tpu.memory_space<semaphore_mem>>
      %dma_start3A_172 = arith.constant 0 : i32
      %dma_start3A_173 = arith.constant 0 : i32
      %dma_start3A_174 = tpu.memref_slice %arg7[%run_scoped3A_47, %dma_start3A_172, %dma_start3A_173] : memref<2x1000x48xf32, #tpu.memory_space<vmem>> -> memref<1x1000x48xf32, #tpu.memory_space<vmem>>
      %dma_start3A_175 = tpu.memref_squeeze %dma_start3A_174 : memref<1x1000x48xf32, #tpu.memory_space<vmem>> -> memref<1000x48xf32, #tpu.memory_space<vmem>>
      %dma_start3A_176 = arith.constant 0 : i32
      %dma_start3A_177 = tpu.memref_slice %arg6[%run_scoped3A_48, %dma_start3A_176] : memref<2x1000xi32, #tpu.memory_space<vmem>> -> memref<1x1000xi32, #tpu.memory_space<vmem>>
      %dma_start3A_178 = tpu.memref_squeeze %dma_start3A_177 : memref<1x1000xi32, #tpu.memory_space<vmem>> -> memref<1000xi32, #tpu.memory_space<vmem>>
      %dma_start3A_179 = arith.constant 0 : i32
      %dma_start3A_180 = arith.constant 0 : i32
      %dma_start3A_181 = tpu.memref_slice %arg8[%dma_start3A_179, %dma_start3A_180] : memref<10240x48xf32, #tpu.memory_space<vmem_shared>> -> memref<10240x48xf32, #tpu.memory_space<vmem_shared>>
      tpu.enqueue_indirect_dma source(%dma_start3A_175 : memref<1000x48xf32, #tpu.memory_space<vmem>>) target(%dma_start3A_181 : memref<10240x48xf32, #tpu.memory_space<vmem_shared>>) offsets(%dma_start3A_178 : memref<1000xi32, #tpu.memory_space<vmem>>) semaphore(%run_scoped3A_171 : memref<!tpu.dma_semaphore, #tpu.memory_space<semaphore_mem>>) {add = true}
      %dma_wait3A_182 = arith.constant 0 : i32
      %dma_wait3A_183 = arith.constant 0 : i32
      %dma_wait3A_184 = tpu.memref_slice %arg7[%run_scoped3A_47, %dma_wait3A_182, %dma_wait3A_183] : memref<2x1000x48xf32, #tpu.memory_space<vmem>> -> memref<1x1000x48xf32, #tpu.memory_space<vmem>>
      %dma_wait3A_185 = tpu.memref_squeeze %dma_wait3A_184 : memref<1x1000x48xf32, #tpu.memory_space<vmem>> -> memref<1000x48xf32, #tpu.memory_space<vmem>>
      %dma_wait3A_186 = arith.constant 0 : i32
      %dma_wait3A_187 = tpu.memref_slice %arg6[%run_scoped3A_48, %dma_wait3A_186] : memref<2x1000xi32, #tpu.memory_space<vmem>> -> memref<1x1000xi32, #tpu.memory_space<vmem>>
      %dma_wait3A_188 = tpu.memref_squeeze %dma_wait3A_187 : memref<1x1000xi32, #tpu.memory_space<vmem>> -> memref<1000xi32, #tpu.memory_space<vmem>>
      %dma_wait3A_189 = arith.constant 0 : i32
      %dma_wait3A_190 = arith.constant 0 : i32
      %dma_wait3A_191 = tpu.memref_slice %arg8[%dma_wait3A_189, %dma_wait3A_190] : memref<10240x48xf32, #tpu.memory_space<vmem_shared>> -> memref<10240x48xf32, #tpu.memory_space<vmem_shared>>
      tpu.wait_indirect_dma semaphore(%run_scoped3A_171 : memref<!tpu.dma_semaphore, #tpu.memory_space<semaphore_mem>>) src(%dma_wait3A_185 : memref<1000x48xf32, #tpu.memory_space<vmem>>) dst(%dma_wait3A_191 : memref<10240x48xf32, #tpu.memory_space<vmem_shared>>)
      tpu.yield
    }) : () -> ()
    %add3A_49 = arith.constant 2000 : i32
    %add3A_50 = arith.addi %mul3A_4, %add3A_49 : i32
    %run_scoped3A_51 = arith.constant 0 : i32
    "tpu.region"() ({
      %run_scoped3A_171 = tpu.sem_alloc : memref<!tpu.dma_semaphore, #tpu.memory_space<semaphore_mem>>
      %dma_start3A_172 = arith.constant 0 : i32
      %dma_start3A_173 = tpu.memref_slice %arg6[%run_scoped3A_51, %dma_start3A_172] : memref<2x1000xi32, #tpu.memory_space<vmem>> -> memref<1x1000xi32, #tpu.memory_space<vmem>>
      %dma_start3A_174 = tpu.memref_squeeze %dma_start3A_173 : memref<1x1000xi32, #tpu.memory_space<vmem>> -> memref<1000xi32, #tpu.memory_space<vmem>>
      %dma_start3A_175 = tpu.memref_slice %arg3[%add3A_50] : memref<160000xi32, #tpu.memory_space<hbm>> -> memref<1000xi32, #tpu.memory_space<hbm>>
      %dma_start3A_176 = arith.constant 0 : i32
      %dma_start3A_177 = tpu.memref_slice %arg6[%run_scoped3A_51, %dma_start3A_176] : memref<2x1000xi32, #tpu.memory_space<vmem>> -> memref<1x1000xi32, #tpu.memory_space<vmem>>
      %dma_start3A_178 = tpu.memref_squeeze %dma_start3A_177 : memref<1x1000xi32, #tpu.memory_space<vmem>> -> memref<1000xi32, #tpu.memory_space<vmem>>
      %dma_start3A_179 = tpu.memref_slice %arg3[%add3A_50] : memref<160000xi32, #tpu.memory_space<hbm>> -> memref<1000xi32, #tpu.memory_space<hbm>>
      tpu.enqueue_dma source(%dma_start3A_179 : memref<1000xi32, #tpu.memory_space<hbm>>) target(%dma_start3A_178 : memref<1000xi32, #tpu.memory_space<vmem>>) target_semaphore(%run_scoped3A_171 : memref<!tpu.dma_semaphore, #tpu.memory_space<semaphore_mem>>)
      %dma_wait3A_180 = arith.constant 0 : i32
      %dma_wait3A_181 = tpu.memref_slice %arg6[%run_scoped3A_51, %dma_wait3A_180] : memref<2x1000xi32, #tpu.memory_space<vmem>> -> memref<1x1000xi32, #tpu.memory_space<vmem>>
      %dma_wait3A_182 = tpu.memref_squeeze %dma_wait3A_181 : memref<1x1000xi32, #tpu.memory_space<vmem>> -> memref<1000xi32, #tpu.memory_space<vmem>>
      %dma_wait3A_183 = tpu.memref_slice %arg3[%add3A_50] : memref<160000xi32, #tpu.memory_space<hbm>> -> memref<1000xi32, #tpu.memory_space<hbm>>
      %dma_wait3A_184 = arith.constant 0 : i32
      %dma_wait3A_185 = tpu.memref_slice %arg6[%run_scoped3A_51, %dma_wait3A_184] : memref<2x1000xi32, #tpu.memory_space<vmem>> -> memref<1x1000xi32, #tpu.memory_space<vmem>>
      %dma_wait3A_186 = tpu.memref_squeeze %dma_wait3A_185 : memref<1x1000xi32, #tpu.memory_space<vmem>> -> memref<1000xi32, #tpu.memory_space<vmem>>
      %dma_wait3A_187 = tpu.memref_slice %arg3[%add3A_50] : memref<160000xi32, #tpu.memory_space<hbm>> -> memref<1000xi32, #tpu.memory_space<hbm>>
      tpu.wait_dma2 semaphore(%run_scoped3A_171 : memref<!tpu.dma_semaphore, #tpu.memory_space<semaphore_mem>>) src(%dma_wait3A_187 : memref<1000xi32, #tpu.memory_space<hbm>>) dst(%dma_wait3A_186 : memref<1000xi32, #tpu.memory_space<vmem>>)
      tpu.yield
    }) : () -> ()
    %add3A_52 = arith.constant 2000 : i32
    %add3A_53 = arith.addi %mul3A_4, %add3A_52 : i32
    %dma_start3A_54 = arith.constant 0 : i32
    %dma_start3A_55 = arith.constant 0 : i32
    %dma_start3A_56 = arith.constant 0 : i32
    %dma_start3A_57 = tpu.memref_slice %arg7[%dma_start3A_54, %dma_start3A_55, %dma_start3A_56] : memref<2x1000x48xf32, #tpu.memory_space<vmem>> -> memref<1x1000x48xf32, #tpu.memory_space<vmem>>
    %dma_start3A_58 = tpu.memref_squeeze %dma_start3A_57 : memref<1x1000x48xf32, #tpu.memory_space<vmem>> -> memref<1000x48xf32, #tpu.memory_space<vmem>>
    %dma_start3A_59 = arith.constant 0 : i32
    %dma_start3A_60 = tpu.memref_slice %arg2[%add3A_53, %dma_start3A_59] : memref<160000x128xf32, #tpu.memory_space<hbm>> -> memref<1000x48xf32, #tpu.memory_space<hbm>>
    %dma_start3A_61 = arith.constant 0 : i32
    %dma_start3A_62 = arith.constant 0 : i32
    %dma_start3A_63 = tpu.memref_slice %arg7[%dma_start3A_54, %dma_start3A_61, %dma_start3A_62] : memref<2x1000x48xf32, #tpu.memory_space<vmem>> -> memref<1x1000x48xf32, #tpu.memory_space<vmem>>
    %dma_start3A_64 = tpu.memref_squeeze %dma_start3A_63 : memref<1x1000x48xf32, #tpu.memory_space<vmem>> -> memref<1000x48xf32, #tpu.memory_space<vmem>>
    %dma_start3A_65 = arith.constant 0 : i32
    %dma_start3A_66 = tpu.memref_slice %arg2[%add3A_53, %dma_start3A_65] : memref<160000x128xf32, #tpu.memory_space<hbm>> -> memref<1000x48xf32, #tpu.memory_space<hbm>>
    tpu.enqueue_dma source(%dma_start3A_66 : memref<1000x48xf32, #tpu.memory_space<hbm>>) target(%dma_start3A_64 : memref<1000x48xf32, #tpu.memory_space<vmem>>) target_semaphore(%arg9 : memref<!tpu.dma_semaphore, #tpu.memory_space<semaphore_mem>>)
    %dma_wait3A_67 = arith.constant 1 : i32
    %dma_wait3A_68 = arith.constant 0 : i32
    %dma_wait3A_69 = arith.constant 0 : i32
    %dma_wait3A_70 = tpu.memref_slice %arg7[%dma_wait3A_67, %dma_wait3A_68, %dma_wait3A_69] : memref<2x1000x48xf32, #tpu.memory_space<vmem>> -> memref<1x1000x48xf32, #tpu.memory_space<vmem>>
    %dma_wait3A_71 = tpu.memref_squeeze %dma_wait3A_70 : memref<1x1000x48xf32, #tpu.memory_space<vmem>> -> memref<1000x48xf32, #tpu.memory_space<vmem>>
    %dma_wait3A_72 = arith.constant 0 : i32
    %dma_wait3A_73 = tpu.memref_slice %arg2[%add3A_21, %dma_wait3A_72] : memref<160000x128xf32, #tpu.memory_space<hbm>> -> memref<1000x48xf32, #tpu.memory_space<hbm>>
    %dma_wait3A_74 = arith.constant 0 : i32
    %dma_wait3A_75 = arith.constant 0 : i32
    %dma_wait3A_76 = tpu.memref_slice %arg7[%dma_wait3A_67, %dma_wait3A_74, %dma_wait3A_75] : memref<2x1000x48xf32, #tpu.memory_space<vmem>> -> memref<1x1000x48xf32, #tpu.memory_space<vmem>>
    %dma_wait3A_77 = tpu.memref_squeeze %dma_wait3A_76 : memref<1x1000x48xf32, #tpu.memory_space<vmem>> -> memref<1000x48xf32, #tpu.memory_space<vmem>>
    %dma_wait3A_78 = arith.constant 0 : i32
    %dma_wait3A_79 = tpu.memref_slice %arg2[%add3A_21, %dma_wait3A_78] : memref<160000x128xf32, #tpu.memory_space<hbm>> -> memref<1000x48xf32, #tpu.memory_space<hbm>>
    tpu.wait_dma2 semaphore(%arg10 : memref<!tpu.dma_semaphore, #tpu.memory_space<semaphore_mem>>) src(%dma_wait3A_79 : memref<1000x48xf32, #tpu.memory_space<hbm>>) dst(%dma_wait3A_77 : memref<1000x48xf32, #tpu.memory_space<vmem>>)
    %run_scoped3A_80 = arith.constant 1 : i32
    %run_scoped3A_81 = arith.constant 1 : i32
    "tpu.region"() ({
      %run_scoped3A_171 = tpu.sem_alloc : memref<!tpu.dma_semaphore, #tpu.memory_space<semaphore_mem>>
      %dma_start3A_172 = arith.constant 0 : i32
      %dma_start3A_173 = arith.constant 0 : i32
      %dma_start3A_174 = tpu.memref_slice %arg7[%run_scoped3A_80, %dma_start3A_172, %dma_start3A_173] : memref<2x1000x48xf32, #tpu.memory_space<vmem>> -> memref<1x1000x48xf32, #tpu.memory_space<vmem>>
      %dma_start3A_175 = tpu.memref_squeeze %dma_start3A_174 : memref<1x1000x48xf32, #tpu.memory_space<vmem>> -> memref<1000x48xf32, #tpu.memory_space<vmem>>
      %dma_start3A_176 = arith.constant 0 : i32
      %dma_start3A_177 = tpu.memref_slice %arg6[%run_scoped3A_81, %dma_start3A_176] : memref<2x1000xi32, #tpu.memory_space<vmem>> -> memref<1x1000xi32, #tpu.memory_space<vmem>>
      %dma_start3A_178 = tpu.memref_squeeze %dma_start3A_177 : memref<1x1000xi32, #tpu.memory_space<vmem>> -> memref<1000xi32, #tpu.memory_space<vmem>>
      %dma_start3A_179 = arith.constant 0 : i32
      %dma_start3A_180 = arith.constant 0 : i32
      %dma_start3A_181 = tpu.memref_slice %arg8[%dma_start3A_179, %dma_start3A_180] : memref<10240x48xf32, #tpu.memory_space<vmem_shared>> -> memref<10240x48xf32, #tpu.memory_space<vmem_shared>>
      tpu.enqueue_indirect_dma source(%dma_start3A_175 : memref<1000x48xf32, #tpu.memory_space<vmem>>) target(%dma_start3A_181 : memref<10240x48xf32, #tpu.memory_space<vmem_shared>>) offsets(%dma_start3A_178 : memref<1000xi32, #tpu.memory_space<vmem>>) semaphore(%run_scoped3A_171 : memref<!tpu.dma_semaphore, #tpu.memory_space<semaphore_mem>>) {add = true}
      %dma_wait3A_182 = arith.constant 0 : i32
      %dma_wait3A_183 = arith.constant 0 : i32
      %dma_wait3A_184 = tpu.memref_slice %arg7[%run_scoped3A_80, %dma_wait3A_182, %dma_wait3A_183] : memref<2x1000x48xf32, #tpu.memory_space<vmem>> -> memref<1x1000x48xf32, #tpu.memory_space<vmem>>
      %dma_wait3A_185 = tpu.memref_squeeze %dma_wait3A_184 : memref<1x1000x48xf32, #tpu.memory_space<vmem>> -> memref<1000x48xf32, #tpu.memory_space<vmem>>
      %dma_wait3A_186 = arith.constant 0 : i32
      %dma_wait3A_187 = tpu.memref_slice %arg6[%run_scoped3A_81, %dma_wait3A_186] : memref<2x1000xi32, #tpu.memory_space<vmem>> -> memref<1x1000xi32, #tpu.memory_space<vmem>>
      %dma_wait3A_188 = tpu.memref_squeeze %dma_wait3A_187 : memref<1x1000xi32, #tpu.memory_space<vmem>> -> memref<1000xi32, #tpu.memory_space<vmem>>
      %dma_wait3A_189 = arith.constant 0 : i32
      %dma_wait3A_190 = arith.constant 0 : i32
      %dma_wait3A_191 = tpu.memref_slice %arg8[%dma_wait3A_189, %dma_wait3A_190] : memref<10240x48xf32, #tpu.memory_space<vmem_shared>> -> memref<10240x48xf32, #tpu.memory_space<vmem_shared>>
      tpu.wait_indirect_dma semaphore(%run_scoped3A_171 : memref<!tpu.dma_semaphore, #tpu.memory_space<semaphore_mem>>) src(%dma_wait3A_185 : memref<1000x48xf32, #tpu.memory_space<vmem>>) dst(%dma_wait3A_191 : memref<10240x48xf32, #tpu.memory_space<vmem_shared>>)
      tpu.yield
    }) : () -> ()
    %add3A_82 = arith.constant 3000 : i32
    %add3A_83 = arith.addi %mul3A_4, %add3A_82 : i32
    %run_scoped3A_84 = arith.constant 1 : i32
    "tpu.region"() ({
      %run_scoped3A_171 = tpu.sem_alloc : memref<!tpu.dma_semaphore, #tpu.memory_space<semaphore_mem>>
      %dma_start3A_172 = arith.constant 0 : i32
      %dma_start3A_173 = tpu.memref_slice %arg6[%run_scoped3A_84, %dma_start3A_172] : memref<2x1000xi32, #tpu.memory_space<vmem>> -> memref<1x1000xi32, #tpu.memory_space<vmem>>
      %dma_start3A_174 = tpu.memref_squeeze %dma_start3A_173 : memref<1x1000xi32, #tpu.memory_space<vmem>> -> memref<1000xi32, #tpu.memory_space<vmem>>
      %dma_start3A_175 = tpu.memref_slice %arg3[%add3A_83] : memref<160000xi32, #tpu.memory_space<hbm>> -> memref<1000xi32, #tpu.memory_space<hbm>>
      %dma_start3A_176 = arith.constant 0 : i32
      %dma_start3A_177 = tpu.memref_slice %arg6[%run_scoped3A_84, %dma_start3A_176] : memref<2x1000xi32, #tpu.memory_space<vmem>> -> memref<1x1000xi32, #tpu.memory_space<vmem>>
      %dma_start3A_178 = tpu.memref_squeeze %dma_start3A_177 : memref<1x1000xi32, #tpu.memory_space<vmem>> -> memref<1000xi32, #tpu.memory_space<vmem>>
      %dma_start3A_179 = tpu.memref_slice %arg3[%add3A_83] : memref<160000xi32, #tpu.memory_space<hbm>> -> memref<1000xi32, #tpu.memory_space<hbm>>
      tpu.enqueue_dma source(%dma_start3A_179 : memref<1000xi32, #tpu.memory_space<hbm>>) target(%dma_start3A_178 : memref<1000xi32, #tpu.memory_space<vmem>>) target_semaphore(%run_scoped3A_171 : memref<!tpu.dma_semaphore, #tpu.memory_space<semaphore_mem>>)
      %dma_wait3A_180 = arith.constant 0 : i32
      %dma_wait3A_181 = tpu.memref_slice %arg6[%run_scoped3A_84, %dma_wait3A_180] : memref<2x1000xi32, #tpu.memory_space<vmem>> -> memref<1x1000xi32, #tpu.memory_space<vmem>>
      %dma_wait3A_182 = tpu.memref_squeeze %dma_wait3A_181 : memref<1x1000xi32, #tpu.memory_space<vmem>> -> memref<1000xi32, #tpu.memory_space<vmem>>
      %dma_wait3A_183 = tpu.memref_slice %arg3[%add3A_83] : memref<160000xi32, #tpu.memory_space<hbm>> -> memref<1000xi32, #tpu.memory_space<hbm>>
      %dma_wait3A_184 = arith.constant 0 : i32
      %dma_wait3A_185 = tpu.memref_slice %arg6[%run_scoped3A_84, %dma_wait3A_184] : memref<2x1000xi32, #tpu.memory_space<vmem>> -> memref<1x1000xi32, #tpu.memory_space<vmem>>
      %dma_wait3A_186 = tpu.memref_squeeze %dma_wait3A_185 : memref<1x1000xi32, #tpu.memory_space<vmem>> -> memref<1000xi32, #tpu.memory_space<vmem>>
      %dma_wait3A_187 = tpu.memref_slice %arg3[%add3A_83] : memref<160000xi32, #tpu.memory_space<hbm>> -> memref<1000xi32, #tpu.memory_space<hbm>>
      tpu.wait_dma2 semaphore(%run_scoped3A_171 : memref<!tpu.dma_semaphore, #tpu.memory_space<semaphore_mem>>) src(%dma_wait3A_187 : memref<1000xi32, #tpu.memory_space<hbm>>) dst(%dma_wait3A_186 : memref<1000xi32, #tpu.memory_space<vmem>>)
      tpu.yield
    }) : () -> ()
    %add3A_85 = arith.constant 3000 : i32
    %add3A_86 = arith.addi %mul3A_4, %add3A_85 : i32
    %dma_start3A_87 = arith.constant 1 : i32
    %dma_start3A_88 = arith.constant 0 : i32
    %dma_start3A_89 = arith.constant 0 : i32
    %dma_start3A_90 = tpu.memref_slice %arg7[%dma_start3A_87, %dma_start3A_88, %dma_start3A_89] : memref<2x1000x48xf32, #tpu.memory_space<vmem>> -> memref<1x1000x48xf32, #tpu.memory_space<vmem>>
    %dma_start3A_91 = tpu.memref_squeeze %dma_start3A_90 : memref<1x1000x48xf32, #tpu.memory_space<vmem>> -> memref<1000x48xf32, #tpu.memory_space<vmem>>
    %dma_start3A_92 = arith.constant 0 : i32
    %dma_start3A_93 = tpu.memref_slice %arg2[%add3A_86, %dma_start3A_92] : memref<160000x128xf32, #tpu.memory_space<hbm>> -> memref<1000x48xf32, #tpu.memory_space<hbm>>
    %dma_start3A_94 = arith.constant 0 : i32
    %dma_start3A_95 = arith.constant 0 : i32
    %dma_start3A_96 = tpu.memref_slice %arg7[%dma_start3A_87, %dma_start3A_94, %dma_start3A_95] : memref<2x1000x48xf32, #tpu.memory_space<vmem>> -> memref<1x1000x48xf32, #tpu.memory_space<vmem>>
    %dma_start3A_97 = tpu.memref_squeeze %dma_start3A_96 : memref<1x1000x48xf32, #tpu.memory_space<vmem>> -> memref<1000x48xf32, #tpu.memory_space<vmem>>
    %dma_start3A_98 = arith.constant 0 : i32
    %dma_start3A_99 = tpu.memref_slice %arg2[%add3A_86, %dma_start3A_98] : memref<160000x128xf32, #tpu.memory_space<hbm>> -> memref<1000x48xf32, #tpu.memory_space<hbm>>
    tpu.enqueue_dma source(%dma_start3A_99 : memref<1000x48xf32, #tpu.memory_space<hbm>>) target(%dma_start3A_97 : memref<1000x48xf32, #tpu.memory_space<vmem>>) target_semaphore(%arg10 : memref<!tpu.dma_semaphore, #tpu.memory_space<semaphore_mem>>)
    %dma_wait3A_100 = arith.constant 0 : i32
    %dma_wait3A_101 = arith.constant 0 : i32
    %dma_wait3A_102 = arith.constant 0 : i32
    %dma_wait3A_103 = tpu.memref_slice %arg7[%dma_wait3A_100, %dma_wait3A_101, %dma_wait3A_102] : memref<2x1000x48xf32, #tpu.memory_space<vmem>> -> memref<1x1000x48xf32, #tpu.memory_space<vmem>>
    %dma_wait3A_104 = tpu.memref_squeeze %dma_wait3A_103 : memref<1x1000x48xf32, #tpu.memory_space<vmem>> -> memref<1000x48xf32, #tpu.memory_space<vmem>>
    %dma_wait3A_105 = arith.constant 0 : i32
    %dma_wait3A_106 = tpu.memref_slice %arg2[%add3A_53, %dma_wait3A_105] : memref<160000x128xf32, #tpu.memory_space<hbm>> -> memref<1000x48xf32, #tpu.memory_space<hbm>>
    %dma_wait3A_107 = arith.constant 0 : i32
    %dma_wait3A_108 = arith.constant 0 : i32
    %dma_wait3A_109 = tpu.memref_slice %arg7[%dma_wait3A_100, %dma_wait3A_107, %dma_wait3A_108] : memref<2x1000x48xf32, #tpu.memory_space<vmem>> -> memref<1x1000x48xf32, #tpu.memory_space<vmem>>
    %dma_wait3A_110 = tpu.memref_squeeze %dma_wait3A_109 : memref<1x1000x48xf32, #tpu.memory_space<vmem>> -> memref<1000x48xf32, #tpu.memory_space<vmem>>
    %dma_wait3A_111 = arith.constant 0 : i32
    %dma_wait3A_112 = tpu.memref_slice %arg2[%add3A_53, %dma_wait3A_111] : memref<160000x128xf32, #tpu.memory_space<hbm>> -> memref<1000x48xf32, #tpu.memory_space<hbm>>
    tpu.wait_dma2 semaphore(%arg9 : memref<!tpu.dma_semaphore, #tpu.memory_space<semaphore_mem>>) src(%dma_wait3A_112 : memref<1000x48xf32, #tpu.memory_space<hbm>>) dst(%dma_wait3A_110 : memref<1000x48xf32, #tpu.memory_space<vmem>>)
    %run_scoped3A_113 = arith.constant 0 : i32
    %run_scoped3A_114 = arith.constant 0 : i32
    "tpu.region"() ({
      %run_scoped3A_171 = tpu.sem_alloc : memref<!tpu.dma_semaphore, #tpu.memory_space<semaphore_mem>>
      %dma_start3A_172 = arith.constant 0 : i32
      %dma_start3A_173 = arith.constant 0 : i32
      %dma_start3A_174 = tpu.memref_slice %arg7[%run_scoped3A_113, %dma_start3A_172, %dma_start3A_173] : memref<2x1000x48xf32, #tpu.memory_space<vmem>> -> memref<1x1000x48xf32, #tpu.memory_space<vmem>>
      %dma_start3A_175 = tpu.memref_squeeze %dma_start3A_174 : memref<1x1000x48xf32, #tpu.memory_space<vmem>> -> memref<1000x48xf32, #tpu.memory_space<vmem>>
      %dma_start3A_176 = arith.constant 0 : i32
      %dma_start3A_177 = tpu.memref_slice %arg6[%run_scoped3A_114, %dma_start3A_176] : memref<2x1000xi32, #tpu.memory_space<vmem>> -> memref<1x1000xi32, #tpu.memory_space<vmem>>
      %dma_start3A_178 = tpu.memref_squeeze %dma_start3A_177 : memref<1x1000xi32, #tpu.memory_space<vmem>> -> memref<1000xi32, #tpu.memory_space<vmem>>
      %dma_start3A_179 = arith.constant 0 : i32
      %dma_start3A_180 = arith.constant 0 : i32
      %dma_start3A_181 = tpu.memref_slice %arg8[%dma_start3A_179, %dma_start3A_180] : memref<10240x48xf32, #tpu.memory_space<vmem_shared>> -> memref<10240x48xf32, #tpu.memory_space<vmem_shared>>
      tpu.enqueue_indirect_dma source(%dma_start3A_175 : memref<1000x48xf32, #tpu.memory_space<vmem>>) target(%dma_start3A_181 : memref<10240x48xf32, #tpu.memory_space<vmem_shared>>) offsets(%dma_start3A_178 : memref<1000xi32, #tpu.memory_space<vmem>>) semaphore(%run_scoped3A_171 : memref<!tpu.dma_semaphore, #tpu.memory_space<semaphore_mem>>) {add = true}
      %dma_wait3A_182 = arith.constant 0 : i32
      %dma_wait3A_183 = arith.constant 0 : i32
      %dma_wait3A_184 = tpu.memref_slice %arg7[%run_scoped3A_113, %dma_wait3A_182, %dma_wait3A_183] : memref<2x1000x48xf32, #tpu.memory_space<vmem>> -> memref<1x1000x48xf32, #tpu.memory_space<vmem>>
      %dma_wait3A_185 = tpu.memref_squeeze %dma_wait3A_184 : memref<1x1000x48xf32, #tpu.memory_space<vmem>> -> memref<1000x48xf32, #tpu.memory_space<vmem>>
      %dma_wait3A_186 = arith.constant 0 : i32
      %dma_wait3A_187 = tpu.memref_slice %arg6[%run_scoped3A_114, %dma_wait3A_186] : memref<2x1000xi32, #tpu.memory_space<vmem>> -> memref<1x1000xi32, #tpu.memory_space<vmem>>
      %dma_wait3A_188 = tpu.memref_squeeze %dma_wait3A_187 : memref<1x1000xi32, #tpu.memory_space<vmem>> -> memref<1000xi32, #tpu.memory_space<vmem>>
      %dma_wait3A_189 = arith.constant 0 : i32
      %dma_wait3A_190 = arith.constant 0 : i32
      %dma_wait3A_191 = tpu.memref_slice %arg8[%dma_wait3A_189, %dma_wait3A_190] : memref<10240x48xf32, #tpu.memory_space<vmem_shared>> -> memref<10240x48xf32, #tpu.memory_space<vmem_shared>>
      tpu.wait_indirect_dma semaphore(%run_scoped3A_171 : memref<!tpu.dma_semaphore, #tpu.memory_space<semaphore_mem>>) src(%dma_wait3A_185 : memref<1000x48xf32, #tpu.memory_space<vmem>>) dst(%dma_wait3A_191 : memref<10240x48xf32, #tpu.memory_space<vmem_shared>>)
      tpu.yield
    }) : () -> ()
    %add3A_115 = arith.constant 4000 : i32
    %add3A_116 = arith.addi %mul3A_4, %add3A_115 : i32
    %run_scoped3A_117 = arith.constant 0 : i32
    "tpu.region"() ({
      %run_scoped3A_171 = tpu.sem_alloc : memref<!tpu.dma_semaphore, #tpu.memory_space<semaphore_mem>>
      %dma_start3A_172 = arith.constant 0 : i32
      %dma_start3A_173 = tpu.memref_slice %arg6[%run_scoped3A_117, %dma_start3A_172] : memref<2x1000xi32, #tpu.memory_space<vmem>> -> memref<1x1000xi32, #tpu.memory_space<vmem>>
      %dma_start3A_174 = tpu.memref_squeeze %dma_start3A_173 : memref<1x1000xi32, #tpu.memory_space<vmem>> -> memref<1000xi32, #tpu.memory_space<vmem>>
      %dma_start3A_175 = tpu.memref_slice %arg3[%add3A_116] : memref<160000xi32, #tpu.memory_space<hbm>> -> memref<1000xi32, #tpu.memory_space<hbm>>
      %dma_start3A_176 = arith.constant 0 : i32
      %dma_start3A_177 = tpu.memref_slice %arg6[%run_scoped3A_117, %dma_start3A_176] : memref<2x1000xi32, #tpu.memory_space<vmem>> -> memref<1x1000xi32, #tpu.memory_space<vmem>>
      %dma_start3A_178 = tpu.memref_squeeze %dma_start3A_177 : memref<1x1000xi32, #tpu.memory_space<vmem>> -> memref<1000xi32, #tpu.memory_space<vmem>>
      %dma_start3A_179 = tpu.memref_slice %arg3[%add3A_116] : memref<160000xi32, #tpu.memory_space<hbm>> -> memref<1000xi32, #tpu.memory_space<hbm>>
      tpu.enqueue_dma source(%dma_start3A_179 : memref<1000xi32, #tpu.memory_space<hbm>>) target(%dma_start3A_178 : memref<1000xi32, #tpu.memory_space<vmem>>) target_semaphore(%run_scoped3A_171 : memref<!tpu.dma_semaphore, #tpu.memory_space<semaphore_mem>>)
      %dma_wait3A_180 = arith.constant 0 : i32
      %dma_wait3A_181 = tpu.memref_slice %arg6[%run_scoped3A_117, %dma_wait3A_180] : memref<2x1000xi32, #tpu.memory_space<vmem>> -> memref<1x1000xi32, #tpu.memory_space<vmem>>
      %dma_wait3A_182 = tpu.memref_squeeze %dma_wait3A_181 : memref<1x1000xi32, #tpu.memory_space<vmem>> -> memref<1000xi32, #tpu.memory_space<vmem>>
      %dma_wait3A_183 = tpu.memref_slice %arg3[%add3A_116] : memref<160000xi32, #tpu.memory_space<hbm>> -> memref<1000xi32, #tpu.memory_space<hbm>>
      %dma_wait3A_184 = arith.constant 0 : i32
      %dma_wait3A_185 = tpu.memref_slice %arg6[%run_scoped3A_117, %dma_wait3A_184] : memref<2x1000xi32, #tpu.memory_space<vmem>> -> memref<1x1000xi32, #tpu.memory_space<vmem>>
      %dma_wait3A_186 = tpu.memref_squeeze %dma_wait3A_185 : memref<1x1000xi32, #tpu.memory_space<vmem>> -> memref<1000xi32, #tpu.memory_space<vmem>>
      %dma_wait3A_187 = tpu.memref_slice %arg3[%add3A_116] : memref<160000xi32, #tpu.memory_space<hbm>> -> memref<1000xi32, #tpu.memory_space<hbm>>
      tpu.wait_dma2 semaphore(%run_scoped3A_171 : memref<!tpu.dma_semaphore, #tpu.memory_space<semaphore_mem>>) src(%dma_wait3A_187 : memref<1000xi32, #tpu.memory_space<hbm>>) dst(%dma_wait3A_186 : memref<1000xi32, #tpu.memory_space<vmem>>)
      tpu.yield
    }) : () -> ()
    %add3A_118 = arith.constant 4000 : i32
    %add3A_119 = arith.addi %mul3A_4, %add3A_118 : i32
    %dma_start3A_120 = arith.constant 0 : i32
    %dma_start3A_121 = arith.constant 0 : i32
    %dma_start3A_122 = arith.constant 0 : i32
    %dma_start3A_123 = tpu.memref_slice %arg7[%dma_start3A_120, %dma_start3A_121, %dma_start3A_122] : memref<2x1000x48xf32, #tpu.memory_space<vmem>> -> memref<1x1000x48xf32, #tpu.memory_space<vmem>>
    %dma_start3A_124 = tpu.memref_squeeze %dma_start3A_123 : memref<1x1000x48xf32, #tpu.memory_space<vmem>> -> memref<1000x48xf32, #tpu.memory_space<vmem>>
    %dma_start3A_125 = arith.constant 0 : i32
    %dma_start3A_126 = tpu.memref_slice %arg2[%add3A_119, %dma_start3A_125] : memref<160000x128xf32, #tpu.memory_space<hbm>> -> memref<1000x48xf32, #tpu.memory_space<hbm>>
    %dma_start3A_127 = arith.constant 0 : i32
    %dma_start3A_128 = arith.constant 0 : i32
    %dma_start3A_129 = tpu.memref_slice %arg7[%dma_start3A_120, %dma_start3A_127, %dma_start3A_128] : memref<2x1000x48xf32, #tpu.memory_space<vmem>> -> memref<1x1000x48xf32, #tpu.memory_space<vmem>>
    %dma_start3A_130 = tpu.memref_squeeze %dma_start3A_129 : memref<1x1000x48xf32, #tpu.memory_space<vmem>> -> memref<1000x48xf32, #tpu.memory_space<vmem>>
    %dma_start3A_131 = arith.constant 0 : i32
    %dma_start3A_132 = tpu.memref_slice %arg2[%add3A_119, %dma_start3A_131] : memref<160000x128xf32, #tpu.memory_space<hbm>> -> memref<1000x48xf32, #tpu.memory_space<hbm>>
    tpu.enqueue_dma source(%dma_start3A_132 : memref<1000x48xf32, #tpu.memory_space<hbm>>) target(%dma_start3A_130 : memref<1000x48xf32, #tpu.memory_space<vmem>>) target_semaphore(%arg9 : memref<!tpu.dma_semaphore, #tpu.memory_space<semaphore_mem>>)
    %dma_wait3A_133 = arith.constant 1 : i32
    %dma_wait3A_134 = arith.constant 0 : i32
    %dma_wait3A_135 = arith.constant 0 : i32
    %dma_wait3A_136 = tpu.memref_slice %arg7[%dma_wait3A_133, %dma_wait3A_134, %dma_wait3A_135] : memref<2x1000x48xf32, #tpu.memory_space<vmem>> -> memref<1x1000x48xf32, #tpu.memory_space<vmem>>
    %dma_wait3A_137 = tpu.memref_squeeze %dma_wait3A_136 : memref<1x1000x48xf32, #tpu.memory_space<vmem>> -> memref<1000x48xf32, #tpu.memory_space<vmem>>
    %dma_wait3A_138 = arith.constant 0 : i32
    %dma_wait3A_139 = tpu.memref_slice %arg2[%add3A_86, %dma_wait3A_138] : memref<160000x128xf32, #tpu.memory_space<hbm>> -> memref<1000x48xf32, #tpu.memory_space<hbm>>
    %dma_wait3A_140 = arith.constant 0 : i32
    %dma_wait3A_141 = arith.constant 0 : i32
    %dma_wait3A_142 = tpu.memref_slice %arg7[%dma_wait3A_133, %dma_wait3A_140, %dma_wait3A_141] : memref<2x1000x48xf32, #tpu.memory_space<vmem>> -> memref<1x1000x48xf32, #tpu.memory_space<vmem>>
    %dma_wait3A_143 = tpu.memref_squeeze %dma_wait3A_142 : memref<1x1000x48xf32, #tpu.memory_space<vmem>> -> memref<1000x48xf32, #tpu.memory_space<vmem>>
    %dma_wait3A_144 = arith.constant 0 : i32
    %dma_wait3A_145 = tpu.memref_slice %arg2[%add3A_86, %dma_wait3A_144] : memref<160000x128xf32, #tpu.memory_space<hbm>> -> memref<1000x48xf32, #tpu.memory_space<hbm>>
    tpu.wait_dma2 semaphore(%arg10 : memref<!tpu.dma_semaphore, #tpu.memory_space<semaphore_mem>>) src(%dma_wait3A_145 : memref<1000x48xf32, #tpu.memory_space<hbm>>) dst(%dma_wait3A_143 : memref<1000x48xf32, #tpu.memory_space<vmem>>)
    %run_scoped3A_146 = arith.constant 1 : i32
    %run_scoped3A_147 = arith.constant 1 : i32
    "tpu.region"() ({
      %run_scoped3A_171 = tpu.sem_alloc : memref<!tpu.dma_semaphore, #tpu.memory_space<semaphore_mem>>
      %dma_start3A_172 = arith.constant 0 : i32
      %dma_start3A_173 = arith.constant 0 : i32
      %dma_start3A_174 = tpu.memref_slice %arg7[%run_scoped3A_146, %dma_start3A_172, %dma_start3A_173] : memref<2x1000x48xf32, #tpu.memory_space<vmem>> -> memref<1x1000x48xf32, #tpu.memory_space<vmem>>
      %dma_start3A_175 = tpu.memref_squeeze %dma_start3A_174 : memref<1x1000x48xf32, #tpu.memory_space<vmem>> -> memref<1000x48xf32, #tpu.memory_space<vmem>>
      %dma_start3A_176 = arith.constant 0 : i32
      %dma_start3A_177 = tpu.memref_slice %arg6[%run_scoped3A_147, %dma_start3A_176] : memref<2x1000xi32, #tpu.memory_space<vmem>> -> memref<1x1000xi32, #tpu.memory_space<vmem>>
      %dma_start3A_178 = tpu.memref_squeeze %dma_start3A_177 : memref<1x1000xi32, #tpu.memory_space<vmem>> -> memref<1000xi32, #tpu.memory_space<vmem>>
      %dma_start3A_179 = arith.constant 0 : i32
      %dma_start3A_180 = arith.constant 0 : i32
      %dma_start3A_181 = tpu.memref_slice %arg8[%dma_start3A_179, %dma_start3A_180] : memref<10240x48xf32, #tpu.memory_space<vmem_shared>> -> memref<10240x48xf32, #tpu.memory_space<vmem_shared>>
      tpu.enqueue_indirect_dma source(%dma_start3A_175 : memref<1000x48xf32, #tpu.memory_space<vmem>>) target(%dma_start3A_181 : memref<10240x48xf32, #tpu.memory_space<vmem_shared>>) offsets(%dma_start3A_178 : memref<1000xi32, #tpu.memory_space<vmem>>) semaphore(%run_scoped3A_171 : memref<!tpu.dma_semaphore, #tpu.memory_space<semaphore_mem>>) {add = true}
      %dma_wait3A_182 = arith.constant 0 : i32
      %dma_wait3A_183 = arith.constant 0 : i32
      %dma_wait3A_184 = tpu.memref_slice %arg7[%run_scoped3A_146, %dma_wait3A_182, %dma_wait3A_183] : memref<2x1000x48xf32, #tpu.memory_space<vmem>> -> memref<1x1000x48xf32, #tpu.memory_space<vmem>>
      %dma_wait3A_185 = tpu.memref_squeeze %dma_wait3A_184 : memref<1x1000x48xf32, #tpu.memory_space<vmem>> -> memref<1000x48xf32, #tpu.memory_space<vmem>>
      %dma_wait3A_186 = arith.constant 0 : i32
      %dma_wait3A_187 = tpu.memref_slice %arg6[%run_scoped3A_147, %dma_wait3A_186] : memref<2x1000xi32, #tpu.memory_space<vmem>> -> memref<1x1000xi32, #tpu.memory_space<vmem>>
      %dma_wait3A_188 = tpu.memref_squeeze %dma_wait3A_187 : memref<1x1000xi32, #tpu.memory_space<vmem>> -> memref<1000xi32, #tpu.memory_space<vmem>>
      %dma_wait3A_189 = arith.constant 0 : i32
      %dma_wait3A_190 = arith.constant 0 : i32
      %dma_wait3A_191 = tpu.memref_slice %arg8[%dma_wait3A_189, %dma_wait3A_190] : memref<10240x48xf32, #tpu.memory_space<vmem_shared>> -> memref<10240x48xf32, #tpu.memory_space<vmem_shared>>
      tpu.wait_indirect_dma semaphore(%run_scoped3A_171 : memref<!tpu.dma_semaphore, #tpu.memory_space<semaphore_mem>>) src(%dma_wait3A_185 : memref<1000x48xf32, #tpu.memory_space<vmem>>) dst(%dma_wait3A_191 : memref<10240x48xf32, #tpu.memory_space<vmem_shared>>)
      tpu.yield
    }) : () -> ()
    %dma_wait3A_148 = arith.constant 0 : i32
    %dma_wait3A_149 = arith.constant 0 : i32
    %dma_wait3A_150 = arith.constant 0 : i32
    %dma_wait3A_151 = tpu.memref_slice %arg7[%dma_wait3A_148, %dma_wait3A_149, %dma_wait3A_150] : memref<2x1000x48xf32, #tpu.memory_space<vmem>> -> memref<1x1000x48xf32, #tpu.memory_space<vmem>>
    %dma_wait3A_152 = tpu.memref_squeeze %dma_wait3A_151 : memref<1x1000x48xf32, #tpu.memory_space<vmem>> -> memref<1000x48xf32, #tpu.memory_space<vmem>>
    %dma_wait3A_153 = arith.constant 0 : i32
    %dma_wait3A_154 = tpu.memref_slice %arg2[%add3A_119, %dma_wait3A_153] : memref<160000x128xf32, #tpu.memory_space<hbm>> -> memref<1000x48xf32, #tpu.memory_space<hbm>>
    %dma_wait3A_155 = arith.constant 0 : i32
    %dma_wait3A_156 = arith.constant 0 : i32
    %dma_wait3A_157 = tpu.memref_slice %arg7[%dma_wait3A_148, %dma_wait3A_155, %dma_wait3A_156] : memref<2x1000x48xf32, #tpu.memory_space<vmem>> -> memref<1x1000x48xf32, #tpu.memory_space<vmem>>
    %dma_wait3A_158 = tpu.memref_squeeze %dma_wait3A_157 : memref<1x1000x48xf32, #tpu.memory_space<vmem>> -> memref<1000x48xf32, #tpu.memory_space<vmem>>
    %dma_wait3A_159 = arith.constant 0 : i32
    %dma_wait3A_160 = tpu.memref_slice %arg2[%add3A_119, %dma_wait3A_159] : memref<160000x128xf32, #tpu.memory_space<hbm>> -> memref<1000x48xf32, #tpu.memory_space<hbm>>
    tpu.wait_dma2 semaphore(%arg9 : memref<!tpu.dma_semaphore, #tpu.memory_space<semaphore_mem>>) src(%dma_wait3A_160 : memref<1000x48xf32, #tpu.memory_space<hbm>>) dst(%dma_wait3A_158 : memref<1000x48xf32, #tpu.memory_space<vmem>>)
    %run_scoped3A_161 = arith.constant 0 : i32
    %run_scoped3A_162 = arith.constant 0 : i32
    "tpu.region"() ({
      %run_scoped3A_171 = tpu.sem_alloc : memref<!tpu.dma_semaphore, #tpu.memory_space<semaphore_mem>>
      %dma_start3A_172 = arith.constant 0 : i32
      %dma_start3A_173 = arith.constant 0 : i32
      %dma_start3A_174 = tpu.memref_slice %arg7[%run_scoped3A_161, %dma_start3A_172, %dma_start3A_173] : memref<2x1000x48xf32, #tpu.memory_space<vmem>> -> memref<1x1000x48xf32, #tpu.memory_space<vmem>>
      %dma_start3A_175 = tpu.memref_squeeze %dma_start3A_174 : memref<1x1000x48xf32, #tpu.memory_space<vmem>> -> memref<1000x48xf32, #tpu.memory_space<vmem>>
      %dma_start3A_176 = arith.constant 0 : i32
      %dma_start3A_177 = tpu.memref_slice %arg6[%run_scoped3A_162, %dma_start3A_176] : memref<2x1000xi32, #tpu.memory_space<vmem>> -> memref<1x1000xi32, #tpu.memory_space<vmem>>
      %dma_start3A_178 = tpu.memref_squeeze %dma_start3A_177 : memref<1x1000xi32, #tpu.memory_space<vmem>> -> memref<1000xi32, #tpu.memory_space<vmem>>
      %dma_start3A_179 = arith.constant 0 : i32
      %dma_start3A_180 = arith.constant 0 : i32
      %dma_start3A_181 = tpu.memref_slice %arg8[%dma_start3A_179, %dma_start3A_180] : memref<10240x48xf32, #tpu.memory_space<vmem_shared>> -> memref<10240x48xf32, #tpu.memory_space<vmem_shared>>
      tpu.enqueue_indirect_dma source(%dma_start3A_175 : memref<1000x48xf32, #tpu.memory_space<vmem>>) target(%dma_start3A_181 : memref<10240x48xf32, #tpu.memory_space<vmem_shared>>) offsets(%dma_start3A_178 : memref<1000xi32, #tpu.memory_space<vmem>>) semaphore(%run_scoped3A_171 : memref<!tpu.dma_semaphore, #tpu.memory_space<semaphore_mem>>) {add = true}
      %dma_wait3A_182 = arith.constant 0 : i32
      %dma_wait3A_183 = arith.constant 0 : i32
      %dma_wait3A_184 = tpu.memref_slice %arg7[%run_scoped3A_161, %dma_wait3A_182, %dma_wait3A_183] : memref<2x1000x48xf32, #tpu.memory_space<vmem>> -> memref<1x1000x48xf32, #tpu.memory_space<vmem>>
      %dma_wait3A_185 = tpu.memref_squeeze %dma_wait3A_184 : memref<1x1000x48xf32, #tpu.memory_space<vmem>> -> memref<1000x48xf32, #tpu.memory_space<vmem>>
      %dma_wait3A_186 = arith.constant 0 : i32
      %dma_wait3A_187 = tpu.memref_slice %arg6[%run_scoped3A_162, %dma_wait3A_186] : memref<2x1000xi32, #tpu.memory_space<vmem>> -> memref<1x1000xi32, #tpu.memory_space<vmem>>
      %dma_wait3A_188 = tpu.memref_squeeze %dma_wait3A_187 : memref<1x1000xi32, #tpu.memory_space<vmem>> -> memref<1000xi32, #tpu.memory_space<vmem>>
      %dma_wait3A_189 = arith.constant 0 : i32
      %dma_wait3A_190 = arith.constant 0 : i32
      %dma_wait3A_191 = tpu.memref_slice %arg8[%dma_wait3A_189, %dma_wait3A_190] : memref<10240x48xf32, #tpu.memory_space<vmem_shared>> -> memref<10240x48xf32, #tpu.memory_space<vmem_shared>>
      tpu.wait_indirect_dma semaphore(%run_scoped3A_171 : memref<!tpu.dma_semaphore, #tpu.memory_space<semaphore_mem>>) src(%dma_wait3A_185 : memref<1000x48xf32, #tpu.memory_space<vmem>>) dst(%dma_wait3A_191 : memref<10240x48xf32, #tpu.memory_space<vmem_shared>>)
      tpu.yield
    }) : () -> ()
    %barrier3A_163 = arith.constant 0 : index
    tpu.barrier barrier_id(%barrier3A_163)
    %mul3A_164 = arith.constant 640 : i32
    %mul3A_165 = arith.muli %arg1, %mul3A_164 : i32
    %mul3A_166 = arith.constant 10240 : i32
    %mul3A_167 = arith.muli %arg0, %mul3A_166 : i32
    %mul3A_168 = arith.constant 640 : i32
    %mul3A_169 = arith.muli %arg1, %mul3A_168 : i32
    %add3A_170 = arith.addi %mul3A_167, %mul3A_169 : i32
    "tpu.region"() ({
      %run_scoped3A_171 = tpu.sem_alloc : memref<!tpu.dma_semaphore, #tpu.memory_space<semaphore_mem>>
      %dma_start3A_172 = arith.constant 0 : i32
      %dma_start3A_173 = tpu.memref_slice %arg5[%add3A_170, %dma_start3A_172] : memref<20480x128xf32, #tpu.memory_space<hbm>> -> memref<640x48xf32, #tpu.memory_space<hbm>>
      %dma_start3A_174 = arith.constant 0 : i32
      %dma_start3A_175 = tpu.memref_slice %arg8[%mul3A_165, %dma_start3A_174] : memref<10240x48xf32, #tpu.memory_space<vmem_shared>> -> memref<640x48xf32, #tpu.memory_space<vmem_shared>>
      tpu.enqueue_dma source(%dma_start3A_175 : memref<640x48xf32, #tpu.memory_space<vmem_shared>>) target(%dma_start3A_173 : memref<640x48xf32, #tpu.memory_space<hbm>>) target_semaphore(%run_scoped3A_171 : memref<!tpu.dma_semaphore, #tpu.memory_space<semaphore_mem>>)
      %dma_wait3A_176 = arith.constant 0 : i32
      %dma_wait3A_177 = tpu.memref_slice %arg5[%add3A_170, %dma_wait3A_176] : memref<20480x128xf32, #tpu.memory_space<hbm>> -> memref<640x48xf32, #tpu.memory_space<hbm>>
      %dma_wait3A_178 = arith.constant 0 : i32
      %dma_wait3A_179 = tpu.memref_slice %arg8[%mul3A_165, %dma_wait3A_178] : memref<10240x48xf32, #tpu.memory_space<vmem_shared>> -> memref<640x48xf32, #tpu.memory_space<vmem_shared>>
      tpu.wait_dma2 semaphore(%run_scoped3A_171 : memref<!tpu.dma_semaphore, #tpu.memory_space<semaphore_mem>>) src(%dma_wait3A_179 : memref<640x48xf32, #tpu.memory_space<vmem_shared>>) dst(%dma_wait3A_177 : memref<640x48xf32, #tpu.memory_space<hbm>>)
      tpu.yield
    }) : () -> ()
    return
  }
}

#map = affine_map<(d0, d1) -> (0, 0)>
#map1 = affine_map<(d0, d1) -> (0)>
module attributes {stable_mosaic.version = 14 : i64} {
  func.func @_gather_body(%arg0: i32, %arg1: i32, %arg2: memref<10240x32xf32, #tpu.memory_space<hbm>>, %arg3: memref<160000xi32, #tpu.memory_space<hbm>>, %arg4: memref<160000x128xf32, #tpu.memory_space<hbm>>, %arg5: memref<2x1000xi32, #tpu.memory_space<vmem>>, %arg6: memref<2x1000x32xf32, #tpu.memory_space<vmem>>, %arg7: memref<!tpu.dma_semaphore, #tpu.memory_space<semaphore_mem>>, %arg8: memref<!tpu.dma_semaphore, #tpu.memory_space<semaphore_mem>>, %arg9: memref<!tpu.dma_semaphore, #tpu.memory_space<semaphore_mem>>) attributes {dimension_semantics = [#tpu.dimension_semantics<core_parallel>, #tpu.dimension_semantics<subcore_parallel>], iteration_bounds = array<i64: 2, 16>, scalar_prefetch = 0 : i64, scratch_operands = 5 : i64, tpu.core_type = #tpu.core_type<sc_vector_subcore>, window_params = [{transform_indices = #map}, {transform_indices = #map1}, {transform_indices = #map}]} {
    %mul3A = arith.constant 16 : i32
    %mul3A_0 = arith.muli %arg0, %mul3A : i32
    %add3A = arith.addi %mul3A_0, %arg1 : i32
    %mul3A_1 = arith.constant 5000 : i32
    %mul3A_2 = arith.muli %add3A, %mul3A_1 : i32
    %run_scoped3A = arith.constant 0 : i32
    "tpu.region"() ({
      %run_scoped3A_273 = tpu.sem_alloc : memref<!tpu.dma_semaphore, #tpu.memory_space<semaphore_mem>>
      %dma_start3A_274 = arith.constant 0 : i32
      %dma_start3A_275 = tpu.memref_slice %arg5[%run_scoped3A, %dma_start3A_274] : memref<2x1000xi32, #tpu.memory_space<vmem>> -> memref<1x1000xi32, #tpu.memory_space<vmem>>
      %dma_start3A_276 = tpu.memref_squeeze %dma_start3A_275 : memref<1x1000xi32, #tpu.memory_space<vmem>> -> memref<1000xi32, #tpu.memory_space<vmem>>
      %dma_start3A_277 = tpu.memref_slice %arg3[%mul3A_2] : memref<160000xi32, #tpu.memory_space<hbm>> -> memref<1000xi32, #tpu.memory_space<hbm>>
      %dma_start3A_278 = arith.constant 0 : i32
      %dma_start3A_279 = tpu.memref_slice %arg5[%run_scoped3A, %dma_start3A_278] : memref<2x1000xi32, #tpu.memory_space<vmem>> -> memref<1x1000xi32, #tpu.memory_space<vmem>>
      %dma_start3A_280 = tpu.memref_squeeze %dma_start3A_279 : memref<1x1000xi32, #tpu.memory_space<vmem>> -> memref<1000xi32, #tpu.memory_space<vmem>>
      %dma_start3A_281 = tpu.memref_slice %arg3[%mul3A_2] : memref<160000xi32, #tpu.memory_space<hbm>> -> memref<1000xi32, #tpu.memory_space<hbm>>
      tpu.enqueue_dma source(%dma_start3A_281 : memref<1000xi32, #tpu.memory_space<hbm>>) target(%dma_start3A_280 : memref<1000xi32, #tpu.memory_space<vmem>>) target_semaphore(%run_scoped3A_273 : memref<!tpu.dma_semaphore, #tpu.memory_space<semaphore_mem>>)
      %dma_wait3A_282 = arith.constant 0 : i32
      %dma_wait3A_283 = tpu.memref_slice %arg5[%run_scoped3A, %dma_wait3A_282] : memref<2x1000xi32, #tpu.memory_space<vmem>> -> memref<1x1000xi32, #tpu.memory_space<vmem>>
      %dma_wait3A_284 = tpu.memref_squeeze %dma_wait3A_283 : memref<1x1000xi32, #tpu.memory_space<vmem>> -> memref<1000xi32, #tpu.memory_space<vmem>>
      %dma_wait3A_285 = tpu.memref_slice %arg3[%mul3A_2] : memref<160000xi32, #tpu.memory_space<hbm>> -> memref<1000xi32, #tpu.memory_space<hbm>>
      %dma_wait3A_286 = arith.constant 0 : i32
      %dma_wait3A_287 = tpu.memref_slice %arg5[%run_scoped3A, %dma_wait3A_286] : memref<2x1000xi32, #tpu.memory_space<vmem>> -> memref<1x1000xi32, #tpu.memory_space<vmem>>
      %dma_wait3A_288 = tpu.memref_squeeze %dma_wait3A_287 : memref<1x1000xi32, #tpu.memory_space<vmem>> -> memref<1000xi32, #tpu.memory_space<vmem>>
      %dma_wait3A_289 = tpu.memref_slice %arg3[%mul3A_2] : memref<160000xi32, #tpu.memory_space<hbm>> -> memref<1000xi32, #tpu.memory_space<hbm>>
      tpu.wait_dma2 semaphore(%run_scoped3A_273 : memref<!tpu.dma_semaphore, #tpu.memory_space<semaphore_mem>>) src(%dma_wait3A_289 : memref<1000xi32, #tpu.memory_space<hbm>>) dst(%dma_wait3A_288 : memref<1000xi32, #tpu.memory_space<vmem>>)
      tpu.yield
    }) : () -> ()
    %dma_start3A = arith.constant 0 : i32
    %dma_start3A_3 = arith.constant 0 : i32
    %dma_start3A_4 = arith.constant 0 : i32
    %dma_start3A_5 = arith.constant 0 : i32
    %dma_start3A_6 = tpu.memref_slice %arg6[%dma_start3A_3, %dma_start3A_4, %dma_start3A_5] : memref<2x1000x32xf32, #tpu.memory_space<vmem>> -> memref<1x1000x32xf32, #tpu.memory_space<vmem>>
    %dma_start3A_7 = tpu.memref_squeeze %dma_start3A_6 : memref<1x1000x32xf32, #tpu.memory_space<vmem>> -> memref<1000x32xf32, #tpu.memory_space<vmem>>
    %dma_start3A_8 = arith.constant 0 : i32
    %dma_start3A_9 = tpu.memref_slice %arg5[%dma_start3A, %dma_start3A_8] : memref<2x1000xi32, #tpu.memory_space<vmem>> -> memref<1x1000xi32, #tpu.memory_space<vmem>>
    %dma_start3A_10 = tpu.memref_squeeze %dma_start3A_9 : memref<1x1000xi32, #tpu.memory_space<vmem>> -> memref<1000xi32, #tpu.memory_space<vmem>>
    %dma_start3A_11 = arith.constant 0 : i32
    %dma_start3A_12 = arith.constant 0 : i32
    %dma_start3A_13 = tpu.memref_slice %arg2[%dma_start3A_11, %dma_start3A_12] : memref<10240x32xf32, #tpu.memory_space<hbm>> -> memref<10240x32xf32, #tpu.memory_space<hbm>>
    tpu.enqueue_indirect_dma source(%dma_start3A_13 : memref<10240x32xf32, #tpu.memory_space<hbm>>) target(%dma_start3A_7 : memref<1000x32xf32, #tpu.memory_space<vmem>>) offsets(%dma_start3A_10 : memref<1000xi32, #tpu.memory_space<vmem>>) semaphore(%arg7 : memref<!tpu.dma_semaphore, #tpu.memory_space<semaphore_mem>>)
    %add3A_14 = arith.constant 1000 : i32
    %add3A_15 = arith.addi %mul3A_2, %add3A_14 : i32
    %run_scoped3A_16 = arith.constant 1 : i32
    "tpu.region"() ({
      %run_scoped3A_273 = tpu.sem_alloc : memref<!tpu.dma_semaphore, #tpu.memory_space<semaphore_mem>>
      %dma_start3A_274 = arith.constant 0 : i32
      %dma_start3A_275 = tpu.memref_slice %arg5[%run_scoped3A_16, %dma_start3A_274] : memref<2x1000xi32, #tpu.memory_space<vmem>> -> memref<1x1000xi32, #tpu.memory_space<vmem>>
      %dma_start3A_276 = tpu.memref_squeeze %dma_start3A_275 : memref<1x1000xi32, #tpu.memory_space<vmem>> -> memref<1000xi32, #tpu.memory_space<vmem>>
      %dma_start3A_277 = tpu.memref_slice %arg3[%add3A_15] : memref<160000xi32, #tpu.memory_space<hbm>> -> memref<1000xi32, #tpu.memory_space<hbm>>
      %dma_start3A_278 = arith.constant 0 : i32
      %dma_start3A_279 = tpu.memref_slice %arg5[%run_scoped3A_16, %dma_start3A_278] : memref<2x1000xi32, #tpu.memory_space<vmem>> -> memref<1x1000xi32, #tpu.memory_space<vmem>>
      %dma_start3A_280 = tpu.memref_squeeze %dma_start3A_279 : memref<1x1000xi32, #tpu.memory_space<vmem>> -> memref<1000xi32, #tpu.memory_space<vmem>>
      %dma_start3A_281 = tpu.memref_slice %arg3[%add3A_15] : memref<160000xi32, #tpu.memory_space<hbm>> -> memref<1000xi32, #tpu.memory_space<hbm>>
      tpu.enqueue_dma source(%dma_start3A_281 : memref<1000xi32, #tpu.memory_space<hbm>>) target(%dma_start3A_280 : memref<1000xi32, #tpu.memory_space<vmem>>) target_semaphore(%run_scoped3A_273 : memref<!tpu.dma_semaphore, #tpu.memory_space<semaphore_mem>>)
      %dma_wait3A_282 = arith.constant 0 : i32
      %dma_wait3A_283 = tpu.memref_slice %arg5[%run_scoped3A_16, %dma_wait3A_282] : memref<2x1000xi32, #tpu.memory_space<vmem>> -> memref<1x1000xi32, #tpu.memory_space<vmem>>
      %dma_wait3A_284 = tpu.memref_squeeze %dma_wait3A_283 : memref<1x1000xi32, #tpu.memory_space<vmem>> -> memref<1000xi32, #tpu.memory_space<vmem>>
      %dma_wait3A_285 = tpu.memref_slice %arg3[%add3A_15] : memref<160000xi32, #tpu.memory_space<hbm>> -> memref<1000xi32, #tpu.memory_space<hbm>>
      %dma_wait3A_286 = arith.constant 0 : i32
      %dma_wait3A_287 = tpu.memref_slice %arg5[%run_scoped3A_16, %dma_wait3A_286] : memref<2x1000xi32, #tpu.memory_space<vmem>> -> memref<1x1000xi32, #tpu.memory_space<vmem>>
      %dma_wait3A_288 = tpu.memref_squeeze %dma_wait3A_287 : memref<1x1000xi32, #tpu.memory_space<vmem>> -> memref<1000xi32, #tpu.memory_space<vmem>>
      %dma_wait3A_289 = tpu.memref_slice %arg3[%add3A_15] : memref<160000xi32, #tpu.memory_space<hbm>> -> memref<1000xi32, #tpu.memory_space<hbm>>
      tpu.wait_dma2 semaphore(%run_scoped3A_273 : memref<!tpu.dma_semaphore, #tpu.memory_space<semaphore_mem>>) src(%dma_wait3A_289 : memref<1000xi32, #tpu.memory_space<hbm>>) dst(%dma_wait3A_288 : memref<1000xi32, #tpu.memory_space<vmem>>)
      tpu.yield
    }) : () -> ()
    %dma_wait3A = arith.constant 0 : i32
    %dma_wait3A_17 = arith.constant 0 : i32
    %dma_wait3A_18 = arith.constant 0 : i32
    %dma_wait3A_19 = arith.constant 0 : i32
    %dma_wait3A_20 = tpu.memref_slice %arg6[%dma_wait3A_17, %dma_wait3A_18, %dma_wait3A_19] : memref<2x1000x32xf32, #tpu.memory_space<vmem>> -> memref<1x1000x32xf32, #tpu.memory_space<vmem>>
    %dma_wait3A_21 = tpu.memref_squeeze %dma_wait3A_20 : memref<1x1000x32xf32, #tpu.memory_space<vmem>> -> memref<1000x32xf32, #tpu.memory_space<vmem>>
    %dma_wait3A_22 = arith.constant 0 : i32
    %dma_wait3A_23 = tpu.memref_slice %arg5[%dma_wait3A, %dma_wait3A_22] : memref<2x1000xi32, #tpu.memory_space<vmem>> -> memref<1x1000xi32, #tpu.memory_space<vmem>>
    %dma_wait3A_24 = tpu.memref_squeeze %dma_wait3A_23 : memref<1x1000xi32, #tpu.memory_space<vmem>> -> memref<1000xi32, #tpu.memory_space<vmem>>
    %dma_wait3A_25 = arith.constant 0 : i32
    %dma_wait3A_26 = arith.constant 0 : i32
    %dma_wait3A_27 = tpu.memref_slice %arg2[%dma_wait3A_25, %dma_wait3A_26] : memref<10240x32xf32, #tpu.memory_space<hbm>> -> memref<10240x32xf32, #tpu.memory_space<hbm>>
    tpu.wait_indirect_dma semaphore(%arg7 : memref<!tpu.dma_semaphore, #tpu.memory_space<semaphore_mem>>) src(%dma_wait3A_27 : memref<10240x32xf32, #tpu.memory_space<hbm>>) dst(%dma_wait3A_21 : memref<1000x32xf32, #tpu.memory_space<vmem>>)
    %add3A_28 = arith.constant 0 : i32
    %add3A_29 = arith.addi %mul3A_2, %add3A_28 : i32
    %dma_start3A_30 = arith.constant 0 : i32
    %dma_start3A_31 = arith.constant 0 : i32
    %dma_start3A_32 = arith.constant 0 : i32
    %dma_start3A_33 = tpu.memref_slice %arg6[%dma_start3A_30, %dma_start3A_31, %dma_start3A_32] : memref<2x1000x32xf32, #tpu.memory_space<vmem>> -> memref<1x1000x32xf32, #tpu.memory_space<vmem>>
    %dma_start3A_34 = tpu.memref_squeeze %dma_start3A_33 : memref<1x1000x32xf32, #tpu.memory_space<vmem>> -> memref<1000x32xf32, #tpu.memory_space<vmem>>
    %dma_start3A_35 = arith.constant 0 : i32
    %dma_start3A_36 = tpu.memref_slice %arg4[%add3A_29, %dma_start3A_35] : memref<160000x128xf32, #tpu.memory_space<hbm>> -> memref<1000x32xf32, #tpu.memory_space<hbm>>
    %dma_start3A_37 = arith.constant 0 : i32
    %dma_start3A_38 = tpu.memref_slice %arg4[%add3A_29, %dma_start3A_37] : memref<160000x128xf32, #tpu.memory_space<hbm>> -> memref<1000x32xf32, #tpu.memory_space<hbm>>
    %dma_start3A_39 = arith.constant 0 : i32
    %dma_start3A_40 = arith.constant 0 : i32
    %dma_start3A_41 = tpu.memref_slice %arg6[%dma_start3A_30, %dma_start3A_39, %dma_start3A_40] : memref<2x1000x32xf32, #tpu.memory_space<vmem>> -> memref<1x1000x32xf32, #tpu.memory_space<vmem>>
    %dma_start3A_42 = tpu.memref_squeeze %dma_start3A_41 : memref<1x1000x32xf32, #tpu.memory_space<vmem>> -> memref<1000x32xf32, #tpu.memory_space<vmem>>
    tpu.enqueue_dma source(%dma_start3A_42 : memref<1000x32xf32, #tpu.memory_space<vmem>>) target(%dma_start3A_38 : memref<1000x32xf32, #tpu.memory_space<hbm>>) target_semaphore(%arg8 : memref<!tpu.dma_semaphore, #tpu.memory_space<semaphore_mem>>)
    %dma_start3A_43 = arith.constant 1 : i32
    %dma_start3A_44 = arith.constant 1 : i32
    %dma_start3A_45 = arith.constant 0 : i32
    %dma_start3A_46 = arith.constant 0 : i32
    %dma_start3A_47 = tpu.memref_slice %arg6[%dma_start3A_44, %dma_start3A_45, %dma_start3A_46] : memref<2x1000x32xf32, #tpu.memory_space<vmem>> -> memref<1x1000x32xf32, #tpu.memory_space<vmem>>
    %dma_start3A_48 = tpu.memref_squeeze %dma_start3A_47 : memref<1x1000x32xf32, #tpu.memory_space<vmem>> -> memref<1000x32xf32, #tpu.memory_space<vmem>>
    %dma_start3A_49 = arith.constant 0 : i32
    %dma_start3A_50 = tpu.memref_slice %arg5[%dma_start3A_43, %dma_start3A_49] : memref<2x1000xi32, #tpu.memory_space<vmem>> -> memref<1x1000xi32, #tpu.memory_space<vmem>>
    %dma_start3A_51 = tpu.memref_squeeze %dma_start3A_50 : memref<1x1000xi32, #tpu.memory_space<vmem>> -> memref<1000xi32, #tpu.memory_space<vmem>>
    %dma_start3A_52 = arith.constant 0 : i32
    %dma_start3A_53 = arith.constant 0 : i32
    %dma_start3A_54 = tpu.memref_slice %arg2[%dma_start3A_52, %dma_start3A_53] : memref<10240x32xf32, #tpu.memory_space<hbm>> -> memref<10240x32xf32, #tpu.memory_space<hbm>>
    tpu.enqueue_indirect_dma source(%dma_start3A_54 : memref<10240x32xf32, #tpu.memory_space<hbm>>) target(%dma_start3A_48 : memref<1000x32xf32, #tpu.memory_space<vmem>>) offsets(%dma_start3A_51 : memref<1000xi32, #tpu.memory_space<vmem>>) semaphore(%arg7 : memref<!tpu.dma_semaphore, #tpu.memory_space<semaphore_mem>>)
    %add3A_55 = arith.constant 2000 : i32
    %add3A_56 = arith.addi %mul3A_2, %add3A_55 : i32
    %run_scoped3A_57 = arith.constant 0 : i32
    "tpu.region"() ({
      %run_scoped3A_273 = tpu.sem_alloc : memref<!tpu.dma_semaphore, #tpu.memory_space<semaphore_mem>>
      %dma_start3A_274 = arith.constant 0 : i32
      %dma_start3A_275 = tpu.memref_slice %arg5[%run_scoped3A_57, %dma_start3A_274] : memref<2x1000xi32, #tpu.memory_space<vmem>> -> memref<1x1000xi32, #tpu.memory_space<vmem>>
      %dma_start3A_276 = tpu.memref_squeeze %dma_start3A_275 : memref<1x1000xi32, #tpu.memory_space<vmem>> -> memref<1000xi32, #tpu.memory_space<vmem>>
      %dma_start3A_277 = tpu.memref_slice %arg3[%add3A_56] : memref<160000xi32, #tpu.memory_space<hbm>> -> memref<1000xi32, #tpu.memory_space<hbm>>
      %dma_start3A_278 = arith.constant 0 : i32
      %dma_start3A_279 = tpu.memref_slice %arg5[%run_scoped3A_57, %dma_start3A_278] : memref<2x1000xi32, #tpu.memory_space<vmem>> -> memref<1x1000xi32, #tpu.memory_space<vmem>>
      %dma_start3A_280 = tpu.memref_squeeze %dma_start3A_279 : memref<1x1000xi32, #tpu.memory_space<vmem>> -> memref<1000xi32, #tpu.memory_space<vmem>>
      %dma_start3A_281 = tpu.memref_slice %arg3[%add3A_56] : memref<160000xi32, #tpu.memory_space<hbm>> -> memref<1000xi32, #tpu.memory_space<hbm>>
      tpu.enqueue_dma source(%dma_start3A_281 : memref<1000xi32, #tpu.memory_space<hbm>>) target(%dma_start3A_280 : memref<1000xi32, #tpu.memory_space<vmem>>) target_semaphore(%run_scoped3A_273 : memref<!tpu.dma_semaphore, #tpu.memory_space<semaphore_mem>>)
      %dma_wait3A_282 = arith.constant 0 : i32
      %dma_wait3A_283 = tpu.memref_slice %arg5[%run_scoped3A_57, %dma_wait3A_282] : memref<2x1000xi32, #tpu.memory_space<vmem>> -> memref<1x1000xi32, #tpu.memory_space<vmem>>
      %dma_wait3A_284 = tpu.memref_squeeze %dma_wait3A_283 : memref<1x1000xi32, #tpu.memory_space<vmem>> -> memref<1000xi32, #tpu.memory_space<vmem>>
      %dma_wait3A_285 = tpu.memref_slice %arg3[%add3A_56] : memref<160000xi32, #tpu.memory_space<hbm>> -> memref<1000xi32, #tpu.memory_space<hbm>>
      %dma_wait3A_286 = arith.constant 0 : i32
      %dma_wait3A_287 = tpu.memref_slice %arg5[%run_scoped3A_57, %dma_wait3A_286] : memref<2x1000xi32, #tpu.memory_space<vmem>> -> memref<1x1000xi32, #tpu.memory_space<vmem>>
      %dma_wait3A_288 = tpu.memref_squeeze %dma_wait3A_287 : memref<1x1000xi32, #tpu.memory_space<vmem>> -> memref<1000xi32, #tpu.memory_space<vmem>>
      %dma_wait3A_289 = tpu.memref_slice %arg3[%add3A_56] : memref<160000xi32, #tpu.memory_space<hbm>> -> memref<1000xi32, #tpu.memory_space<hbm>>
      tpu.wait_dma2 semaphore(%run_scoped3A_273 : memref<!tpu.dma_semaphore, #tpu.memory_space<semaphore_mem>>) src(%dma_wait3A_289 : memref<1000xi32, #tpu.memory_space<hbm>>) dst(%dma_wait3A_288 : memref<1000xi32, #tpu.memory_space<vmem>>)
      tpu.yield
    }) : () -> ()
    %dma_wait3A_58 = arith.constant 1 : i32
    %dma_wait3A_59 = arith.constant 1 : i32
    %dma_wait3A_60 = arith.constant 0 : i32
    %dma_wait3A_61 = arith.constant 0 : i32
    %dma_wait3A_62 = tpu.memref_slice %arg6[%dma_wait3A_59, %dma_wait3A_60, %dma_wait3A_61] : memref<2x1000x32xf32, #tpu.memory_space<vmem>> -> memref<1x1000x32xf32, #tpu.memory_space<vmem>>
    %dma_wait3A_63 = tpu.memref_squeeze %dma_wait3A_62 : memref<1x1000x32xf32, #tpu.memory_space<vmem>> -> memref<1000x32xf32, #tpu.memory_space<vmem>>
    %dma_wait3A_64 = arith.constant 0 : i32
    %dma_wait3A_65 = tpu.memref_slice %arg5[%dma_wait3A_58, %dma_wait3A_64] : memref<2x1000xi32, #tpu.memory_space<vmem>> -> memref<1x1000xi32, #tpu.memory_space<vmem>>
    %dma_wait3A_66 = tpu.memref_squeeze %dma_wait3A_65 : memref<1x1000xi32, #tpu.memory_space<vmem>> -> memref<1000xi32, #tpu.memory_space<vmem>>
    %dma_wait3A_67 = arith.constant 0 : i32
    %dma_wait3A_68 = arith.constant 0 : i32
    %dma_wait3A_69 = tpu.memref_slice %arg2[%dma_wait3A_67, %dma_wait3A_68] : memref<10240x32xf32, #tpu.memory_space<hbm>> -> memref<10240x32xf32, #tpu.memory_space<hbm>>
    tpu.wait_indirect_dma semaphore(%arg7 : memref<!tpu.dma_semaphore, #tpu.memory_space<semaphore_mem>>) src(%dma_wait3A_69 : memref<10240x32xf32, #tpu.memory_space<hbm>>) dst(%dma_wait3A_63 : memref<1000x32xf32, #tpu.memory_space<vmem>>)
    %add3A_70 = arith.constant 1000 : i32
    %add3A_71 = arith.addi %mul3A_2, %add3A_70 : i32
    %dma_start3A_72 = arith.constant 1 : i32
    %dma_start3A_73 = arith.constant 0 : i32
    %dma_start3A_74 = arith.constant 0 : i32
    %dma_start3A_75 = tpu.memref_slice %arg6[%dma_start3A_72, %dma_start3A_73, %dma_start3A_74] : memref<2x1000x32xf32, #tpu.memory_space<vmem>> -> memref<1x1000x32xf32, #tpu.memory_space<vmem>>
    %dma_start3A_76 = tpu.memref_squeeze %dma_start3A_75 : memref<1x1000x32xf32, #tpu.memory_space<vmem>> -> memref<1000x32xf32, #tpu.memory_space<vmem>>
    %dma_start3A_77 = arith.constant 0 : i32
    %dma_start3A_78 = tpu.memref_slice %arg4[%add3A_71, %dma_start3A_77] : memref<160000x128xf32, #tpu.memory_space<hbm>> -> memref<1000x32xf32, #tpu.memory_space<hbm>>
    %dma_start3A_79 = arith.constant 0 : i32
    %dma_start3A_80 = tpu.memref_slice %arg4[%add3A_71, %dma_start3A_79] : memref<160000x128xf32, #tpu.memory_space<hbm>> -> memref<1000x32xf32, #tpu.memory_space<hbm>>
    %dma_start3A_81 = arith.constant 0 : i32
    %dma_start3A_82 = arith.constant 0 : i32
    %dma_start3A_83 = tpu.memref_slice %arg6[%dma_start3A_72, %dma_start3A_81, %dma_start3A_82] : memref<2x1000x32xf32, #tpu.memory_space<vmem>> -> memref<1x1000x32xf32, #tpu.memory_space<vmem>>
    %dma_start3A_84 = tpu.memref_squeeze %dma_start3A_83 : memref<1x1000x32xf32, #tpu.memory_space<vmem>> -> memref<1000x32xf32, #tpu.memory_space<vmem>>
    tpu.enqueue_dma source(%dma_start3A_84 : memref<1000x32xf32, #tpu.memory_space<vmem>>) target(%dma_start3A_80 : memref<1000x32xf32, #tpu.memory_space<hbm>>) target_semaphore(%arg9 : memref<!tpu.dma_semaphore, #tpu.memory_space<semaphore_mem>>)
    %dma_wait3A_85 = arith.constant 0 : i32
    %dma_wait3A_86 = arith.constant 0 : i32
    %dma_wait3A_87 = arith.constant 0 : i32
    %dma_wait3A_88 = tpu.memref_slice %arg6[%dma_wait3A_85, %dma_wait3A_86, %dma_wait3A_87] : memref<2x1000x32xf32, #tpu.memory_space<vmem>> -> memref<1x1000x32xf32, #tpu.memory_space<vmem>>
    %dma_wait3A_89 = tpu.memref_squeeze %dma_wait3A_88 : memref<1x1000x32xf32, #tpu.memory_space<vmem>> -> memref<1000x32xf32, #tpu.memory_space<vmem>>
    %dma_wait3A_90 = arith.constant 0 : i32
    %dma_wait3A_91 = tpu.memref_slice %arg4[%add3A_29, %dma_wait3A_90] : memref<160000x128xf32, #tpu.memory_space<hbm>> -> memref<1000x32xf32, #tpu.memory_space<hbm>>
    %dma_wait3A_92 = arith.constant 0 : i32
    %dma_wait3A_93 = tpu.memref_slice %arg4[%add3A_29, %dma_wait3A_92] : memref<160000x128xf32, #tpu.memory_space<hbm>> -> memref<1000x32xf32, #tpu.memory_space<hbm>>
    %dma_wait3A_94 = arith.constant 0 : i32
    %dma_wait3A_95 = arith.constant 0 : i32
    %dma_wait3A_96 = tpu.memref_slice %arg6[%dma_wait3A_85, %dma_wait3A_94, %dma_wait3A_95] : memref<2x1000x32xf32, #tpu.memory_space<vmem>> -> memref<1x1000x32xf32, #tpu.memory_space<vmem>>
    %dma_wait3A_97 = tpu.memref_squeeze %dma_wait3A_96 : memref<1x1000x32xf32, #tpu.memory_space<vmem>> -> memref<1000x32xf32, #tpu.memory_space<vmem>>
    tpu.wait_dma2 semaphore(%arg8 : memref<!tpu.dma_semaphore, #tpu.memory_space<semaphore_mem>>) src(%dma_wait3A_97 : memref<1000x32xf32, #tpu.memory_space<vmem>>) dst(%dma_wait3A_93 : memref<1000x32xf32, #tpu.memory_space<hbm>>)
    %dma_start3A_98 = arith.constant 0 : i32
    %dma_start3A_99 = arith.constant 0 : i32
    %dma_start3A_100 = arith.constant 0 : i32
    %dma_start3A_101 = arith.constant 0 : i32
    %dma_start3A_102 = tpu.memref_slice %arg6[%dma_start3A_99, %dma_start3A_100, %dma_start3A_101] : memref<2x1000x32xf32, #tpu.memory_space<vmem>> -> memref<1x1000x32xf32, #tpu.memory_space<vmem>>
    %dma_start3A_103 = tpu.memref_squeeze %dma_start3A_102 : memref<1x1000x32xf32, #tpu.memory_space<vmem>> -> memref<1000x32xf32, #tpu.memory_space<vmem>>
    %dma_start3A_104 = arith.constant 0 : i32
    %dma_start3A_105 = tpu.memref_slice %arg5[%dma_start3A_98, %dma_start3A_104] : memref<2x1000xi32, #tpu.memory_space<vmem>> -> memref<1x1000xi32, #tpu.memory_space<vmem>>
    %dma_start3A_106 = tpu.memref_squeeze %dma_start3A_105 : memref<1x1000xi32, #tpu.memory_space<vmem>> -> memref<1000xi32, #tpu.memory_space<vmem>>
    %dma_start3A_107 = arith.constant 0 : i32
    %dma_start3A_108 = arith.constant 0 : i32
    %dma_start3A_109 = tpu.memref_slice %arg2[%dma_start3A_107, %dma_start3A_108] : memref<10240x32xf32, #tpu.memory_space<hbm>> -> memref<10240x32xf32, #tpu.memory_space<hbm>>
    tpu.enqueue_indirect_dma source(%dma_start3A_109 : memref<10240x32xf32, #tpu.memory_space<hbm>>) target(%dma_start3A_103 : memref<1000x32xf32, #tpu.memory_space<vmem>>) offsets(%dma_start3A_106 : memref<1000xi32, #tpu.memory_space<vmem>>) semaphore(%arg7 : memref<!tpu.dma_semaphore, #tpu.memory_space<semaphore_mem>>)
    %add3A_110 = arith.constant 3000 : i32
    %add3A_111 = arith.addi %mul3A_2, %add3A_110 : i32
    %run_scoped3A_112 = arith.constant 1 : i32
    "tpu.region"() ({
      %run_scoped3A_273 = tpu.sem_alloc : memref<!tpu.dma_semaphore, #tpu.memory_space<semaphore_mem>>
      %dma_start3A_274 = arith.constant 0 : i32
      %dma_start3A_275 = tpu.memref_slice %arg5[%run_scoped3A_112, %dma_start3A_274] : memref<2x1000xi32, #tpu.memory_space<vmem>> -> memref<1x1000xi32, #tpu.memory_space<vmem>>
      %dma_start3A_276 = tpu.memref_squeeze %dma_start3A_275 : memref<1x1000xi32, #tpu.memory_space<vmem>> -> memref<1000xi32, #tpu.memory_space<vmem>>
      %dma_start3A_277 = tpu.memref_slice %arg3[%add3A_111] : memref<160000xi32, #tpu.memory_space<hbm>> -> memref<1000xi32, #tpu.memory_space<hbm>>
      %dma_start3A_278 = arith.constant 0 : i32
      %dma_start3A_279 = tpu.memref_slice %arg5[%run_scoped3A_112, %dma_start3A_278] : memref<2x1000xi32, #tpu.memory_space<vmem>> -> memref<1x1000xi32, #tpu.memory_space<vmem>>
      %dma_start3A_280 = tpu.memref_squeeze %dma_start3A_279 : memref<1x1000xi32, #tpu.memory_space<vmem>> -> memref<1000xi32, #tpu.memory_space<vmem>>
      %dma_start3A_281 = tpu.memref_slice %arg3[%add3A_111] : memref<160000xi32, #tpu.memory_space<hbm>> -> memref<1000xi32, #tpu.memory_space<hbm>>
      tpu.enqueue_dma source(%dma_start3A_281 : memref<1000xi32, #tpu.memory_space<hbm>>) target(%dma_start3A_280 : memref<1000xi32, #tpu.memory_space<vmem>>) target_semaphore(%run_scoped3A_273 : memref<!tpu.dma_semaphore, #tpu.memory_space<semaphore_mem>>)
      %dma_wait3A_282 = arith.constant 0 : i32
      %dma_wait3A_283 = tpu.memref_slice %arg5[%run_scoped3A_112, %dma_wait3A_282] : memref<2x1000xi32, #tpu.memory_space<vmem>> -> memref<1x1000xi32, #tpu.memory_space<vmem>>
      %dma_wait3A_284 = tpu.memref_squeeze %dma_wait3A_283 : memref<1x1000xi32, #tpu.memory_space<vmem>> -> memref<1000xi32, #tpu.memory_space<vmem>>
      %dma_wait3A_285 = tpu.memref_slice %arg3[%add3A_111] : memref<160000xi32, #tpu.memory_space<hbm>> -> memref<1000xi32, #tpu.memory_space<hbm>>
      %dma_wait3A_286 = arith.constant 0 : i32
      %dma_wait3A_287 = tpu.memref_slice %arg5[%run_scoped3A_112, %dma_wait3A_286] : memref<2x1000xi32, #tpu.memory_space<vmem>> -> memref<1x1000xi32, #tpu.memory_space<vmem>>
      %dma_wait3A_288 = tpu.memref_squeeze %dma_wait3A_287 : memref<1x1000xi32, #tpu.memory_space<vmem>> -> memref<1000xi32, #tpu.memory_space<vmem>>
      %dma_wait3A_289 = tpu.memref_slice %arg3[%add3A_111] : memref<160000xi32, #tpu.memory_space<hbm>> -> memref<1000xi32, #tpu.memory_space<hbm>>
      tpu.wait_dma2 semaphore(%run_scoped3A_273 : memref<!tpu.dma_semaphore, #tpu.memory_space<semaphore_mem>>) src(%dma_wait3A_289 : memref<1000xi32, #tpu.memory_space<hbm>>) dst(%dma_wait3A_288 : memref<1000xi32, #tpu.memory_space<vmem>>)
      tpu.yield
    }) : () -> ()
    %dma_wait3A_113 = arith.constant 0 : i32
    %dma_wait3A_114 = arith.constant 0 : i32
    %dma_wait3A_115 = arith.constant 0 : i32
    %dma_wait3A_116 = arith.constant 0 : i32
    %dma_wait3A_117 = tpu.memref_slice %arg6[%dma_wait3A_114, %dma_wait3A_115, %dma_wait3A_116] : memref<2x1000x32xf32, #tpu.memory_space<vmem>> -> memref<1x1000x32xf32, #tpu.memory_space<vmem>>
    %dma_wait3A_118 = tpu.memref_squeeze %dma_wait3A_117 : memref<1x1000x32xf32, #tpu.memory_space<vmem>> -> memref<1000x32xf32, #tpu.memory_space<vmem>>
    %dma_wait3A_119 = arith.constant 0 : i32
    %dma_wait3A_120 = tpu.memref_slice %arg5[%dma_wait3A_113, %dma_wait3A_119] : memref<2x1000xi32, #tpu.memory_space<vmem>> -> memref<1x1000xi32, #tpu.memory_space<vmem>>
    %dma_wait3A_121 = tpu.memref_squeeze %dma_wait3A_120 : memref<1x1000xi32, #tpu.memory_space<vmem>> -> memref<1000xi32, #tpu.memory_space<vmem>>
    %dma_wait3A_122 = arith.constant 0 : i32
    %dma_wait3A_123 = arith.constant 0 : i32
    %dma_wait3A_124 = tpu.memref_slice %arg2[%dma_wait3A_122, %dma_wait3A_123] : memref<10240x32xf32, #tpu.memory_space<hbm>> -> memref<10240x32xf32, #tpu.memory_space<hbm>>
    tpu.wait_indirect_dma semaphore(%arg7 : memref<!tpu.dma_semaphore, #tpu.memory_space<semaphore_mem>>) src(%dma_wait3A_124 : memref<10240x32xf32, #tpu.memory_space<hbm>>) dst(%dma_wait3A_118 : memref<1000x32xf32, #tpu.memory_space<vmem>>)
    %add3A_125 = arith.constant 2000 : i32
    %add3A_126 = arith.addi %mul3A_2, %add3A_125 : i32
    %dma_start3A_127 = arith.constant 0 : i32
    %dma_start3A_128 = arith.constant 0 : i32
    %dma_start3A_129 = arith.constant 0 : i32
    %dma_start3A_130 = tpu.memref_slice %arg6[%dma_start3A_127, %dma_start3A_128, %dma_start3A_129] : memref<2x1000x32xf32, #tpu.memory_space<vmem>> -> memref<1x1000x32xf32, #tpu.memory_space<vmem>>
    %dma_start3A_131 = tpu.memref_squeeze %dma_start3A_130 : memref<1x1000x32xf32, #tpu.memory_space<vmem>> -> memref<1000x32xf32, #tpu.memory_space<vmem>>
    %dma_start3A_132 = arith.constant 0 : i32
    %dma_start3A_133 = tpu.memref_slice %arg4[%add3A_126, %dma_start3A_132] : memref<160000x128xf32, #tpu.memory_space<hbm>> -> memref<1000x32xf32, #tpu.memory_space<hbm>>
    %dma_start3A_134 = arith.constant 0 : i32
    %dma_start3A_135 = tpu.memref_slice %arg4[%add3A_126, %dma_start3A_134] : memref<160000x128xf32, #tpu.memory_space<hbm>> -> memref<1000x32xf32, #tpu.memory_space<hbm>>
    %dma_start3A_136 = arith.constant 0 : i32
    %dma_start3A_137 = arith.constant 0 : i32
    %dma_start3A_138 = tpu.memref_slice %arg6[%dma_start3A_127, %dma_start3A_136, %dma_start3A_137] : memref<2x1000x32xf32, #tpu.memory_space<vmem>> -> memref<1x1000x32xf32, #tpu.memory_space<vmem>>
    %dma_start3A_139 = tpu.memref_squeeze %dma_start3A_138 : memref<1x1000x32xf32, #tpu.memory_space<vmem>> -> memref<1000x32xf32, #tpu.memory_space<vmem>>
    tpu.enqueue_dma source(%dma_start3A_139 : memref<1000x32xf32, #tpu.memory_space<vmem>>) target(%dma_start3A_135 : memref<1000x32xf32, #tpu.memory_space<hbm>>) target_semaphore(%arg8 : memref<!tpu.dma_semaphore, #tpu.memory_space<semaphore_mem>>)
    %dma_wait3A_140 = arith.constant 1 : i32
    %dma_wait3A_141 = arith.constant 0 : i32
    %dma_wait3A_142 = arith.constant 0 : i32
    %dma_wait3A_143 = tpu.memref_slice %arg6[%dma_wait3A_140, %dma_wait3A_141, %dma_wait3A_142] : memref<2x1000x32xf32, #tpu.memory_space<vmem>> -> memref<1x1000x32xf32, #tpu.memory_space<vmem>>
    %dma_wait3A_144 = tpu.memref_squeeze %dma_wait3A_143 : memref<1x1000x32xf32, #tpu.memory_space<vmem>> -> memref<1000x32xf32, #tpu.memory_space<vmem>>
    %dma_wait3A_145 = arith.constant 0 : i32
    %dma_wait3A_146 = tpu.memref_slice %arg4[%add3A_71, %dma_wait3A_145] : memref<160000x128xf32, #tpu.memory_space<hbm>> -> memref<1000x32xf32, #tpu.memory_space<hbm>>
    %dma_wait3A_147 = arith.constant 0 : i32
    %dma_wait3A_148 = tpu.memref_slice %arg4[%add3A_71, %dma_wait3A_147] : memref<160000x128xf32, #tpu.memory_space<hbm>> -> memref<1000x32xf32, #tpu.memory_space<hbm>>
    %dma_wait3A_149 = arith.constant 0 : i32
    %dma_wait3A_150 = arith.constant 0 : i32
    %dma_wait3A_151 = tpu.memref_slice %arg6[%dma_wait3A_140, %dma_wait3A_149, %dma_wait3A_150] : memref<2x1000x32xf32, #tpu.memory_space<vmem>> -> memref<1x1000x32xf32, #tpu.memory_space<vmem>>
    %dma_wait3A_152 = tpu.memref_squeeze %dma_wait3A_151 : memref<1x1000x32xf32, #tpu.memory_space<vmem>> -> memref<1000x32xf32, #tpu.memory_space<vmem>>
    tpu.wait_dma2 semaphore(%arg9 : memref<!tpu.dma_semaphore, #tpu.memory_space<semaphore_mem>>) src(%dma_wait3A_152 : memref<1000x32xf32, #tpu.memory_space<vmem>>) dst(%dma_wait3A_148 : memref<1000x32xf32, #tpu.memory_space<hbm>>)
    %dma_start3A_153 = arith.constant 1 : i32
    %dma_start3A_154 = arith.constant 1 : i32
    %dma_start3A_155 = arith.constant 0 : i32
    %dma_start3A_156 = arith.constant 0 : i32
    %dma_start3A_157 = tpu.memref_slice %arg6[%dma_start3A_154, %dma_start3A_155, %dma_start3A_156] : memref<2x1000x32xf32, #tpu.memory_space<vmem>> -> memref<1x1000x32xf32, #tpu.memory_space<vmem>>
    %dma_start3A_158 = tpu.memref_squeeze %dma_start3A_157 : memref<1x1000x32xf32, #tpu.memory_space<vmem>> -> memref<1000x32xf32, #tpu.memory_space<vmem>>
    %dma_start3A_159 = arith.constant 0 : i32
    %dma_start3A_160 = tpu.memref_slice %arg5[%dma_start3A_153, %dma_start3A_159] : memref<2x1000xi32, #tpu.memory_space<vmem>> -> memref<1x1000xi32, #tpu.memory_space<vmem>>
    %dma_start3A_161 = tpu.memref_squeeze %dma_start3A_160 : memref<1x1000xi32, #tpu.memory_space<vmem>> -> memref<1000xi32, #tpu.memory_space<vmem>>
    %dma_start3A_162 = arith.constant 0 : i32
    %dma_start3A_163 = arith.constant 0 : i32
    %dma_start3A_164 = tpu.memref_slice %arg2[%dma_start3A_162, %dma_start3A_163] : memref<10240x32xf32, #tpu.memory_space<hbm>> -> memref<10240x32xf32, #tpu.memory_space<hbm>>
    tpu.enqueue_indirect_dma source(%dma_start3A_164 : memref<10240x32xf32, #tpu.memory_space<hbm>>) target(%dma_start3A_158 : memref<1000x32xf32, #tpu.memory_space<vmem>>) offsets(%dma_start3A_161 : memref<1000xi32, #tpu.memory_space<vmem>>) semaphore(%arg7 : memref<!tpu.dma_semaphore, #tpu.memory_space<semaphore_mem>>)
    %add3A_165 = arith.constant 4000 : i32
    %add3A_166 = arith.addi %mul3A_2, %add3A_165 : i32
    %run_scoped3A_167 = arith.constant 0 : i32
    "tpu.region"() ({
      %run_scoped3A_273 = tpu.sem_alloc : memref<!tpu.dma_semaphore, #tpu.memory_space<semaphore_mem>>
      %dma_start3A_274 = arith.constant 0 : i32
      %dma_start3A_275 = tpu.memref_slice %arg5[%run_scoped3A_167, %dma_start3A_274] : memref<2x1000xi32, #tpu.memory_space<vmem>> -> memref<1x1000xi32, #tpu.memory_space<vmem>>
      %dma_start3A_276 = tpu.memref_squeeze %dma_start3A_275 : memref<1x1000xi32, #tpu.memory_space<vmem>> -> memref<1000xi32, #tpu.memory_space<vmem>>
      %dma_start3A_277 = tpu.memref_slice %arg3[%add3A_166] : memref<160000xi32, #tpu.memory_space<hbm>> -> memref<1000xi32, #tpu.memory_space<hbm>>
      %dma_start3A_278 = arith.constant 0 : i32
      %dma_start3A_279 = tpu.memref_slice %arg5[%run_scoped3A_167, %dma_start3A_278] : memref<2x1000xi32, #tpu.memory_space<vmem>> -> memref<1x1000xi32, #tpu.memory_space<vmem>>
      %dma_start3A_280 = tpu.memref_squeeze %dma_start3A_279 : memref<1x1000xi32, #tpu.memory_space<vmem>> -> memref<1000xi32, #tpu.memory_space<vmem>>
      %dma_start3A_281 = tpu.memref_slice %arg3[%add3A_166] : memref<160000xi32, #tpu.memory_space<hbm>> -> memref<1000xi32, #tpu.memory_space<hbm>>
      tpu.enqueue_dma source(%dma_start3A_281 : memref<1000xi32, #tpu.memory_space<hbm>>) target(%dma_start3A_280 : memref<1000xi32, #tpu.memory_space<vmem>>) target_semaphore(%run_scoped3A_273 : memref<!tpu.dma_semaphore, #tpu.memory_space<semaphore_mem>>)
      %dma_wait3A_282 = arith.constant 0 : i32
      %dma_wait3A_283 = tpu.memref_slice %arg5[%run_scoped3A_167, %dma_wait3A_282] : memref<2x1000xi32, #tpu.memory_space<vmem>> -> memref<1x1000xi32, #tpu.memory_space<vmem>>
      %dma_wait3A_284 = tpu.memref_squeeze %dma_wait3A_283 : memref<1x1000xi32, #tpu.memory_space<vmem>> -> memref<1000xi32, #tpu.memory_space<vmem>>
      %dma_wait3A_285 = tpu.memref_slice %arg3[%add3A_166] : memref<160000xi32, #tpu.memory_space<hbm>> -> memref<1000xi32, #tpu.memory_space<hbm>>
      %dma_wait3A_286 = arith.constant 0 : i32
      %dma_wait3A_287 = tpu.memref_slice %arg5[%run_scoped3A_167, %dma_wait3A_286] : memref<2x1000xi32, #tpu.memory_space<vmem>> -> memref<1x1000xi32, #tpu.memory_space<vmem>>
      %dma_wait3A_288 = tpu.memref_squeeze %dma_wait3A_287 : memref<1x1000xi32, #tpu.memory_space<vmem>> -> memref<1000xi32, #tpu.memory_space<vmem>>
      %dma_wait3A_289 = tpu.memref_slice %arg3[%add3A_166] : memref<160000xi32, #tpu.memory_space<hbm>> -> memref<1000xi32, #tpu.memory_space<hbm>>
      tpu.wait_dma2 semaphore(%run_scoped3A_273 : memref<!tpu.dma_semaphore, #tpu.memory_space<semaphore_mem>>) src(%dma_wait3A_289 : memref<1000xi32, #tpu.memory_space<hbm>>) dst(%dma_wait3A_288 : memref<1000xi32, #tpu.memory_space<vmem>>)
      tpu.yield
    }) : () -> ()
    %dma_wait3A_168 = arith.constant 1 : i32
    %dma_wait3A_169 = arith.constant 1 : i32
    %dma_wait3A_170 = arith.constant 0 : i32
    %dma_wait3A_171 = arith.constant 0 : i32
    %dma_wait3A_172 = tpu.memref_slice %arg6[%dma_wait3A_169, %dma_wait3A_170, %dma_wait3A_171] : memref<2x1000x32xf32, #tpu.memory_space<vmem>> -> memref<1x1000x32xf32, #tpu.memory_space<vmem>>
    %dma_wait3A_173 = tpu.memref_squeeze %dma_wait3A_172 : memref<1x1000x32xf32, #tpu.memory_space<vmem>> -> memref<1000x32xf32, #tpu.memory_space<vmem>>
    %dma_wait3A_174 = arith.constant 0 : i32
    %dma_wait3A_175 = tpu.memref_slice %arg5[%dma_wait3A_168, %dma_wait3A_174] : memref<2x1000xi32, #tpu.memory_space<vmem>> -> memref<1x1000xi32, #tpu.memory_space<vmem>>
    %dma_wait3A_176 = tpu.memref_squeeze %dma_wait3A_175 : memref<1x1000xi32, #tpu.memory_space<vmem>> -> memref<1000xi32, #tpu.memory_space<vmem>>
    %dma_wait3A_177 = arith.constant 0 : i32
    %dma_wait3A_178 = arith.constant 0 : i32
    %dma_wait3A_179 = tpu.memref_slice %arg2[%dma_wait3A_177, %dma_wait3A_178] : memref<10240x32xf32, #tpu.memory_space<hbm>> -> memref<10240x32xf32, #tpu.memory_space<hbm>>
    tpu.wait_indirect_dma semaphore(%arg7 : memref<!tpu.dma_semaphore, #tpu.memory_space<semaphore_mem>>) src(%dma_wait3A_179 : memref<10240x32xf32, #tpu.memory_space<hbm>>) dst(%dma_wait3A_173 : memref<1000x32xf32, #tpu.memory_space<vmem>>)
    %add3A_180 = arith.constant 3000 : i32
    %add3A_181 = arith.addi %mul3A_2, %add3A_180 : i32
    %dma_start3A_182 = arith.constant 1 : i32
    %dma_start3A_183 = arith.constant 0 : i32
    %dma_start3A_184 = arith.constant 0 : i32
    %dma_start3A_185 = tpu.memref_slice %arg6[%dma_start3A_182, %dma_start3A_183, %dma_start3A_184] : memref<2x1000x32xf32, #tpu.memory_space<vmem>> -> memref<1x1000x32xf32, #tpu.memory_space<vmem>>
    %dma_start3A_186 = tpu.memref_squeeze %dma_start3A_185 : memref<1x1000x32xf32, #tpu.memory_space<vmem>> -> memref<1000x32xf32, #tpu.memory_space<vmem>>
    %dma_start3A_187 = arith.constant 0 : i32
    %dma_start3A_188 = tpu.memref_slice %arg4[%add3A_181, %dma_start3A_187] : memref<160000x128xf32, #tpu.memory_space<hbm>> -> memref<1000x32xf32, #tpu.memory_space<hbm>>
    %dma_start3A_189 = arith.constant 0 : i32
    %dma_start3A_190 = tpu.memref_slice %arg4[%add3A_181, %dma_start3A_189] : memref<160000x128xf32, #tpu.memory_space<hbm>> -> memref<1000x32xf32, #tpu.memory_space<hbm>>
    %dma_start3A_191 = arith.constant 0 : i32
    %dma_start3A_192 = arith.constant 0 : i32
    %dma_start3A_193 = tpu.memref_slice %arg6[%dma_start3A_182, %dma_start3A_191, %dma_start3A_192] : memref<2x1000x32xf32, #tpu.memory_space<vmem>> -> memref<1x1000x32xf32, #tpu.memory_space<vmem>>
    %dma_start3A_194 = tpu.memref_squeeze %dma_start3A_193 : memref<1x1000x32xf32, #tpu.memory_space<vmem>> -> memref<1000x32xf32, #tpu.memory_space<vmem>>
    tpu.enqueue_dma source(%dma_start3A_194 : memref<1000x32xf32, #tpu.memory_space<vmem>>) target(%dma_start3A_190 : memref<1000x32xf32, #tpu.memory_space<hbm>>) target_semaphore(%arg9 : memref<!tpu.dma_semaphore, #tpu.memory_space<semaphore_mem>>)
    %dma_wait3A_195 = arith.constant 0 : i32
    %dma_wait3A_196 = arith.constant 0 : i32
    %dma_wait3A_197 = arith.constant 0 : i32
    %dma_wait3A_198 = tpu.memref_slice %arg6[%dma_wait3A_195, %dma_wait3A_196, %dma_wait3A_197] : memref<2x1000x32xf32, #tpu.memory_space<vmem>> -> memref<1x1000x32xf32, #tpu.memory_space<vmem>>
    %dma_wait3A_199 = tpu.memref_squeeze %dma_wait3A_198 : memref<1x1000x32xf32, #tpu.memory_space<vmem>> -> memref<1000x32xf32, #tpu.memory_space<vmem>>
    %dma_wait3A_200 = arith.constant 0 : i32
    %dma_wait3A_201 = tpu.memref_slice %arg4[%add3A_126, %dma_wait3A_200] : memref<160000x128xf32, #tpu.memory_space<hbm>> -> memref<1000x32xf32, #tpu.memory_space<hbm>>
    %dma_wait3A_202 = arith.constant 0 : i32
    %dma_wait3A_203 = tpu.memref_slice %arg4[%add3A_126, %dma_wait3A_202] : memref<160000x128xf32, #tpu.memory_space<hbm>> -> memref<1000x32xf32, #tpu.memory_space<hbm>>
    %dma_wait3A_204 = arith.constant 0 : i32
    %dma_wait3A_205 = arith.constant 0 : i32
    %dma_wait3A_206 = tpu.memref_slice %arg6[%dma_wait3A_195, %dma_wait3A_204, %dma_wait3A_205] : memref<2x1000x32xf32, #tpu.memory_space<vmem>> -> memref<1x1000x32xf32, #tpu.memory_space<vmem>>
    %dma_wait3A_207 = tpu.memref_squeeze %dma_wait3A_206 : memref<1x1000x32xf32, #tpu.memory_space<vmem>> -> memref<1000x32xf32, #tpu.memory_space<vmem>>
    tpu.wait_dma2 semaphore(%arg8 : memref<!tpu.dma_semaphore, #tpu.memory_space<semaphore_mem>>) src(%dma_wait3A_207 : memref<1000x32xf32, #tpu.memory_space<vmem>>) dst(%dma_wait3A_203 : memref<1000x32xf32, #tpu.memory_space<hbm>>)
    %dma_start3A_208 = arith.constant 0 : i32
    %dma_start3A_209 = arith.constant 0 : i32
    %dma_start3A_210 = arith.constant 0 : i32
    %dma_start3A_211 = arith.constant 0 : i32
    %dma_start3A_212 = tpu.memref_slice %arg6[%dma_start3A_209, %dma_start3A_210, %dma_start3A_211] : memref<2x1000x32xf32, #tpu.memory_space<vmem>> -> memref<1x1000x32xf32, #tpu.memory_space<vmem>>
    %dma_start3A_213 = tpu.memref_squeeze %dma_start3A_212 : memref<1x1000x32xf32, #tpu.memory_space<vmem>> -> memref<1000x32xf32, #tpu.memory_space<vmem>>
    %dma_start3A_214 = arith.constant 0 : i32
    %dma_start3A_215 = tpu.memref_slice %arg5[%dma_start3A_208, %dma_start3A_214] : memref<2x1000xi32, #tpu.memory_space<vmem>> -> memref<1x1000xi32, #tpu.memory_space<vmem>>
    %dma_start3A_216 = tpu.memref_squeeze %dma_start3A_215 : memref<1x1000xi32, #tpu.memory_space<vmem>> -> memref<1000xi32, #tpu.memory_space<vmem>>
    %dma_start3A_217 = arith.constant 0 : i32
    %dma_start3A_218 = arith.constant 0 : i32
    %dma_start3A_219 = tpu.memref_slice %arg2[%dma_start3A_217, %dma_start3A_218] : memref<10240x32xf32, #tpu.memory_space<hbm>> -> memref<10240x32xf32, #tpu.memory_space<hbm>>
    tpu.enqueue_indirect_dma source(%dma_start3A_219 : memref<10240x32xf32, #tpu.memory_space<hbm>>) target(%dma_start3A_213 : memref<1000x32xf32, #tpu.memory_space<vmem>>) offsets(%dma_start3A_216 : memref<1000xi32, #tpu.memory_space<vmem>>) semaphore(%arg7 : memref<!tpu.dma_semaphore, #tpu.memory_space<semaphore_mem>>)
    %dma_wait3A_220 = arith.constant 0 : i32
    %dma_wait3A_221 = arith.constant 0 : i32
    %dma_wait3A_222 = arith.constant 0 : i32
    %dma_wait3A_223 = arith.constant 0 : i32
    %dma_wait3A_224 = tpu.memref_slice %arg6[%dma_wait3A_221, %dma_wait3A_222, %dma_wait3A_223] : memref<2x1000x32xf32, #tpu.memory_space<vmem>> -> memref<1x1000x32xf32, #tpu.memory_space<vmem>>
    %dma_wait3A_225 = tpu.memref_squeeze %dma_wait3A_224 : memref<1x1000x32xf32, #tpu.memory_space<vmem>> -> memref<1000x32xf32, #tpu.memory_space<vmem>>
    %dma_wait3A_226 = arith.constant 0 : i32
    %dma_wait3A_227 = tpu.memref_slice %arg5[%dma_wait3A_220, %dma_wait3A_226] : memref<2x1000xi32, #tpu.memory_space<vmem>> -> memref<1x1000xi32, #tpu.memory_space<vmem>>
    %dma_wait3A_228 = tpu.memref_squeeze %dma_wait3A_227 : memref<1x1000xi32, #tpu.memory_space<vmem>> -> memref<1000xi32, #tpu.memory_space<vmem>>
    %dma_wait3A_229 = arith.constant 0 : i32
    %dma_wait3A_230 = arith.constant 0 : i32
    %dma_wait3A_231 = tpu.memref_slice %arg2[%dma_wait3A_229, %dma_wait3A_230] : memref<10240x32xf32, #tpu.memory_space<hbm>> -> memref<10240x32xf32, #tpu.memory_space<hbm>>
    tpu.wait_indirect_dma semaphore(%arg7 : memref<!tpu.dma_semaphore, #tpu.memory_space<semaphore_mem>>) src(%dma_wait3A_231 : memref<10240x32xf32, #tpu.memory_space<hbm>>) dst(%dma_wait3A_225 : memref<1000x32xf32, #tpu.memory_space<vmem>>)
    %add3A_232 = arith.constant 4000 : i32
    %add3A_233 = arith.addi %mul3A_2, %add3A_232 : i32
    %dma_start3A_234 = arith.constant 0 : i32
    %dma_start3A_235 = arith.constant 0 : i32
    %dma_start3A_236 = arith.constant 0 : i32
    %dma_start3A_237 = tpu.memref_slice %arg6[%dma_start3A_234, %dma_start3A_235, %dma_start3A_236] : memref<2x1000x32xf32, #tpu.memory_space<vmem>> -> memref<1x1000x32xf32, #tpu.memory_space<vmem>>
    %dma_start3A_238 = tpu.memref_squeeze %dma_start3A_237 : memref<1x1000x32xf32, #tpu.memory_space<vmem>> -> memref<1000x32xf32, #tpu.memory_space<vmem>>
    %dma_start3A_239 = arith.constant 0 : i32
    %dma_start3A_240 = tpu.memref_slice %arg4[%add3A_233, %dma_start3A_239] : memref<160000x128xf32, #tpu.memory_space<hbm>> -> memref<1000x32xf32, #tpu.memory_space<hbm>>
    %dma_start3A_241 = arith.constant 0 : i32
    %dma_start3A_242 = tpu.memref_slice %arg4[%add3A_233, %dma_start3A_241] : memref<160000x128xf32, #tpu.memory_space<hbm>> -> memref<1000x32xf32, #tpu.memory_space<hbm>>
    %dma_start3A_243 = arith.constant 0 : i32
    %dma_start3A_244 = arith.constant 0 : i32
    %dma_start3A_245 = tpu.memref_slice %arg6[%dma_start3A_234, %dma_start3A_243, %dma_start3A_244] : memref<2x1000x32xf32, #tpu.memory_space<vmem>> -> memref<1x1000x32xf32, #tpu.memory_space<vmem>>
    %dma_start3A_246 = tpu.memref_squeeze %dma_start3A_245 : memref<1x1000x32xf32, #tpu.memory_space<vmem>> -> memref<1000x32xf32, #tpu.memory_space<vmem>>
    tpu.enqueue_dma source(%dma_start3A_246 : memref<1000x32xf32, #tpu.memory_space<vmem>>) target(%dma_start3A_242 : memref<1000x32xf32, #tpu.memory_space<hbm>>) target_semaphore(%arg8 : memref<!tpu.dma_semaphore, #tpu.memory_space<semaphore_mem>>)
    %dma_wait3A_247 = arith.constant 1 : i32
    %dma_wait3A_248 = arith.constant 0 : i32
    %dma_wait3A_249 = arith.constant 0 : i32
    %dma_wait3A_250 = tpu.memref_slice %arg6[%dma_wait3A_247, %dma_wait3A_248, %dma_wait3A_249] : memref<2x1000x32xf32, #tpu.memory_space<vmem>> -> memref<1x1000x32xf32, #tpu.memory_space<vmem>>
    %dma_wait3A_251 = tpu.memref_squeeze %dma_wait3A_250 : memref<1x1000x32xf32, #tpu.memory_space<vmem>> -> memref<1000x32xf32, #tpu.memory_space<vmem>>
    %dma_wait3A_252 = arith.constant 0 : i32
    %dma_wait3A_253 = tpu.memref_slice %arg4[%add3A_181, %dma_wait3A_252] : memref<160000x128xf32, #tpu.memory_space<hbm>> -> memref<1000x32xf32, #tpu.memory_space<hbm>>
    %dma_wait3A_254 = arith.constant 0 : i32
    %dma_wait3A_255 = tpu.memref_slice %arg4[%add3A_181, %dma_wait3A_254] : memref<160000x128xf32, #tpu.memory_space<hbm>> -> memref<1000x32xf32, #tpu.memory_space<hbm>>
    %dma_wait3A_256 = arith.constant 0 : i32
    %dma_wait3A_257 = arith.constant 0 : i32
    %dma_wait3A_258 = tpu.memref_slice %arg6[%dma_wait3A_247, %dma_wait3A_256, %dma_wait3A_257] : memref<2x1000x32xf32, #tpu.memory_space<vmem>> -> memref<1x1000x32xf32, #tpu.memory_space<vmem>>
    %dma_wait3A_259 = tpu.memref_squeeze %dma_wait3A_258 : memref<1x1000x32xf32, #tpu.memory_space<vmem>> -> memref<1000x32xf32, #tpu.memory_space<vmem>>
    tpu.wait_dma2 semaphore(%arg9 : memref<!tpu.dma_semaphore, #tpu.memory_space<semaphore_mem>>) src(%dma_wait3A_259 : memref<1000x32xf32, #tpu.memory_space<vmem>>) dst(%dma_wait3A_255 : memref<1000x32xf32, #tpu.memory_space<hbm>>)
    %dma_wait3A_260 = arith.constant 0 : i32
    %dma_wait3A_261 = arith.constant 0 : i32
    %dma_wait3A_262 = arith.constant 0 : i32
    %dma_wait3A_263 = tpu.memref_slice %arg6[%dma_wait3A_260, %dma_wait3A_261, %dma_wait3A_262] : memref<2x1000x32xf32, #tpu.memory_space<vmem>> -> memref<1x1000x32xf32, #tpu.memory_space<vmem>>
    %dma_wait3A_264 = tpu.memref_squeeze %dma_wait3A_263 : memref<1x1000x32xf32, #tpu.memory_space<vmem>> -> memref<1000x32xf32, #tpu.memory_space<vmem>>
    %dma_wait3A_265 = arith.constant 0 : i32
    %dma_wait3A_266 = tpu.memref_slice %arg4[%add3A_233, %dma_wait3A_265] : memref<160000x128xf32, #tpu.memory_space<hbm>> -> memref<1000x32xf32, #tpu.memory_space<hbm>>
    %dma_wait3A_267 = arith.constant 0 : i32
    %dma_wait3A_268 = tpu.memref_slice %arg4[%add3A_233, %dma_wait3A_267] : memref<160000x128xf32, #tpu.memory_space<hbm>> -> memref<1000x32xf32, #tpu.memory_space<hbm>>
    %dma_wait3A_269 = arith.constant 0 : i32
    %dma_wait3A_270 = arith.constant 0 : i32
    %dma_wait3A_271 = tpu.memref_slice %arg6[%dma_wait3A_260, %dma_wait3A_269, %dma_wait3A_270] : memref<2x1000x32xf32, #tpu.memory_space<vmem>> -> memref<1x1000x32xf32, #tpu.memory_space<vmem>>
    %dma_wait3A_272 = tpu.memref_squeeze %dma_wait3A_271 : memref<1x1000x32xf32, #tpu.memory_space<vmem>> -> memref<1000x32xf32, #tpu.memory_space<vmem>>
    tpu.wait_dma2 semaphore(%arg8 : memref<!tpu.dma_semaphore, #tpu.memory_space<semaphore_mem>>) src(%dma_wait3A_272 : memref<1000x32xf32, #tpu.memory_space<vmem>>) dst(%dma_wait3A_268 : memref<1000x32xf32, #tpu.memory_space<hbm>>)
    return
  }
}

#map = affine_map<(d0, d1) -> (0, 0)>
#map1 = affine_map<(d0, d1) -> (0)>
module attributes {stable_mosaic.version = 14 : i64} {
  func.func @_scatter_body(%arg0: i32, %arg1: i32, %arg2: memref<160000x128xf32, #tpu.memory_space<hbm>>, %arg3: memref<160000xi32, #tpu.memory_space<hbm>>, %arg4: memref<640x48xf32, #tpu.memory_space<hbm>>, %arg5: memref<20480x128xf32, #tpu.memory_space<hbm>>, %arg6: memref<2x1000xi32, #tpu.memory_space<vmem>>, %arg7: memref<2x1000x48xf32, #tpu.memory_space<vmem>>, %arg8: memref<10240x48xf32, #tpu.memory_space<vmem_shared>>, %arg9: memref<!tpu.dma_semaphore, #tpu.memory_space<semaphore_mem>>, %arg10: memref<!tpu.dma_semaphore, #tpu.memory_space<semaphore_mem>>) attributes {dimension_semantics = [#tpu.dimension_semantics<core_parallel>, #tpu.dimension_semantics<subcore_parallel>], iteration_bounds = array<i64: 2, 16>, scalar_prefetch = 0 : i64, scratch_operands = 5 : i64, tpu.core_type = #tpu.core_type<sc_vector_subcore>, window_params = [{transform_indices = #map}, {transform_indices = #map1}, {transform_indices = #map}, {transform_indices = #map}]} {
    %mul3A = arith.constant 16 : i32
    %mul3A_0 = arith.muli %arg0, %mul3A : i32
    %add3A = arith.addi %mul3A_0, %arg1 : i32
    %mul3A_1 = arith.constant 640 : i32
    %mul3A_2 = arith.muli %arg1, %mul3A_1 : i32
    "tpu.region"() ({
      %run_scoped3A_171 = tpu.sem_alloc : memref<!tpu.dma_semaphore, #tpu.memory_space<semaphore_mem>>
      %dma_start3A_172 = arith.constant 0 : i32
      %dma_start3A_173 = tpu.memref_slice %arg8[%mul3A_2, %dma_start3A_172] : memref<10240x48xf32, #tpu.memory_space<vmem_shared>> -> memref<640x48xf32, #tpu.memory_space<vmem_shared>>
      tpu.enqueue_dma source(%arg4 : memref<640x48xf32, #tpu.memory_space<hbm>>) target(%dma_start3A_173 : memref<640x48xf32, #tpu.memory_space<vmem_shared>>) target_semaphore(%run_scoped3A_171 : memref<!tpu.dma_semaphore, #tpu.memory_space<semaphore_mem>>)
      %dma_wait3A_174 = arith.constant 0 : i32
      %dma_wait3A_175 = tpu.memref_slice %arg8[%mul3A_2, %dma_wait3A_174] : memref<10240x48xf32, #tpu.memory_space<vmem_shared>> -> memref<640x48xf32, #tpu.memory_space<vmem_shared>>
      tpu.wait_dma2 semaphore(%run_scoped3A_171 : memref<!tpu.dma_semaphore, #tpu.memory_space<semaphore_mem>>) src(%arg4 : memref<640x48xf32, #tpu.memory_space<hbm>>) dst(%dma_wait3A_175 : memref<640x48xf32, #tpu.memory_space<vmem_shared>>)
      tpu.yield
    }) : () -> ()
    %barrier3A = arith.constant 0 : index
    tpu.barrier barrier_id(%barrier3A)
    %mul3A_3 = arith.constant 5000 : i32
    %mul3A_4 = arith.muli %add3A, %mul3A_3 : i32
    %run_scoped3A = arith.constant 0 : i32
    "tpu.region"() ({
      %run_scoped3A_171 = tpu.sem_alloc : memref<!tpu.dma_semaphore, #tpu.memory_space<semaphore_mem>>
      %dma_start3A_172 = arith.constant 0 : i32
      %dma_start3A_173 = tpu.memref_slice %arg6[%run_scoped3A, %dma_start3A_172] : memref<2x1000xi32, #tpu.memory_space<vmem>> -> memref<1x1000xi32, #tpu.memory_space<vmem>>
      %dma_start3A_174 = tpu.memref_squeeze %dma_start3A_173 : memref<1x1000xi32, #tpu.memory_space<vmem>> -> memref<1000xi32, #tpu.memory_space<vmem>>
      %dma_start3A_175 = tpu.memref_slice %arg3[%mul3A_4] : memref<160000xi32, #tpu.memory_space<hbm>> -> memref<1000xi32, #tpu.memory_space<hbm>>
      %dma_start3A_176 = arith.constant 0 : i32
      %dma_start3A_177 = tpu.memref_slice %arg6[%run_scoped3A, %dma_start3A_176] : memref<2x1000xi32, #tpu.memory_space<vmem>> -> memref<1x1000xi32, #tpu.memory_space<vmem>>
      %dma_start3A_178 = tpu.memref_squeeze %dma_start3A_177 : memref<1x1000xi32, #tpu.memory_space<vmem>> -> memref<1000xi32, #tpu.memory_space<vmem>>
      %dma_start3A_179 = tpu.memref_slice %arg3[%mul3A_4] : memref<160000xi32, #tpu.memory_space<hbm>> -> memref<1000xi32, #tpu.memory_space<hbm>>
      tpu.enqueue_dma source(%dma_start3A_179 : memref<1000xi32, #tpu.memory_space<hbm>>) target(%dma_start3A_178 : memref<1000xi32, #tpu.memory_space<vmem>>) target_semaphore(%run_scoped3A_171 : memref<!tpu.dma_semaphore, #tpu.memory_space<semaphore_mem>>)
      %dma_wait3A_180 = arith.constant 0 : i32
      %dma_wait3A_181 = tpu.memref_slice %arg6[%run_scoped3A, %dma_wait3A_180] : memref<2x1000xi32, #tpu.memory_space<vmem>> -> memref<1x1000xi32, #tpu.memory_space<vmem>>
      %dma_wait3A_182 = tpu.memref_squeeze %dma_wait3A_181 : memref<1x1000xi32, #tpu.memory_space<vmem>> -> memref<1000xi32, #tpu.memory_space<vmem>>
      %dma_wait3A_183 = tpu.memref_slice %arg3[%mul3A_4] : memref<160000xi32, #tpu.memory_space<hbm>> -> memref<1000xi32, #tpu.memory_space<hbm>>
      %dma_wait3A_184 = arith.constant 0 : i32
      %dma_wait3A_185 = tpu.memref_slice %arg6[%run_scoped3A, %dma_wait3A_184] : memref<2x1000xi32, #tpu.memory_space<vmem>> -> memref<1x1000xi32, #tpu.memory_space<vmem>>
      %dma_wait3A_186 = tpu.memref_squeeze %dma_wait3A_185 : memref<1x1000xi32, #tpu.memory_space<vmem>> -> memref<1000xi32, #tpu.memory_space<vmem>>
      %dma_wait3A_187 = tpu.memref_slice %arg3[%mul3A_4] : memref<160000xi32, #tpu.memory_space<hbm>> -> memref<1000xi32, #tpu.memory_space<hbm>>
      tpu.wait_dma2 semaphore(%run_scoped3A_171 : memref<!tpu.dma_semaphore, #tpu.memory_space<semaphore_mem>>) src(%dma_wait3A_187 : memref<1000xi32, #tpu.memory_space<hbm>>) dst(%dma_wait3A_186 : memref<1000xi32, #tpu.memory_space<vmem>>)
      tpu.yield
    }) : () -> ()
    %dma_start3A = arith.constant 0 : i32
    %dma_start3A_5 = arith.constant 0 : i32
    %dma_start3A_6 = arith.constant 0 : i32
    %dma_start3A_7 = tpu.memref_slice %arg7[%dma_start3A, %dma_start3A_5, %dma_start3A_6] : memref<2x1000x48xf32, #tpu.memory_space<vmem>> -> memref<1x1000x48xf32, #tpu.memory_space<vmem>>
    %dma_start3A_8 = tpu.memref_squeeze %dma_start3A_7 : memref<1x1000x48xf32, #tpu.memory_space<vmem>> -> memref<1000x48xf32, #tpu.memory_space<vmem>>
    %dma_start3A_9 = arith.constant 0 : i32
    %dma_start3A_10 = tpu.memref_slice %arg2[%mul3A_4, %dma_start3A_9] : memref<160000x128xf32, #tpu.memory_space<hbm>> -> memref<1000x48xf32, #tpu.memory_space<hbm>>
    %dma_start3A_11 = arith.constant 0 : i32
    %dma_start3A_12 = arith.constant 0 : i32
    %dma_start3A_13 = tpu.memref_slice %arg7[%dma_start3A, %dma_start3A_11, %dma_start3A_12] : memref<2x1000x48xf32, #tpu.memory_space<vmem>> -> memref<1x1000x48xf32, #tpu.memory_space<vmem>>
    %dma_start3A_14 = tpu.memref_squeeze %dma_start3A_13 : memref<1x1000x48xf32, #tpu.memory_space<vmem>> -> memref<1000x48xf32, #tpu.memory_space<vmem>>
    %dma_start3A_15 = arith.constant 0 : i32
    %dma_start3A_16 = tpu.memref_slice %arg2[%mul3A_4, %dma_start3A_15] : memref<160000x128xf32, #tpu.memory_space<hbm>> -> memref<1000x48xf32, #tpu.memory_space<hbm>>
    tpu.enqueue_dma source(%dma_start3A_16 : memref<1000x48xf32, #tpu.memory_space<hbm>>) target(%dma_start3A_14 : memref<1000x48xf32, #tpu.memory_space<vmem>>) target_semaphore(%arg9 : memref<!tpu.dma_semaphore, #tpu.memory_space<semaphore_mem>>)
    %add3A_17 = arith.constant 1000 : i32
    %add3A_18 = arith.addi %mul3A_4, %add3A_17 : i32
    %run_scoped3A_19 = arith.constant 1 : i32
    "tpu.region"() ({
      %run_scoped3A_171 = tpu.sem_alloc : memref<!tpu.dma_semaphore, #tpu.memory_space<semaphore_mem>>
      %dma_start3A_172 = arith.constant 0 : i32
      %dma_start3A_173 = tpu.memref_slice %arg6[%run_scoped3A_19, %dma_start3A_172] : memref<2x1000xi32, #tpu.memory_space<vmem>> -> memref<1x1000xi32, #tpu.memory_space<vmem>>
      %dma_start3A_174 = tpu.memref_squeeze %dma_start3A_173 : memref<1x1000xi32, #tpu.memory_space<vmem>> -> memref<1000xi32, #tpu.memory_space<vmem>>
      %dma_start3A_175 = tpu.memref_slice %arg3[%add3A_18] : memref<160000xi32, #tpu.memory_space<hbm>> -> memref<1000xi32, #tpu.memory_space<hbm>>
      %dma_start3A_176 = arith.constant 0 : i32
      %dma_start3A_177 = tpu.memref_slice %arg6[%run_scoped3A_19, %dma_start3A_176] : memref<2x1000xi32, #tpu.memory_space<vmem>> -> memref<1x1000xi32, #tpu.memory_space<vmem>>
      %dma_start3A_178 = tpu.memref_squeeze %dma_start3A_177 : memref<1x1000xi32, #tpu.memory_space<vmem>> -> memref<1000xi32, #tpu.memory_space<vmem>>
      %dma_start3A_179 = tpu.memref_slice %arg3[%add3A_18] : memref<160000xi32, #tpu.memory_space<hbm>> -> memref<1000xi32, #tpu.memory_space<hbm>>
      tpu.enqueue_dma source(%dma_start3A_179 : memref<1000xi32, #tpu.memory_space<hbm>>) target(%dma_start3A_178 : memref<1000xi32, #tpu.memory_space<vmem>>) target_semaphore(%run_scoped3A_171 : memref<!tpu.dma_semaphore, #tpu.memory_space<semaphore_mem>>)
      %dma_wait3A_180 = arith.constant 0 : i32
      %dma_wait3A_181 = tpu.memref_slice %arg6[%run_scoped3A_19, %dma_wait3A_180] : memref<2x1000xi32, #tpu.memory_space<vmem>> -> memref<1x1000xi32, #tpu.memory_space<vmem>>
      %dma_wait3A_182 = tpu.memref_squeeze %dma_wait3A_181 : memref<1x1000xi32, #tpu.memory_space<vmem>> -> memref<1000xi32, #tpu.memory_space<vmem>>
      %dma_wait3A_183 = tpu.memref_slice %arg3[%add3A_18] : memref<160000xi32, #tpu.memory_space<hbm>> -> memref<1000xi32, #tpu.memory_space<hbm>>
      %dma_wait3A_184 = arith.constant 0 : i32
      %dma_wait3A_185 = tpu.memref_slice %arg6[%run_scoped3A_19, %dma_wait3A_184] : memref<2x1000xi32, #tpu.memory_space<vmem>> -> memref<1x1000xi32, #tpu.memory_space<vmem>>
      %dma_wait3A_186 = tpu.memref_squeeze %dma_wait3A_185 : memref<1x1000xi32, #tpu.memory_space<vmem>> -> memref<1000xi32, #tpu.memory_space<vmem>>
      %dma_wait3A_187 = tpu.memref_slice %arg3[%add3A_18] : memref<160000xi32, #tpu.memory_space<hbm>> -> memref<1000xi32, #tpu.memory_space<hbm>>
      tpu.wait_dma2 semaphore(%run_scoped3A_171 : memref<!tpu.dma_semaphore, #tpu.memory_space<semaphore_mem>>) src(%dma_wait3A_187 : memref<1000xi32, #tpu.memory_space<hbm>>) dst(%dma_wait3A_186 : memref<1000xi32, #tpu.memory_space<vmem>>)
      tpu.yield
    }) : () -> ()
    %add3A_20 = arith.constant 1000 : i32
    %add3A_21 = arith.addi %mul3A_4, %add3A_20 : i32
    %dma_start3A_22 = arith.constant 1 : i32
    %dma_start3A_23 = arith.constant 0 : i32
    %dma_start3A_24 = arith.constant 0 : i32
    %dma_start3A_25 = tpu.memref_slice %arg7[%dma_start3A_22, %dma_start3A_23, %dma_start3A_24] : memref<2x1000x48xf32, #tpu.memory_space<vmem>> -> memref<1x1000x48xf32, #tpu.memory_space<vmem>>
    %dma_start3A_26 = tpu.memref_squeeze %dma_start3A_25 : memref<1x1000x48xf32, #tpu.memory_space<vmem>> -> memref<1000x48xf32, #tpu.memory_space<vmem>>
    %dma_start3A_27 = arith.constant 0 : i32
    %dma_start3A_28 = tpu.memref_slice %arg2[%add3A_21, %dma_start3A_27] : memref<160000x128xf32, #tpu.memory_space<hbm>> -> memref<1000x48xf32, #tpu.memory_space<hbm>>
    %dma_start3A_29 = arith.constant 0 : i32
    %dma_start3A_30 = arith.constant 0 : i32
    %dma_start3A_31 = tpu.memref_slice %arg7[%dma_start3A_22, %dma_start3A_29, %dma_start3A_30] : memref<2x1000x48xf32, #tpu.memory_space<vmem>> -> memref<1x1000x48xf32, #tpu.memory_space<vmem>>
    %dma_start3A_32 = tpu.memref_squeeze %dma_start3A_31 : memref<1x1000x48xf32, #tpu.memory_space<vmem>> -> memref<1000x48xf32, #tpu.memory_space<vmem>>
    %dma_start3A_33 = arith.constant 0 : i32
    %dma_start3A_34 = tpu.memref_slice %arg2[%add3A_21, %dma_start3A_33] : memref<160000x128xf32, #tpu.memory_space<hbm>> -> memref<1000x48xf32, #tpu.memory_space<hbm>>
    tpu.enqueue_dma source(%dma_start3A_34 : memref<1000x48xf32, #tpu.memory_space<hbm>>) target(%dma_start3A_32 : memref<1000x48xf32, #tpu.memory_space<vmem>>) target_semaphore(%arg10 : memref<!tpu.dma_semaphore, #tpu.memory_space<semaphore_mem>>)
    %dma_wait3A = arith.constant 0 : i32
    %dma_wait3A_35 = arith.constant 0 : i32
    %dma_wait3A_36 = arith.constant 0 : i32
    %dma_wait3A_37 = tpu.memref_slice %arg7[%dma_wait3A, %dma_wait3A_35, %dma_wait3A_36] : memref<2x1000x48xf32, #tpu.memory_space<vmem>> -> memref<1x1000x48xf32, #tpu.memory_space<vmem>>
    %dma_wait3A_38 = tpu.memref_squeeze %dma_wait3A_37 : memref<1x1000x48xf32, #tpu.memory_space<vmem>> -> memref<1000x48xf32, #tpu.memory_space<vmem>>
    %dma_wait3A_39 = arith.constant 0 : i32
    %dma_wait3A_40 = tpu.memref_slice %arg2[%mul3A_4, %dma_wait3A_39] : memref<160000x128xf32, #tpu.memory_space<hbm>> -> memref<1000x48xf32, #tpu.memory_space<hbm>>
    %dma_wait3A_41 = arith.constant 0 : i32
    %dma_wait3A_42 = arith.constant 0 : i32
    %dma_wait3A_43 = tpu.memref_slice %arg7[%dma_wait3A, %dma_wait3A_41, %dma_wait3A_42] : memref<2x1000x48xf32, #tpu.memory_space<vmem>> -> memref<1x1000x48xf32, #tpu.memory_space<vmem>>
    %dma_wait3A_44 = tpu.memref_squeeze %dma_wait3A_43 : memref<1x1000x48xf32, #tpu.memory_space<vmem>> -> memref<1000x48xf32, #tpu.memory_space<vmem>>
    %dma_wait3A_45 = arith.constant 0 : i32
    %dma_wait3A_46 = tpu.memref_slice %arg2[%mul3A_4, %dma_wait3A_45] : memref<160000x128xf32, #tpu.memory_space<hbm>> -> memref<1000x48xf32, #tpu.memory_space<hbm>>
    tpu.wait_dma2 semaphore(%arg9 : memref<!tpu.dma_semaphore, #tpu.memory_space<semaphore_mem>>) src(%dma_wait3A_46 : memref<1000x48xf32, #tpu.memory_space<hbm>>) dst(%dma_wait3A_44 : memref<1000x48xf32, #tpu.memory_space<vmem>>)
    %run_scoped3A_47 = arith.constant 0 : i32
    %run_scoped3A_48 = arith.constant 0 : i32
    "tpu.region"() ({
      %run_scoped3A_171 = tpu.sem_alloc : memref<!tpu.dma_semaphore, #tpu.memory_space<semaphore_mem>>
      %dma_start3A_172 = arith.constant 0 : i32
      %dma_start3A_173 = arith.constant 0 : i32
      %dma_start3A_174 = tpu.memref_slice %arg7[%run_scoped3A_47, %dma_start3A_172, %dma_start3A_173] : memref<2x1000x48xf32, #tpu.memory_space<vmem>> -> memref<1x1000x48xf32, #tpu.memory_space<vmem>>
      %dma_start3A_175 = tpu.memref_squeeze %dma_start3A_174 : memref<1x1000x48xf32, #tpu.memory_space<vmem>> -> memref<1000x48xf32, #tpu.memory_space<vmem>>
      %dma_start3A_176 = arith.constant 0 : i32
      %dma_start3A_177 = tpu.memref_slice %arg6[%run_scoped3A_48, %dma_start3A_176] : memref<2x1000xi32, #tpu.memory_space<vmem>> -> memref<1x1000xi32, #tpu.memory_space<vmem>>
      %dma_start3A_178 = tpu.memref_squeeze %dma_start3A_177 : memref<1x1000xi32, #tpu.memory_space<vmem>> -> memref<1000xi32, #tpu.memory_space<vmem>>
      %dma_start3A_179 = arith.constant 0 : i32
      %dma_start3A_180 = arith.constant 0 : i32
      %dma_start3A_181 = tpu.memref_slice %arg8[%dma_start3A_179, %dma_start3A_180] : memref<10240x48xf32, #tpu.memory_space<vmem_shared>> -> memref<10240x48xf32, #tpu.memory_space<vmem_shared>>
      tpu.enqueue_indirect_dma source(%dma_start3A_175 : memref<1000x48xf32, #tpu.memory_space<vmem>>) target(%dma_start3A_181 : memref<10240x48xf32, #tpu.memory_space<vmem_shared>>) offsets(%dma_start3A_178 : memref<1000xi32, #tpu.memory_space<vmem>>) semaphore(%run_scoped3A_171 : memref<!tpu.dma_semaphore, #tpu.memory_space<semaphore_mem>>) {add = true}
      %dma_wait3A_182 = arith.constant 0 : i32
      %dma_wait3A_183 = arith.constant 0 : i32
      %dma_wait3A_184 = tpu.memref_slice %arg7[%run_scoped3A_47, %dma_wait3A_182, %dma_wait3A_183] : memref<2x1000x48xf32, #tpu.memory_space<vmem>> -> memref<1x1000x48xf32, #tpu.memory_space<vmem>>
      %dma_wait3A_185 = tpu.memref_squeeze %dma_wait3A_184 : memref<1x1000x48xf32, #tpu.memory_space<vmem>> -> memref<1000x48xf32, #tpu.memory_space<vmem>>
      %dma_wait3A_186 = arith.constant 0 : i32
      %dma_wait3A_187 = tpu.memref_slice %arg6[%run_scoped3A_48, %dma_wait3A_186] : memref<2x1000xi32, #tpu.memory_space<vmem>> -> memref<1x1000xi32, #tpu.memory_space<vmem>>
      %dma_wait3A_188 = tpu.memref_squeeze %dma_wait3A_187 : memref<1x1000xi32, #tpu.memory_space<vmem>> -> memref<1000xi32, #tpu.memory_space<vmem>>
      %dma_wait3A_189 = arith.constant 0 : i32
      %dma_wait3A_190 = arith.constant 0 : i32
      %dma_wait3A_191 = tpu.memref_slice %arg8[%dma_wait3A_189, %dma_wait3A_190] : memref<10240x48xf32, #tpu.memory_space<vmem_shared>> -> memref<10240x48xf32, #tpu.memory_space<vmem_shared>>
      tpu.wait_indirect_dma semaphore(%run_scoped3A_171 : memref<!tpu.dma_semaphore, #tpu.memory_space<semaphore_mem>>) src(%dma_wait3A_185 : memref<1000x48xf32, #tpu.memory_space<vmem>>) dst(%dma_wait3A_191 : memref<10240x48xf32, #tpu.memory_space<vmem_shared>>)
      tpu.yield
    }) : () -> ()
    %add3A_49 = arith.constant 2000 : i32
    %add3A_50 = arith.addi %mul3A_4, %add3A_49 : i32
    %run_scoped3A_51 = arith.constant 0 : i32
    "tpu.region"() ({
      %run_scoped3A_171 = tpu.sem_alloc : memref<!tpu.dma_semaphore, #tpu.memory_space<semaphore_mem>>
      %dma_start3A_172 = arith.constant 0 : i32
      %dma_start3A_173 = tpu.memref_slice %arg6[%run_scoped3A_51, %dma_start3A_172] : memref<2x1000xi32, #tpu.memory_space<vmem>> -> memref<1x1000xi32, #tpu.memory_space<vmem>>
      %dma_start3A_174 = tpu.memref_squeeze %dma_start3A_173 : memref<1x1000xi32, #tpu.memory_space<vmem>> -> memref<1000xi32, #tpu.memory_space<vmem>>
      %dma_start3A_175 = tpu.memref_slice %arg3[%add3A_50] : memref<160000xi32, #tpu.memory_space<hbm>> -> memref<1000xi32, #tpu.memory_space<hbm>>
      %dma_start3A_176 = arith.constant 0 : i32
      %dma_start3A_177 = tpu.memref_slice %arg6[%run_scoped3A_51, %dma_start3A_176] : memref<2x1000xi32, #tpu.memory_space<vmem>> -> memref<1x1000xi32, #tpu.memory_space<vmem>>
      %dma_start3A_178 = tpu.memref_squeeze %dma_start3A_177 : memref<1x1000xi32, #tpu.memory_space<vmem>> -> memref<1000xi32, #tpu.memory_space<vmem>>
      %dma_start3A_179 = tpu.memref_slice %arg3[%add3A_50] : memref<160000xi32, #tpu.memory_space<hbm>> -> memref<1000xi32, #tpu.memory_space<hbm>>
      tpu.enqueue_dma source(%dma_start3A_179 : memref<1000xi32, #tpu.memory_space<hbm>>) target(%dma_start3A_178 : memref<1000xi32, #tpu.memory_space<vmem>>) target_semaphore(%run_scoped3A_171 : memref<!tpu.dma_semaphore, #tpu.memory_space<semaphore_mem>>)
      %dma_wait3A_180 = arith.constant 0 : i32
      %dma_wait3A_181 = tpu.memref_slice %arg6[%run_scoped3A_51, %dma_wait3A_180] : memref<2x1000xi32, #tpu.memory_space<vmem>> -> memref<1x1000xi32, #tpu.memory_space<vmem>>
      %dma_wait3A_182 = tpu.memref_squeeze %dma_wait3A_181 : memref<1x1000xi32, #tpu.memory_space<vmem>> -> memref<1000xi32, #tpu.memory_space<vmem>>
      %dma_wait3A_183 = tpu.memref_slice %arg3[%add3A_50] : memref<160000xi32, #tpu.memory_space<hbm>> -> memref<1000xi32, #tpu.memory_space<hbm>>
      %dma_wait3A_184 = arith.constant 0 : i32
      %dma_wait3A_185 = tpu.memref_slice %arg6[%run_scoped3A_51, %dma_wait3A_184] : memref<2x1000xi32, #tpu.memory_space<vmem>> -> memref<1x1000xi32, #tpu.memory_space<vmem>>
      %dma_wait3A_186 = tpu.memref_squeeze %dma_wait3A_185 : memref<1x1000xi32, #tpu.memory_space<vmem>> -> memref<1000xi32, #tpu.memory_space<vmem>>
      %dma_wait3A_187 = tpu.memref_slice %arg3[%add3A_50] : memref<160000xi32, #tpu.memory_space<hbm>> -> memref<1000xi32, #tpu.memory_space<hbm>>
      tpu.wait_dma2 semaphore(%run_scoped3A_171 : memref<!tpu.dma_semaphore, #tpu.memory_space<semaphore_mem>>) src(%dma_wait3A_187 : memref<1000xi32, #tpu.memory_space<hbm>>) dst(%dma_wait3A_186 : memref<1000xi32, #tpu.memory_space<vmem>>)
      tpu.yield
    }) : () -> ()
    %add3A_52 = arith.constant 2000 : i32
    %add3A_53 = arith.addi %mul3A_4, %add3A_52 : i32
    %dma_start3A_54 = arith.constant 0 : i32
    %dma_start3A_55 = arith.constant 0 : i32
    %dma_start3A_56 = arith.constant 0 : i32
    %dma_start3A_57 = tpu.memref_slice %arg7[%dma_start3A_54, %dma_start3A_55, %dma_start3A_56] : memref<2x1000x48xf32, #tpu.memory_space<vmem>> -> memref<1x1000x48xf32, #tpu.memory_space<vmem>>
    %dma_start3A_58 = tpu.memref_squeeze %dma_start3A_57 : memref<1x1000x48xf32, #tpu.memory_space<vmem>> -> memref<1000x48xf32, #tpu.memory_space<vmem>>
    %dma_start3A_59 = arith.constant 0 : i32
    %dma_start3A_60 = tpu.memref_slice %arg2[%add3A_53, %dma_start3A_59] : memref<160000x128xf32, #tpu.memory_space<hbm>> -> memref<1000x48xf32, #tpu.memory_space<hbm>>
    %dma_start3A_61 = arith.constant 0 : i32
    %dma_start3A_62 = arith.constant 0 : i32
    %dma_start3A_63 = tpu.memref_slice %arg7[%dma_start3A_54, %dma_start3A_61, %dma_start3A_62] : memref<2x1000x48xf32, #tpu.memory_space<vmem>> -> memref<1x1000x48xf32, #tpu.memory_space<vmem>>
    %dma_start3A_64 = tpu.memref_squeeze %dma_start3A_63 : memref<1x1000x48xf32, #tpu.memory_space<vmem>> -> memref<1000x48xf32, #tpu.memory_space<vmem>>
    %dma_start3A_65 = arith.constant 0 : i32
    %dma_start3A_66 = tpu.memref_slice %arg2[%add3A_53, %dma_start3A_65] : memref<160000x128xf32, #tpu.memory_space<hbm>> -> memref<1000x48xf32, #tpu.memory_space<hbm>>
    tpu.enqueue_dma source(%dma_start3A_66 : memref<1000x48xf32, #tpu.memory_space<hbm>>) target(%dma_start3A_64 : memref<1000x48xf32, #tpu.memory_space<vmem>>) target_semaphore(%arg9 : memref<!tpu.dma_semaphore, #tpu.memory_space<semaphore_mem>>)
    %dma_wait3A_67 = arith.constant 1 : i32
    %dma_wait3A_68 = arith.constant 0 : i32
    %dma_wait3A_69 = arith.constant 0 : i32
    %dma_wait3A_70 = tpu.memref_slice %arg7[%dma_wait3A_67, %dma_wait3A_68, %dma_wait3A_69] : memref<2x1000x48xf32, #tpu.memory_space<vmem>> -> memref<1x1000x48xf32, #tpu.memory_space<vmem>>
    %dma_wait3A_71 = tpu.memref_squeeze %dma_wait3A_70 : memref<1x1000x48xf32, #tpu.memory_space<vmem>> -> memref<1000x48xf32, #tpu.memory_space<vmem>>
    %dma_wait3A_72 = arith.constant 0 : i32
    %dma_wait3A_73 = tpu.memref_slice %arg2[%add3A_21, %dma_wait3A_72] : memref<160000x128xf32, #tpu.memory_space<hbm>> -> memref<1000x48xf32, #tpu.memory_space<hbm>>
    %dma_wait3A_74 = arith.constant 0 : i32
    %dma_wait3A_75 = arith.constant 0 : i32
    %dma_wait3A_76 = tpu.memref_slice %arg7[%dma_wait3A_67, %dma_wait3A_74, %dma_wait3A_75] : memref<2x1000x48xf32, #tpu.memory_space<vmem>> -> memref<1x1000x48xf32, #tpu.memory_space<vmem>>
    %dma_wait3A_77 = tpu.memref_squeeze %dma_wait3A_76 : memref<1x1000x48xf32, #tpu.memory_space<vmem>> -> memref<1000x48xf32, #tpu.memory_space<vmem>>
    %dma_wait3A_78 = arith.constant 0 : i32
    %dma_wait3A_79 = tpu.memref_slice %arg2[%add3A_21, %dma_wait3A_78] : memref<160000x128xf32, #tpu.memory_space<hbm>> -> memref<1000x48xf32, #tpu.memory_space<hbm>>
    tpu.wait_dma2 semaphore(%arg10 : memref<!tpu.dma_semaphore, #tpu.memory_space<semaphore_mem>>) src(%dma_wait3A_79 : memref<1000x48xf32, #tpu.memory_space<hbm>>) dst(%dma_wait3A_77 : memref<1000x48xf32, #tpu.memory_space<vmem>>)
    %run_scoped3A_80 = arith.constant 1 : i32
    %run_scoped3A_81 = arith.constant 1 : i32
    "tpu.region"() ({
      %run_scoped3A_171 = tpu.sem_alloc : memref<!tpu.dma_semaphore, #tpu.memory_space<semaphore_mem>>
      %dma_start3A_172 = arith.constant 0 : i32
      %dma_start3A_173 = arith.constant 0 : i32
      %dma_start3A_174 = tpu.memref_slice %arg7[%run_scoped3A_80, %dma_start3A_172, %dma_start3A_173] : memref<2x1000x48xf32, #tpu.memory_space<vmem>> -> memref<1x1000x48xf32, #tpu.memory_space<vmem>>
      %dma_start3A_175 = tpu.memref_squeeze %dma_start3A_174 : memref<1x1000x48xf32, #tpu.memory_space<vmem>> -> memref<1000x48xf32, #tpu.memory_space<vmem>>
      %dma_start3A_176 = arith.constant 0 : i32
      %dma_start3A_177 = tpu.memref_slice %arg6[%run_scoped3A_81, %dma_start3A_176] : memref<2x1000xi32, #tpu.memory_space<vmem>> -> memref<1x1000xi32, #tpu.memory_space<vmem>>
      %dma_start3A_178 = tpu.memref_squeeze %dma_start3A_177 : memref<1x1000xi32, #tpu.memory_space<vmem>> -> memref<1000xi32, #tpu.memory_space<vmem>>
      %dma_start3A_179 = arith.constant 0 : i32
      %dma_start3A_180 = arith.constant 0 : i32
      %dma_start3A_181 = tpu.memref_slice %arg8[%dma_start3A_179, %dma_start3A_180] : memref<10240x48xf32, #tpu.memory_space<vmem_shared>> -> memref<10240x48xf32, #tpu.memory_space<vmem_shared>>
      tpu.enqueue_indirect_dma source(%dma_start3A_175 : memref<1000x48xf32, #tpu.memory_space<vmem>>) target(%dma_start3A_181 : memref<10240x48xf32, #tpu.memory_space<vmem_shared>>) offsets(%dma_start3A_178 : memref<1000xi32, #tpu.memory_space<vmem>>) semaphore(%run_scoped3A_171 : memref<!tpu.dma_semaphore, #tpu.memory_space<semaphore_mem>>) {add = true}
      %dma_wait3A_182 = arith.constant 0 : i32
      %dma_wait3A_183 = arith.constant 0 : i32
      %dma_wait3A_184 = tpu.memref_slice %arg7[%run_scoped3A_80, %dma_wait3A_182, %dma_wait3A_183] : memref<2x1000x48xf32, #tpu.memory_space<vmem>> -> memref<1x1000x48xf32, #tpu.memory_space<vmem>>
      %dma_wait3A_185 = tpu.memref_squeeze %dma_wait3A_184 : memref<1x1000x48xf32, #tpu.memory_space<vmem>> -> memref<1000x48xf32, #tpu.memory_space<vmem>>
      %dma_wait3A_186 = arith.constant 0 : i32
      %dma_wait3A_187 = tpu.memref_slice %arg6[%run_scoped3A_81, %dma_wait3A_186] : memref<2x1000xi32, #tpu.memory_space<vmem>> -> memref<1x1000xi32, #tpu.memory_space<vmem>>
      %dma_wait3A_188 = tpu.memref_squeeze %dma_wait3A_187 : memref<1x1000xi32, #tpu.memory_space<vmem>> -> memref<1000xi32, #tpu.memory_space<vmem>>
      %dma_wait3A_189 = arith.constant 0 : i32
      %dma_wait3A_190 = arith.constant 0 : i32
      %dma_wait3A_191 = tpu.memref_slice %arg8[%dma_wait3A_189, %dma_wait3A_190] : memref<10240x48xf32, #tpu.memory_space<vmem_shared>> -> memref<10240x48xf32, #tpu.memory_space<vmem_shared>>
      tpu.wait_indirect_dma semaphore(%run_scoped3A_171 : memref<!tpu.dma_semaphore, #tpu.memory_space<semaphore_mem>>) src(%dma_wait3A_185 : memref<1000x48xf32, #tpu.memory_space<vmem>>) dst(%dma_wait3A_191 : memref<10240x48xf32, #tpu.memory_space<vmem_shared>>)
      tpu.yield
    }) : () -> ()
    %add3A_82 = arith.constant 3000 : i32
    %add3A_83 = arith.addi %mul3A_4, %add3A_82 : i32
    %run_scoped3A_84 = arith.constant 1 : i32
    "tpu.region"() ({
      %run_scoped3A_171 = tpu.sem_alloc : memref<!tpu.dma_semaphore, #tpu.memory_space<semaphore_mem>>
      %dma_start3A_172 = arith.constant 0 : i32
      %dma_start3A_173 = tpu.memref_slice %arg6[%run_scoped3A_84, %dma_start3A_172] : memref<2x1000xi32, #tpu.memory_space<vmem>> -> memref<1x1000xi32, #tpu.memory_space<vmem>>
      %dma_start3A_174 = tpu.memref_squeeze %dma_start3A_173 : memref<1x1000xi32, #tpu.memory_space<vmem>> -> memref<1000xi32, #tpu.memory_space<vmem>>
      %dma_start3A_175 = tpu.memref_slice %arg3[%add3A_83] : memref<160000xi32, #tpu.memory_space<hbm>> -> memref<1000xi32, #tpu.memory_space<hbm>>
      %dma_start3A_176 = arith.constant 0 : i32
      %dma_start3A_177 = tpu.memref_slice %arg6[%run_scoped3A_84, %dma_start3A_176] : memref<2x1000xi32, #tpu.memory_space<vmem>> -> memref<1x1000xi32, #tpu.memory_space<vmem>>
      %dma_start3A_178 = tpu.memref_squeeze %dma_start3A_177 : memref<1x1000xi32, #tpu.memory_space<vmem>> -> memref<1000xi32, #tpu.memory_space<vmem>>
      %dma_start3A_179 = tpu.memref_slice %arg3[%add3A_83] : memref<160000xi32, #tpu.memory_space<hbm>> -> memref<1000xi32, #tpu.memory_space<hbm>>
      tpu.enqueue_dma source(%dma_start3A_179 : memref<1000xi32, #tpu.memory_space<hbm>>) target(%dma_start3A_178 : memref<1000xi32, #tpu.memory_space<vmem>>) target_semaphore(%run_scoped3A_171 : memref<!tpu.dma_semaphore, #tpu.memory_space<semaphore_mem>>)
      %dma_wait3A_180 = arith.constant 0 : i32
      %dma_wait3A_181 = tpu.memref_slice %arg6[%run_scoped3A_84, %dma_wait3A_180] : memref<2x1000xi32, #tpu.memory_space<vmem>> -> memref<1x1000xi32, #tpu.memory_space<vmem>>
      %dma_wait3A_182 = tpu.memref_squeeze %dma_wait3A_181 : memref<1x1000xi32, #tpu.memory_space<vmem>> -> memref<1000xi32, #tpu.memory_space<vmem>>
      %dma_wait3A_183 = tpu.memref_slice %arg3[%add3A_83] : memref<160000xi32, #tpu.memory_space<hbm>> -> memref<1000xi32, #tpu.memory_space<hbm>>
      %dma_wait3A_184 = arith.constant 0 : i32
      %dma_wait3A_185 = tpu.memref_slice %arg6[%run_scoped3A_84, %dma_wait3A_184] : memref<2x1000xi32, #tpu.memory_space<vmem>> -> memref<1x1000xi32, #tpu.memory_space<vmem>>
      %dma_wait3A_186 = tpu.memref_squeeze %dma_wait3A_185 : memref<1x1000xi32, #tpu.memory_space<vmem>> -> memref<1000xi32, #tpu.memory_space<vmem>>
      %dma_wait3A_187 = tpu.memref_slice %arg3[%add3A_83] : memref<160000xi32, #tpu.memory_space<hbm>> -> memref<1000xi32, #tpu.memory_space<hbm>>
      tpu.wait_dma2 semaphore(%run_scoped3A_171 : memref<!tpu.dma_semaphore, #tpu.memory_space<semaphore_mem>>) src(%dma_wait3A_187 : memref<1000xi32, #tpu.memory_space<hbm>>) dst(%dma_wait3A_186 : memref<1000xi32, #tpu.memory_space<vmem>>)
      tpu.yield
    }) : () -> ()
    %add3A_85 = arith.constant 3000 : i32
    %add3A_86 = arith.addi %mul3A_4, %add3A_85 : i32
    %dma_start3A_87 = arith.constant 1 : i32
    %dma_start3A_88 = arith.constant 0 : i32
    %dma_start3A_89 = arith.constant 0 : i32
    %dma_start3A_90 = tpu.memref_slice %arg7[%dma_start3A_87, %dma_start3A_88, %dma_start3A_89] : memref<2x1000x48xf32, #tpu.memory_space<vmem>> -> memref<1x1000x48xf32, #tpu.memory_space<vmem>>
    %dma_start3A_91 = tpu.memref_squeeze %dma_start3A_90 : memref<1x1000x48xf32, #tpu.memory_space<vmem>> -> memref<1000x48xf32, #tpu.memory_space<vmem>>
    %dma_start3A_92 = arith.constant 0 : i32
    %dma_start3A_93 = tpu.memref_slice %arg2[%add3A_86, %dma_start3A_92] : memref<160000x128xf32, #tpu.memory_space<hbm>> -> memref<1000x48xf32, #tpu.memory_space<hbm>>
    %dma_start3A_94 = arith.constant 0 : i32
    %dma_start3A_95 = arith.constant 0 : i32
    %dma_start3A_96 = tpu.memref_slice %arg7[%dma_start3A_87, %dma_start3A_94, %dma_start3A_95] : memref<2x1000x48xf32, #tpu.memory_space<vmem>> -> memref<1x1000x48xf32, #tpu.memory_space<vmem>>
    %dma_start3A_97 = tpu.memref_squeeze %dma_start3A_96 : memref<1x1000x48xf32, #tpu.memory_space<vmem>> -> memref<1000x48xf32, #tpu.memory_space<vmem>>
    %dma_start3A_98 = arith.constant 0 : i32
    %dma_start3A_99 = tpu.memref_slice %arg2[%add3A_86, %dma_start3A_98] : memref<160000x128xf32, #tpu.memory_space<hbm>> -> memref<1000x48xf32, #tpu.memory_space<hbm>>
    tpu.enqueue_dma source(%dma_start3A_99 : memref<1000x48xf32, #tpu.memory_space<hbm>>) target(%dma_start3A_97 : memref<1000x48xf32, #tpu.memory_space<vmem>>) target_semaphore(%arg10 : memref<!tpu.dma_semaphore, #tpu.memory_space<semaphore_mem>>)
    %dma_wait3A_100 = arith.constant 0 : i32
    %dma_wait3A_101 = arith.constant 0 : i32
    %dma_wait3A_102 = arith.constant 0 : i32
    %dma_wait3A_103 = tpu.memref_slice %arg7[%dma_wait3A_100, %dma_wait3A_101, %dma_wait3A_102] : memref<2x1000x48xf32, #tpu.memory_space<vmem>> -> memref<1x1000x48xf32, #tpu.memory_space<vmem>>
    %dma_wait3A_104 = tpu.memref_squeeze %dma_wait3A_103 : memref<1x1000x48xf32, #tpu.memory_space<vmem>> -> memref<1000x48xf32, #tpu.memory_space<vmem>>
    %dma_wait3A_105 = arith.constant 0 : i32
    %dma_wait3A_106 = tpu.memref_slice %arg2[%add3A_53, %dma_wait3A_105] : memref<160000x128xf32, #tpu.memory_space<hbm>> -> memref<1000x48xf32, #tpu.memory_space<hbm>>
    %dma_wait3A_107 = arith.constant 0 : i32
    %dma_wait3A_108 = arith.constant 0 : i32
    %dma_wait3A_109 = tpu.memref_slice %arg7[%dma_wait3A_100, %dma_wait3A_107, %dma_wait3A_108] : memref<2x1000x48xf32, #tpu.memory_space<vmem>> -> memref<1x1000x48xf32, #tpu.memory_space<vmem>>
    %dma_wait3A_110 = tpu.memref_squeeze %dma_wait3A_109 : memref<1x1000x48xf32, #tpu.memory_space<vmem>> -> memref<1000x48xf32, #tpu.memory_space<vmem>>
    %dma_wait3A_111 = arith.constant 0 : i32
    %dma_wait3A_112 = tpu.memref_slice %arg2[%add3A_53, %dma_wait3A_111] : memref<160000x128xf32, #tpu.memory_space<hbm>> -> memref<1000x48xf32, #tpu.memory_space<hbm>>
    tpu.wait_dma2 semaphore(%arg9 : memref<!tpu.dma_semaphore, #tpu.memory_space<semaphore_mem>>) src(%dma_wait3A_112 : memref<1000x48xf32, #tpu.memory_space<hbm>>) dst(%dma_wait3A_110 : memref<1000x48xf32, #tpu.memory_space<vmem>>)
    %run_scoped3A_113 = arith.constant 0 : i32
    %run_scoped3A_114 = arith.constant 0 : i32
    "tpu.region"() ({
      %run_scoped3A_171 = tpu.sem_alloc : memref<!tpu.dma_semaphore, #tpu.memory_space<semaphore_mem>>
      %dma_start3A_172 = arith.constant 0 : i32
      %dma_start3A_173 = arith.constant 0 : i32
      %dma_start3A_174 = tpu.memref_slice %arg7[%run_scoped3A_113, %dma_start3A_172, %dma_start3A_173] : memref<2x1000x48xf32, #tpu.memory_space<vmem>> -> memref<1x1000x48xf32, #tpu.memory_space<vmem>>
      %dma_start3A_175 = tpu.memref_squeeze %dma_start3A_174 : memref<1x1000x48xf32, #tpu.memory_space<vmem>> -> memref<1000x48xf32, #tpu.memory_space<vmem>>
      %dma_start3A_176 = arith.constant 0 : i32
      %dma_start3A_177 = tpu.memref_slice %arg6[%run_scoped3A_114, %dma_start3A_176] : memref<2x1000xi32, #tpu.memory_space<vmem>> -> memref<1x1000xi32, #tpu.memory_space<vmem>>
      %dma_start3A_178 = tpu.memref_squeeze %dma_start3A_177 : memref<1x1000xi32, #tpu.memory_space<vmem>> -> memref<1000xi32, #tpu.memory_space<vmem>>
      %dma_start3A_179 = arith.constant 0 : i32
      %dma_start3A_180 = arith.constant 0 : i32
      %dma_start3A_181 = tpu.memref_slice %arg8[%dma_start3A_179, %dma_start3A_180] : memref<10240x48xf32, #tpu.memory_space<vmem_shared>> -> memref<10240x48xf32, #tpu.memory_space<vmem_shared>>
      tpu.enqueue_indirect_dma source(%dma_start3A_175 : memref<1000x48xf32, #tpu.memory_space<vmem>>) target(%dma_start3A_181 : memref<10240x48xf32, #tpu.memory_space<vmem_shared>>) offsets(%dma_start3A_178 : memref<1000xi32, #tpu.memory_space<vmem>>) semaphore(%run_scoped3A_171 : memref<!tpu.dma_semaphore, #tpu.memory_space<semaphore_mem>>) {add = true}
      %dma_wait3A_182 = arith.constant 0 : i32
      %dma_wait3A_183 = arith.constant 0 : i32
      %dma_wait3A_184 = tpu.memref_slice %arg7[%run_scoped3A_113, %dma_wait3A_182, %dma_wait3A_183] : memref<2x1000x48xf32, #tpu.memory_space<vmem>> -> memref<1x1000x48xf32, #tpu.memory_space<vmem>>
      %dma_wait3A_185 = tpu.memref_squeeze %dma_wait3A_184 : memref<1x1000x48xf32, #tpu.memory_space<vmem>> -> memref<1000x48xf32, #tpu.memory_space<vmem>>
      %dma_wait3A_186 = arith.constant 0 : i32
      %dma_wait3A_187 = tpu.memref_slice %arg6[%run_scoped3A_114, %dma_wait3A_186] : memref<2x1000xi32, #tpu.memory_space<vmem>> -> memref<1x1000xi32, #tpu.memory_space<vmem>>
      %dma_wait3A_188 = tpu.memref_squeeze %dma_wait3A_187 : memref<1x1000xi32, #tpu.memory_space<vmem>> -> memref<1000xi32, #tpu.memory_space<vmem>>
      %dma_wait3A_189 = arith.constant 0 : i32
      %dma_wait3A_190 = arith.constant 0 : i32
      %dma_wait3A_191 = tpu.memref_slice %arg8[%dma_wait3A_189, %dma_wait3A_190] : memref<10240x48xf32, #tpu.memory_space<vmem_shared>> -> memref<10240x48xf32, #tpu.memory_space<vmem_shared>>
      tpu.wait_indirect_dma semaphore(%run_scoped3A_171 : memref<!tpu.dma_semaphore, #tpu.memory_space<semaphore_mem>>) src(%dma_wait3A_185 : memref<1000x48xf32, #tpu.memory_space<vmem>>) dst(%dma_wait3A_191 : memref<10240x48xf32, #tpu.memory_space<vmem_shared>>)
      tpu.yield
    }) : () -> ()
    %add3A_115 = arith.constant 4000 : i32
    %add3A_116 = arith.addi %mul3A_4, %add3A_115 : i32
    %run_scoped3A_117 = arith.constant 0 : i32
    "tpu.region"() ({
      %run_scoped3A_171 = tpu.sem_alloc : memref<!tpu.dma_semaphore, #tpu.memory_space<semaphore_mem>>
      %dma_start3A_172 = arith.constant 0 : i32
      %dma_start3A_173 = tpu.memref_slice %arg6[%run_scoped3A_117, %dma_start3A_172] : memref<2x1000xi32, #tpu.memory_space<vmem>> -> memref<1x1000xi32, #tpu.memory_space<vmem>>
      %dma_start3A_174 = tpu.memref_squeeze %dma_start3A_173 : memref<1x1000xi32, #tpu.memory_space<vmem>> -> memref<1000xi32, #tpu.memory_space<vmem>>
      %dma_start3A_175 = tpu.memref_slice %arg3[%add3A_116] : memref<160000xi32, #tpu.memory_space<hbm>> -> memref<1000xi32, #tpu.memory_space<hbm>>
      %dma_start3A_176 = arith.constant 0 : i32
      %dma_start3A_177 = tpu.memref_slice %arg6[%run_scoped3A_117, %dma_start3A_176] : memref<2x1000xi32, #tpu.memory_space<vmem>> -> memref<1x1000xi32, #tpu.memory_space<vmem>>
      %dma_start3A_178 = tpu.memref_squeeze %dma_start3A_177 : memref<1x1000xi32, #tpu.memory_space<vmem>> -> memref<1000xi32, #tpu.memory_space<vmem>>
      %dma_start3A_179 = tpu.memref_slice %arg3[%add3A_116] : memref<160000xi32, #tpu.memory_space<hbm>> -> memref<1000xi32, #tpu.memory_space<hbm>>
      tpu.enqueue_dma source(%dma_start3A_179 : memref<1000xi32, #tpu.memory_space<hbm>>) target(%dma_start3A_178 : memref<1000xi32, #tpu.memory_space<vmem>>) target_semaphore(%run_scoped3A_171 : memref<!tpu.dma_semaphore, #tpu.memory_space<semaphore_mem>>)
      %dma_wait3A_180 = arith.constant 0 : i32
      %dma_wait3A_181 = tpu.memref_slice %arg6[%run_scoped3A_117, %dma_wait3A_180] : memref<2x1000xi32, #tpu.memory_space<vmem>> -> memref<1x1000xi32, #tpu.memory_space<vmem>>
      %dma_wait3A_182 = tpu.memref_squeeze %dma_wait3A_181 : memref<1x1000xi32, #tpu.memory_space<vmem>> -> memref<1000xi32, #tpu.memory_space<vmem>>
      %dma_wait3A_183 = tpu.memref_slice %arg3[%add3A_116] : memref<160000xi32, #tpu.memory_space<hbm>> -> memref<1000xi32, #tpu.memory_space<hbm>>
      %dma_wait3A_184 = arith.constant 0 : i32
      %dma_wait3A_185 = tpu.memref_slice %arg6[%run_scoped3A_117, %dma_wait3A_184] : memref<2x1000xi32, #tpu.memory_space<vmem>> -> memref<1x1000xi32, #tpu.memory_space<vmem>>
      %dma_wait3A_186 = tpu.memref_squeeze %dma_wait3A_185 : memref<1x1000xi32, #tpu.memory_space<vmem>> -> memref<1000xi32, #tpu.memory_space<vmem>>
      %dma_wait3A_187 = tpu.memref_slice %arg3[%add3A_116] : memref<160000xi32, #tpu.memory_space<hbm>> -> memref<1000xi32, #tpu.memory_space<hbm>>
      tpu.wait_dma2 semaphore(%run_scoped3A_171 : memref<!tpu.dma_semaphore, #tpu.memory_space<semaphore_mem>>) src(%dma_wait3A_187 : memref<1000xi32, #tpu.memory_space<hbm>>) dst(%dma_wait3A_186 : memref<1000xi32, #tpu.memory_space<vmem>>)
      tpu.yield
    }) : () -> ()
    %add3A_118 = arith.constant 4000 : i32
    %add3A_119 = arith.addi %mul3A_4, %add3A_118 : i32
    %dma_start3A_120 = arith.constant 0 : i32
    %dma_start3A_121 = arith.constant 0 : i32
    %dma_start3A_122 = arith.constant 0 : i32
    %dma_start3A_123 = tpu.memref_slice %arg7[%dma_start3A_120, %dma_start3A_121, %dma_start3A_122] : memref<2x1000x48xf32, #tpu.memory_space<vmem>> -> memref<1x1000x48xf32, #tpu.memory_space<vmem>>
    %dma_start3A_124 = tpu.memref_squeeze %dma_start3A_123 : memref<1x1000x48xf32, #tpu.memory_space<vmem>> -> memref<1000x48xf32, #tpu.memory_space<vmem>>
    %dma_start3A_125 = arith.constant 0 : i32
    %dma_start3A_126 = tpu.memref_slice %arg2[%add3A_119, %dma_start3A_125] : memref<160000x128xf32, #tpu.memory_space<hbm>> -> memref<1000x48xf32, #tpu.memory_space<hbm>>
    %dma_start3A_127 = arith.constant 0 : i32
    %dma_start3A_128 = arith.constant 0 : i32
    %dma_start3A_129 = tpu.memref_slice %arg7[%dma_start3A_120, %dma_start3A_127, %dma_start3A_128] : memref<2x1000x48xf32, #tpu.memory_space<vmem>> -> memref<1x1000x48xf32, #tpu.memory_space<vmem>>
    %dma_start3A_130 = tpu.memref_squeeze %dma_start3A_129 : memref<1x1000x48xf32, #tpu.memory_space<vmem>> -> memref<1000x48xf32, #tpu.memory_space<vmem>>
    %dma_start3A_131 = arith.constant 0 : i32
    %dma_start3A_132 = tpu.memref_slice %arg2[%add3A_119, %dma_start3A_131] : memref<160000x128xf32, #tpu.memory_space<hbm>> -> memref<1000x48xf32, #tpu.memory_space<hbm>>
    tpu.enqueue_dma source(%dma_start3A_132 : memref<1000x48xf32, #tpu.memory_space<hbm>>) target(%dma_start3A_130 : memref<1000x48xf32, #tpu.memory_space<vmem>>) target_semaphore(%arg9 : memref<!tpu.dma_semaphore, #tpu.memory_space<semaphore_mem>>)
    %dma_wait3A_133 = arith.constant 1 : i32
    %dma_wait3A_134 = arith.constant 0 : i32
    %dma_wait3A_135 = arith.constant 0 : i32
    %dma_wait3A_136 = tpu.memref_slice %arg7[%dma_wait3A_133, %dma_wait3A_134, %dma_wait3A_135] : memref<2x1000x48xf32, #tpu.memory_space<vmem>> -> memref<1x1000x48xf32, #tpu.memory_space<vmem>>
    %dma_wait3A_137 = tpu.memref_squeeze %dma_wait3A_136 : memref<1x1000x48xf32, #tpu.memory_space<vmem>> -> memref<1000x48xf32, #tpu.memory_space<vmem>>
    %dma_wait3A_138 = arith.constant 0 : i32
    %dma_wait3A_139 = tpu.memref_slice %arg2[%add3A_86, %dma_wait3A_138] : memref<160000x128xf32, #tpu.memory_space<hbm>> -> memref<1000x48xf32, #tpu.memory_space<hbm>>
    %dma_wait3A_140 = arith.constant 0 : i32
    %dma_wait3A_141 = arith.constant 0 : i32
    %dma_wait3A_142 = tpu.memref_slice %arg7[%dma_wait3A_133, %dma_wait3A_140, %dma_wait3A_141] : memref<2x1000x48xf32, #tpu.memory_space<vmem>> -> memref<1x1000x48xf32, #tpu.memory_space<vmem>>
    %dma_wait3A_143 = tpu.memref_squeeze %dma_wait3A_142 : memref<1x1000x48xf32, #tpu.memory_space<vmem>> -> memref<1000x48xf32, #tpu.memory_space<vmem>>
    %dma_wait3A_144 = arith.constant 0 : i32
    %dma_wait3A_145 = tpu.memref_slice %arg2[%add3A_86, %dma_wait3A_144] : memref<160000x128xf32, #tpu.memory_space<hbm>> -> memref<1000x48xf32, #tpu.memory_space<hbm>>
    tpu.wait_dma2 semaphore(%arg10 : memref<!tpu.dma_semaphore, #tpu.memory_space<semaphore_mem>>) src(%dma_wait3A_145 : memref<1000x48xf32, #tpu.memory_space<hbm>>) dst(%dma_wait3A_143 : memref<1000x48xf32, #tpu.memory_space<vmem>>)
    %run_scoped3A_146 = arith.constant 1 : i32
    %run_scoped3A_147 = arith.constant 1 : i32
    "tpu.region"() ({
      %run_scoped3A_171 = tpu.sem_alloc : memref<!tpu.dma_semaphore, #tpu.memory_space<semaphore_mem>>
      %dma_start3A_172 = arith.constant 0 : i32
      %dma_start3A_173 = arith.constant 0 : i32
      %dma_start3A_174 = tpu.memref_slice %arg7[%run_scoped3A_146, %dma_start3A_172, %dma_start3A_173] : memref<2x1000x48xf32, #tpu.memory_space<vmem>> -> memref<1x1000x48xf32, #tpu.memory_space<vmem>>
      %dma_start3A_175 = tpu.memref_squeeze %dma_start3A_174 : memref<1x1000x48xf32, #tpu.memory_space<vmem>> -> memref<1000x48xf32, #tpu.memory_space<vmem>>
      %dma_start3A_176 = arith.constant 0 : i32
      %dma_start3A_177 = tpu.memref_slice %arg6[%run_scoped3A_147, %dma_start3A_176] : memref<2x1000xi32, #tpu.memory_space<vmem>> -> memref<1x1000xi32, #tpu.memory_space<vmem>>
      %dma_start3A_178 = tpu.memref_squeeze %dma_start3A_177 : memref<1x1000xi32, #tpu.memory_space<vmem>> -> memref<1000xi32, #tpu.memory_space<vmem>>
      %dma_start3A_179 = arith.constant 0 : i32
      %dma_start3A_180 = arith.constant 0 : i32
      %dma_start3A_181 = tpu.memref_slice %arg8[%dma_start3A_179, %dma_start3A_180] : memref<10240x48xf32, #tpu.memory_space<vmem_shared>> -> memref<10240x48xf32, #tpu.memory_space<vmem_shared>>
      tpu.enqueue_indirect_dma source(%dma_start3A_175 : memref<1000x48xf32, #tpu.memory_space<vmem>>) target(%dma_start3A_181 : memref<10240x48xf32, #tpu.memory_space<vmem_shared>>) offsets(%dma_start3A_178 : memref<1000xi32, #tpu.memory_space<vmem>>) semaphore(%run_scoped3A_171 : memref<!tpu.dma_semaphore, #tpu.memory_space<semaphore_mem>>) {add = true}
      %dma_wait3A_182 = arith.constant 0 : i32
      %dma_wait3A_183 = arith.constant 0 : i32
      %dma_wait3A_184 = tpu.memref_slice %arg7[%run_scoped3A_146, %dma_wait3A_182, %dma_wait3A_183] : memref<2x1000x48xf32, #tpu.memory_space<vmem>> -> memref<1x1000x48xf32, #tpu.memory_space<vmem>>
      %dma_wait3A_185 = tpu.memref_squeeze %dma_wait3A_184 : memref<1x1000x48xf32, #tpu.memory_space<vmem>> -> memref<1000x48xf32, #tpu.memory_space<vmem>>
      %dma_wait3A_186 = arith.constant 0 : i32
      %dma_wait3A_187 = tpu.memref_slice %arg6[%run_scoped3A_147, %dma_wait3A_186] : memref<2x1000xi32, #tpu.memory_space<vmem>> -> memref<1x1000xi32, #tpu.memory_space<vmem>>
      %dma_wait3A_188 = tpu.memref_squeeze %dma_wait3A_187 : memref<1x1000xi32, #tpu.memory_space<vmem>> -> memref<1000xi32, #tpu.memory_space<vmem>>
      %dma_wait3A_189 = arith.constant 0 : i32
      %dma_wait3A_190 = arith.constant 0 : i32
      %dma_wait3A_191 = tpu.memref_slice %arg8[%dma_wait3A_189, %dma_wait3A_190] : memref<10240x48xf32, #tpu.memory_space<vmem_shared>> -> memref<10240x48xf32, #tpu.memory_space<vmem_shared>>
      tpu.wait_indirect_dma semaphore(%run_scoped3A_171 : memref<!tpu.dma_semaphore, #tpu.memory_space<semaphore_mem>>) src(%dma_wait3A_185 : memref<1000x48xf32, #tpu.memory_space<vmem>>) dst(%dma_wait3A_191 : memref<10240x48xf32, #tpu.memory_space<vmem_shared>>)
      tpu.yield
    }) : () -> ()
    %dma_wait3A_148 = arith.constant 0 : i32
    %dma_wait3A_149 = arith.constant 0 : i32
    %dma_wait3A_150 = arith.constant 0 : i32
    %dma_wait3A_151 = tpu.memref_slice %arg7[%dma_wait3A_148, %dma_wait3A_149, %dma_wait3A_150] : memref<2x1000x48xf32, #tpu.memory_space<vmem>> -> memref<1x1000x48xf32, #tpu.memory_space<vmem>>
    %dma_wait3A_152 = tpu.memref_squeeze %dma_wait3A_151 : memref<1x1000x48xf32, #tpu.memory_space<vmem>> -> memref<1000x48xf32, #tpu.memory_space<vmem>>
    %dma_wait3A_153 = arith.constant 0 : i32
    %dma_wait3A_154 = tpu.memref_slice %arg2[%add3A_119, %dma_wait3A_153] : memref<160000x128xf32, #tpu.memory_space<hbm>> -> memref<1000x48xf32, #tpu.memory_space<hbm>>
    %dma_wait3A_155 = arith.constant 0 : i32
    %dma_wait3A_156 = arith.constant 0 : i32
    %dma_wait3A_157 = tpu.memref_slice %arg7[%dma_wait3A_148, %dma_wait3A_155, %dma_wait3A_156] : memref<2x1000x48xf32, #tpu.memory_space<vmem>> -> memref<1x1000x48xf32, #tpu.memory_space<vmem>>
    %dma_wait3A_158 = tpu.memref_squeeze %dma_wait3A_157 : memref<1x1000x48xf32, #tpu.memory_space<vmem>> -> memref<1000x48xf32, #tpu.memory_space<vmem>>
    %dma_wait3A_159 = arith.constant 0 : i32
    %dma_wait3A_160 = tpu.memref_slice %arg2[%add3A_119, %dma_wait3A_159] : memref<160000x128xf32, #tpu.memory_space<hbm>> -> memref<1000x48xf32, #tpu.memory_space<hbm>>
    tpu.wait_dma2 semaphore(%arg9 : memref<!tpu.dma_semaphore, #tpu.memory_space<semaphore_mem>>) src(%dma_wait3A_160 : memref<1000x48xf32, #tpu.memory_space<hbm>>) dst(%dma_wait3A_158 : memref<1000x48xf32, #tpu.memory_space<vmem>>)
    %run_scoped3A_161 = arith.constant 0 : i32
    %run_scoped3A_162 = arith.constant 0 : i32
    "tpu.region"() ({
      %run_scoped3A_171 = tpu.sem_alloc : memref<!tpu.dma_semaphore, #tpu.memory_space<semaphore_mem>>
      %dma_start3A_172 = arith.constant 0 : i32
      %dma_start3A_173 = arith.constant 0 : i32
      %dma_start3A_174 = tpu.memref_slice %arg7[%run_scoped3A_161, %dma_start3A_172, %dma_start3A_173] : memref<2x1000x48xf32, #tpu.memory_space<vmem>> -> memref<1x1000x48xf32, #tpu.memory_space<vmem>>
      %dma_start3A_175 = tpu.memref_squeeze %dma_start3A_174 : memref<1x1000x48xf32, #tpu.memory_space<vmem>> -> memref<1000x48xf32, #tpu.memory_space<vmem>>
      %dma_start3A_176 = arith.constant 0 : i32
      %dma_start3A_177 = tpu.memref_slice %arg6[%run_scoped3A_162, %dma_start3A_176] : memref<2x1000xi32, #tpu.memory_space<vmem>> -> memref<1x1000xi32, #tpu.memory_space<vmem>>
      %dma_start3A_178 = tpu.memref_squeeze %dma_start3A_177 : memref<1x1000xi32, #tpu.memory_space<vmem>> -> memref<1000xi32, #tpu.memory_space<vmem>>
      %dma_start3A_179 = arith.constant 0 : i32
      %dma_start3A_180 = arith.constant 0 : i32
      %dma_start3A_181 = tpu.memref_slice %arg8[%dma_start3A_179, %dma_start3A_180] : memref<10240x48xf32, #tpu.memory_space<vmem_shared>> -> memref<10240x48xf32, #tpu.memory_space<vmem_shared>>
      tpu.enqueue_indirect_dma source(%dma_start3A_175 : memref<1000x48xf32, #tpu.memory_space<vmem>>) target(%dma_start3A_181 : memref<10240x48xf32, #tpu.memory_space<vmem_shared>>) offsets(%dma_start3A_178 : memref<1000xi32, #tpu.memory_space<vmem>>) semaphore(%run_scoped3A_171 : memref<!tpu.dma_semaphore, #tpu.memory_space<semaphore_mem>>) {add = true}
      %dma_wait3A_182 = arith.constant 0 : i32
      %dma_wait3A_183 = arith.constant 0 : i32
      %dma_wait3A_184 = tpu.memref_slice %arg7[%run_scoped3A_161, %dma_wait3A_182, %dma_wait3A_183] : memref<2x1000x48xf32, #tpu.memory_space<vmem>> -> memref<1x1000x48xf32, #tpu.memory_space<vmem>>
      %dma_wait3A_185 = tpu.memref_squeeze %dma_wait3A_184 : memref<1x1000x48xf32, #tpu.memory_space<vmem>> -> memref<1000x48xf32, #tpu.memory_space<vmem>>
      %dma_wait3A_186 = arith.constant 0 : i32
      %dma_wait3A_187 = tpu.memref_slice %arg6[%run_scoped3A_162, %dma_wait3A_186] : memref<2x1000xi32, #tpu.memory_space<vmem>> -> memref<1x1000xi32, #tpu.memory_space<vmem>>
      %dma_wait3A_188 = tpu.memref_squeeze %dma_wait3A_187 : memref<1x1000xi32, #tpu.memory_space<vmem>> -> memref<1000xi32, #tpu.memory_space<vmem>>
      %dma_wait3A_189 = arith.constant 0 : i32
      %dma_wait3A_190 = arith.constant 0 : i32
      %dma_wait3A_191 = tpu.memref_slice %arg8[%dma_wait3A_189, %dma_wait3A_190] : memref<10240x48xf32, #tpu.memory_space<vmem_shared>> -> memref<10240x48xf32, #tpu.memory_space<vmem_shared>>
      tpu.wait_indirect_dma semaphore(%run_scoped3A_171 : memref<!tpu.dma_semaphore, #tpu.memory_space<semaphore_mem>>) src(%dma_wait3A_185 : memref<1000x48xf32, #tpu.memory_space<vmem>>) dst(%dma_wait3A_191 : memref<10240x48xf32, #tpu.memory_space<vmem_shared>>)
      tpu.yield
    }) : () -> ()
    %barrier3A_163 = arith.constant 0 : index
    tpu.barrier barrier_id(%barrier3A_163)
    %mul3A_164 = arith.constant 640 : i32
    %mul3A_165 = arith.muli %arg1, %mul3A_164 : i32
    %mul3A_166 = arith.constant 10240 : i32
    %mul3A_167 = arith.muli %arg0, %mul3A_166 : i32
    %mul3A_168 = arith.constant 640 : i32
    %mul3A_169 = arith.muli %arg1, %mul3A_168 : i32
    %add3A_170 = arith.addi %mul3A_167, %mul3A_169 : i32
    "tpu.region"() ({
      %run_scoped3A_171 = tpu.sem_alloc : memref<!tpu.dma_semaphore, #tpu.memory_space<semaphore_mem>>
      %dma_start3A_172 = arith.constant 0 : i32
      %dma_start3A_173 = tpu.memref_slice %arg5[%add3A_170, %dma_start3A_172] : memref<20480x128xf32, #tpu.memory_space<hbm>> -> memref<640x48xf32, #tpu.memory_space<hbm>>
      %dma_start3A_174 = arith.constant 0 : i32
      %dma_start3A_175 = tpu.memref_slice %arg8[%mul3A_165, %dma_start3A_174] : memref<10240x48xf32, #tpu.memory_space<vmem_shared>> -> memref<640x48xf32, #tpu.memory_space<vmem_shared>>
      tpu.enqueue_dma source(%dma_start3A_175 : memref<640x48xf32, #tpu.memory_space<vmem_shared>>) target(%dma_start3A_173 : memref<640x48xf32, #tpu.memory_space<hbm>>) target_semaphore(%run_scoped3A_171 : memref<!tpu.dma_semaphore, #tpu.memory_space<semaphore_mem>>)
      %dma_wait3A_176 = arith.constant 0 : i32
      %dma_wait3A_177 = tpu.memref_slice %arg5[%add3A_170, %dma_wait3A_176] : memref<20480x128xf32, #tpu.memory_space<hbm>> -> memref<640x48xf32, #tpu.memory_space<hbm>>
      %dma_wait3A_178 = arith.constant 0 : i32
      %dma_wait3A_179 = tpu.memref_slice %arg8[%mul3A_165, %dma_wait3A_178] : memref<10240x48xf32, #tpu.memory_space<vmem_shared>> -> memref<640x48xf32, #tpu.memory_space<vmem_shared>>
      tpu.wait_dma2 semaphore(%run_scoped3A_171 : memref<!tpu.dma_semaphore, #tpu.memory_space<semaphore_mem>>) src(%dma_wait3A_179 : memref<640x48xf32, #tpu.memory_space<vmem_shared>>) dst(%dma_wait3A_177 : memref<640x48xf32, #tpu.memory_space<hbm>>)
      tpu.yield
    }) : () -> ()
    return
  }
}

module attributes {stable_mosaic.version = 14 : i64} {
  func.func @_edge_body(%arg0: i32, %arg1: memref<6400x128xf32, #tpu.memory_space<vmem>>, %arg2: memref<16x6400xf32, #tpu.memory_space<vmem>>, %arg3: memref<16x512xbf16, #tpu.memory_space<vmem>>, %arg4: memref<32x512xbf16, #tpu.memory_space<vmem>>, %arg5: memref<512x64xbf16, #tpu.memory_space<vmem>>, %arg6: memref<32x64xbf16, #tpu.memory_space<vmem>>, %arg7: memref<1x64xf32, #tpu.memory_space<vmem>>, %arg8: memref<6400x128xf32, #tpu.memory_space<vmem>>) attributes {dimension_semantics = [#tpu.dimension_semantics<arbitrary>], iteration_bounds = array<i64: 25>, scalar_prefetch = 0 : i64, scratch_operands = 0 : i64, tpu.core_type = #tpu.core_type<tc>, window_params = [{transform_indices = @transform_0, window_bounds = array<i64: 6400, 128>}, {transform_indices = @transform_1, window_bounds = array<i64: 16, 6400>}, {transform_indices = @transform_2, window_bounds = array<i64: 16, 512>}, {transform_indices = @transform_3, window_bounds = array<i64: 32, 512>}, {transform_indices = @transform_4, window_bounds = array<i64: 512, 64>}, {transform_indices = @transform_5, window_bounds = array<i64: 32, 64>}, {transform_indices = @transform_6, window_bounds = array<i64: 1, 64>}, {transform_indices = @transform_7, window_bounds = array<i64: 6400, 128>}]} {
    %get3A = arith.constant 0 : index
    %get3A_0 = arith.constant 0 : index
    %get3A_1 = vector.load %arg1[%get3A, %get3A_0] : memref<6400x128xf32, #tpu.memory_space<vmem>>, vector<6400x32xf32>
    %convert_element_type3A = arith.truncf %get3A_1 : vector<6400x32xf32> to vector<6400x32xbf16>
    %get3A_2 = arith.constant 0 : index
    %get3A_3 = arith.constant 0 : index
    %get3A_4 = vector.load %arg2[%get3A_2, %get3A_3] : memref<16x6400xf32, #tpu.memory_space<vmem>>, vector<16x6400xf32>
    %convert_element_type3A_5 = arith.truncf %get3A_4 : vector<16x6400xf32> to vector<16x6400xbf16>
    %get3A_6 = arith.constant 0 : index
    %get3A_7 = arith.constant 0 : index
    %get3A_8 = vector.load %arg3[%get3A_6, %get3A_7] : memref<16x512xbf16, #tpu.memory_space<vmem>>, vector<16x512xbf16>
    %dot_general3A = arith.constant dense<0.000000e+00> : vector<6400x512xf32>
    %dot_general3A_9 = tpu.matmul %convert_element_type3A_5, %get3A_8, %dot_general3A {dimension_numbers = #tpu.dot_dimension_numbers<[0], [0], [1], [1], [0, 1, 1, 1], [], []>, transpose_lhs_hint = false} : vector<16x6400xbf16>, vector<16x512xbf16>, vector<6400x512xf32> -> vector<6400x512xf32>
    %convert_element_type3A_10 = arith.truncf %dot_general3A_9 : vector<6400x512xf32> to vector<6400x512xbf16>
    %get3A_11 = arith.constant 0 : index
    %get3A_12 = arith.constant 0 : index
    %get3A_13 = vector.load %arg4[%get3A_11, %get3A_12] : memref<32x512xbf16, #tpu.memory_space<vmem>>, vector<32x512xbf16>
    %dot_general3A_14 = arith.constant dense<0.000000e+00> : vector<6400x512xf32>
    %dot_general3A_15 = tpu.matmul %convert_element_type3A, %get3A_13, %dot_general3A_14 {dimension_numbers = #tpu.dot_dimension_numbers<[1], [0], [0], [1], [0, 0, 1, 1], [], []>, transpose_lhs_hint = false} : vector<6400x32xbf16>, vector<32x512xbf16>, vector<6400x512xf32> -> vector<6400x512xf32>
    %convert_element_type3A_16 = arith.truncf %dot_general3A_15 : vector<6400x512xf32> to vector<6400x512xbf16>
    %mul3A = arith.mulf %convert_element_type3A_10, %convert_element_type3A_16 : vector<6400x512xbf16>
    %get3A_17 = arith.constant 0 : index
    %get3A_18 = arith.constant 0 : index
    %get3A_19 = vector.load %arg5[%get3A_17, %get3A_18] : memref<512x64xbf16, #tpu.memory_space<vmem>>, vector<512x64xbf16>
    %dot_general3A_20 = arith.constant dense<0.000000e+00> : vector<6400x64xf32>
    %dot_general3A_21 = tpu.matmul %mul3A, %get3A_19, %dot_general3A_20 {dimension_numbers = #tpu.dot_dimension_numbers<[1], [0], [0], [1], [0, 0, 1, 1], [], []>, transpose_lhs_hint = false} : vector<6400x512xbf16>, vector<512x64xbf16>, vector<6400x64xf32> -> vector<6400x64xf32>
    %get3A_22 = arith.constant 0 : index
    %get3A_23 = arith.constant 0 : index
    %get3A_24 = vector.load %arg6[%get3A_22, %get3A_23] : memref<32x64xbf16, #tpu.memory_space<vmem>>, vector<32x64xbf16>
    %dot_general3A_25 = arith.constant dense<0.000000e+00> : vector<6400x64xf32>
    %dot_general3A_26 = tpu.matmul %convert_element_type3A, %get3A_24, %dot_general3A_25 {dimension_numbers = #tpu.dot_dimension_numbers<[1], [0], [0], [1], [0, 0, 1, 1], [], []>, transpose_lhs_hint = false} : vector<6400x32xbf16>, vector<32x64xbf16>, vector<6400x64xf32> -> vector<6400x64xf32>
    %add3A = arith.addf %dot_general3A_21, %dot_general3A_26 : vector<6400x64xf32>
    %get3A_27 = arith.constant 0 : index
    %get3A_28 = arith.constant 0 : index
    %get3A_29 = vector.load %arg7[%get3A_27, %get3A_28] : memref<1x64xf32, #tpu.memory_space<vmem>>, vector<1x64xf32>
    %add3A_30 = vector.broadcast %get3A_29 : vector<1x64xf32> to vector<6400x64xf32>
    %add3A_31 = arith.addf %add3A, %add3A_30 : vector<6400x64xf32>
    %broadcast_in_dim3A = arith.constant 0.000000e+00 : f32
    %broadcast_in_dim3A_32 = vector.broadcast %broadcast_in_dim3A : f32 to vector<6400x64xf32>
    %concatenate3A = tpu.concatenate %add3A_31, %broadcast_in_dim3A_32 in 1 : vector<6400x64xf32>, vector<6400x64xf32> -> vector<6400x128xf32>
    %swap3A = arith.constant 0 : index
    %swap3A_33 = arith.constant 0 : index
    %swap3A_34 = vector.load %arg8[%swap3A, %swap3A_33] : memref<6400x128xf32, #tpu.memory_space<vmem>>, vector<6400x128xf32>
    tpu.vector_store %arg8[%swap3A, %swap3A_33], %concatenate3A {strides = array<i32>} : memref<6400x128xf32, #tpu.memory_space<vmem>>, vector<6400x128xf32>,
    return
  }
  func.func @transform_0(%arg0: i32) -> (i32, i32) {
    %mul3A = arith.constant 0 : i32
    %mul3A_0 = arith.muli %arg0, %mul3A : i32
    %c0_i32 = arith.constant 0 : i32
    return %arg0, %mul3A_0 : i32, i32
  }
  func.func @transform_1(%arg0: i32) -> (i32, i32) {
    %mul3A = arith.constant 0 : i32
    %mul3A_0 = arith.muli %arg0, %mul3A : i32
    %c0_i32 = arith.constant 0 : i32
    return %mul3A_0, %arg0 : i32, i32
  }
  func.func @transform_2(%arg0: i32) -> (i32, i32) {
    %mul3A = arith.constant 0 : i32
    %mul3A_0 = arith.muli %arg0, %mul3A : i32
    %mul3A_1 = arith.constant 0 : i32
    %mul3A_2 = arith.muli %arg0, %mul3A_1 : i32
    %c0_i32 = arith.constant 0 : i32
    return %mul3A_0, %mul3A_2 : i32, i32
  }
  func.func @transform_3(%arg0: i32) -> (i32, i32) {
    %mul3A = arith.constant 0 : i32
    %mul3A_0 = arith.muli %arg0, %mul3A : i32
    %mul3A_1 = arith.constant 0 : i32
    %mul3A_2 = arith.muli %arg0, %mul3A_1 : i32
    %c0_i32 = arith.constant 0 : i32
    return %mul3A_0, %mul3A_2 : i32, i32
  }
  func.func @transform_4(%arg0: i32) -> (i32, i32) {
    %mul3A = arith.constant 0 : i32
    %mul3A_0 = arith.muli %arg0, %mul3A : i32
    %mul3A_1 = arith.constant 0 : i32
    %mul3A_2 = arith.muli %arg0, %mul3A_1 : i32
    %c0_i32 = arith.constant 0 : i32
    return %mul3A_0, %mul3A_2 : i32, i32
  }
  func.func @transform_5(%arg0: i32) -> (i32, i32) {
    %mul3A = arith.constant 0 : i32
    %mul3A_0 = arith.muli %arg0, %mul3A : i32
    %mul3A_1 = arith.constant 0 : i32
    %mul3A_2 = arith.muli %arg0, %mul3A_1 : i32
    %c0_i32 = arith.constant 0 : i32
    return %mul3A_0, %mul3A_2 : i32, i32
  }
  func.func @transform_6(%arg0: i32) -> (i32, i32) {
    %mul3A = arith.constant 0 : i32
    %mul3A_0 = arith.muli %arg0, %mul3A : i32
    %mul3A_1 = arith.constant 0 : i32
    %mul3A_2 = arith.muli %arg0, %mul3A_1 : i32
    %c0_i32 = arith.constant 0 : i32
    return %mul3A_0, %mul3A_2 : i32, i32
  }
  func.func @transform_7(%arg0: i32) -> (i32, i32) {
    %mul3A = arith.constant 0 : i32
    %mul3A_0 = arith.muli %arg0, %mul3A : i32
    %c0_i32 = arith.constant 0 : i32
    return %arg0, %mul3A_0 : i32, i32
  }
}

module attributes {stable_mosaic.version = 14 : i64} {
  func.func @_fin_body(%arg0: i32, %arg1: memref<1024x128xf32, #tpu.memory_space<vmem>>, %arg2: memref<1024x128xf32, #tpu.memory_space<vmem>>, %arg3: memref<1024x128xf32, #tpu.memory_space<vmem>>, %arg4: memref<128x128xf32, #tpu.memory_space<vmem>>, %arg5: memref<1x128xf32, #tpu.memory_space<vmem>>, %arg6: memref<1024x128xf32, #tpu.memory_space<vmem>>) attributes {dimension_semantics = [#tpu.dimension_semantics<arbitrary>], iteration_bounds = array<i64: 10>, scalar_prefetch = 0 : i64, scratch_operands = 0 : i64, tpu.core_type = #tpu.core_type<tc>, window_params = [{transform_indices = @transform_0, window_bounds = array<i64: 1024, 128>}, {transform_indices = @transform_1, window_bounds = array<i64: 1024, 128>}, {transform_indices = @transform_2, window_bounds = array<i64: 1024, 128>}, {transform_indices = @transform_3, window_bounds = array<i64: 128, 128>}, {transform_indices = @transform_4, window_bounds = array<i64: 1, 128>}, {transform_indices = @transform_5, window_bounds = array<i64: 1024, 128>}]} {
    %get3A = arith.constant 0 : index
    %get3A_0 = arith.constant 0 : index
    %get3A_1 = vector.load %arg1[%get3A, %get3A_0] : memref<1024x128xf32, #tpu.memory_space<vmem>>, vector<1024x128xf32>
    %get3A_2 = arith.constant 0 : index
    %get3A_3 = arith.constant 0 : index
    %get3A_4 = vector.load %arg2[%get3A_2, %get3A_3] : memref<1024x128xf32, #tpu.memory_space<vmem>>, vector<1024x128xf32>
    %add3A = arith.addf %get3A_1, %get3A_4 : vector<1024x128xf32>
    %slice3A = vector.extract_strided_slice %add3A {offsets = [0, 32], sizes = [1024, 1], strides = [1, 1]} : vector<1024x128xf32> to vector<1024x1xf32>
    %max3A = arith.constant 1.000000e+00 : f32
    %max3A_5 = vector.broadcast %max3A : f32 to vector<1024x1xf32>
    %max3A_6 = arith.maximumf %slice3A, %max3A_5 : vector<1024x1xf32>
    %div3A = vector.broadcast %max3A_6 : vector<1024x1xf32> to vector<1024x128xf32>
    %div3A_7 = arith.divf %add3A, %div3A : vector<1024x128xf32>
    %get3A_8 = arith.constant 0 : index
    %get3A_9 = arith.constant 0 : index
    %get3A_10 = vector.load %arg3[%get3A_8, %get3A_9] : memref<1024x128xf32, #tpu.memory_space<vmem>>, vector<1024x128xf32>
    %get3A_11 = arith.constant 0 : index
    %get3A_12 = arith.constant 0 : index
    %get3A_13 = vector.load %arg4[%get3A_11, %get3A_12] : memref<128x128xf32, #tpu.memory_space<vmem>>, vector<128x128xf32>
    %dot_general3A = arith.constant dense<0.000000e+00> : vector<1024x128xf32>
    %dot_general3A_14 = tpu.matmul %get3A_10, %get3A_13, %dot_general3A {dimension_numbers = #tpu.dot_dimension_numbers<[1], [0], [0], [1], [0, 0, 1, 1], [], []>, precision = #tpu.contract_precision<fp32>, transpose_lhs_hint = false} : vector<1024x128xf32>, vector<128x128xf32>, vector<1024x128xf32> -> vector<1024x128xf32>
    %add3A_15 = arith.addf %div3A_7, %dot_general3A_14 : vector<1024x128xf32>
    %get3A_16 = arith.constant 0 : index
    %get3A_17 = arith.constant 0 : index
    %get3A_18 = vector.load %arg5[%get3A_16, %get3A_17] : memref<1x128xf32, #tpu.memory_space<vmem>>, vector<1x128xf32>
    %add3A_19 = vector.broadcast %get3A_18 : vector<1x128xf32> to vector<1024x128xf32>
    %add3A_20 = arith.addf %add3A_15, %add3A_19 : vector<1024x128xf32>
    %tanh3A = math.tanh %add3A_20 : vector<1024x128xf32>
    %swap3A = arith.constant 0 : index
    %swap3A_21 = arith.constant 0 : index
    %swap3A_22 = vector.load %arg6[%swap3A, %swap3A_21] : memref<1024x128xf32, #tpu.memory_space<vmem>>, vector<1024x128xf32>
    tpu.vector_store %arg6[%swap3A, %swap3A_21], %tanh3A {strides = array<i32>} : memref<1024x128xf32, #tpu.memory_space<vmem>>, vector<1024x128xf32>,
    return
  }
  func.func @transform_0(%arg0: i32) -> (i32, i32) {
    %mul3A = arith.constant 0 : i32
    %mul3A_0 = arith.muli %arg0, %mul3A : i32
    %c0_i32 = arith.constant 0 : i32
    return %arg0, %mul3A_0 : i32, i32
  }
  func.func @transform_1(%arg0: i32) -> (i32, i32) {
    %add3A = arith.constant 10 : i32
    %add3A_0 = arith.addi %arg0, %add3A : i32
    %mul3A = arith.constant 0 : i32
    %mul3A_1 = arith.muli %arg0, %mul3A : i32
    %c0_i32 = arith.constant 0 : i32
    return %add3A_0, %mul3A_1 : i32, i32
  }
  func.func @transform_2(%arg0: i32) -> (i32, i32) {
    %mul3A = arith.constant 0 : i32
    %mul3A_0 = arith.muli %arg0, %mul3A : i32
    %c0_i32 = arith.constant 0 : i32
    return %arg0, %mul3A_0 : i32, i32
  }
  func.func @transform_3(%arg0: i32) -> (i32, i32) {
    %mul3A = arith.constant 0 : i32
    %mul3A_0 = arith.muli %arg0, %mul3A : i32
    %mul3A_1 = arith.constant 0 : i32
    %mul3A_2 = arith.muli %arg0, %mul3A_1 : i32
    %c0_i32 = arith.constant 0 : i32
    return %mul3A_0, %mul3A_2 : i32, i32
  }
  func.func @transform_4(%arg0: i32) -> (i32, i32) {
    %mul3A = arith.constant 0 : i32
    %mul3A_0 = arith.muli %arg0, %mul3A : i32
    %mul3A_1 = arith.constant 0 : i32
    %mul3A_2 = arith.muli %arg0, %mul3A_1 : i32
    %c0_i32 = arith.constant 0 : i32
    return %mul3A_0, %mul3A_2 : i32, i32
  }
  func.func @transform_5(%arg0: i32) -> (i32, i32) {
    %mul3A = arith.constant 0 : i32
    %mul3A_0 = arith.muli %arg0, %mul3A : i32
    %c0_i32 = arith.constant 0 : i32
    return %arg0, %mul3A_0 : i32, i32
  }
}

</mosaic_0001>

<sc_bundles>
// kernel: kernel.10.cloned.1.call-start
scs
__scs_entry_jumppad:
0x0: {  	(pc) =	sbr.rel $0x88, $3  }
0x1: {  	(tag) =	ssettag $0x0;
	lr =	simm.s32 $0x1  }
0x2: {  	[smem:$0x3F96] =	sst lr;
	_ =	strace $0xD0000000  }
0x3: {  	_ = 	snop  }
0x4: {  	_ = 	snop  }
0x5: {  	_ = 	snop  }
0x6: {  	_ = 	snop  }
0x7: {  	_ = 	snop  }
__scs_overlays_trampoline_lowered:
0x8: {  	[smem:$0x3FA5] =	sst s0  }
0x9: {  	[smem:$0x3FA6] =	sst s1  }
0xa: {  	[smem:$0x3FA7] =	sst s2  }
0xb: {  	[smem:$0x3FA8] =	sst s3  }
0xc: {  	[smem:$0x3FA9] =	sst s4  }
0xd: {  	[smem:$0x3FAA] =	sst s5  }
0xe: {  	[smem:$0x3FAB] =	sst s6  }
0xf: {  	[smem:$0x3FAC] =	sst s7  }
0x10: {  	[smem:$0x3FAD] =	sst s8  }
0x11: {  	[smem:$0x3FAE] =	sst s9;
	s0 =	simm.s32 @!p0 $0x0  }
0x12: {  	s1 =	sld [smem:$0x3F94];
	s0 =	simm.s32 @p0 $0x1  }
0x13: {  	[smem:$0x3FAF] =	sst s0;
	s0 =	simm.s32 @!p1 $0x0  }
0x14: {  	s2 =	sld [smem:$0x3F93];
	s0 =	simm.s32 @p1 $0x1  }
0x15: {  	[smem:$0x3FB0] =	sst s0;
	s0 =	simm.s32 @!p2 $0x0  }
0x16: {  	s3 =	sld [smem:$0x3FDB];
	s0 =	simm.s32 @p2 $0x1  }
0x17: {  	s4 =	simm.s32 $0x1BF5;
	[smem:$0x3FB2] =	sst s0  }
0x18: {  	s0 =	sld [smem:$0x3F95];
	_ =	swait.ge [sflag:s4], $0x0  }
0x19: {  	s7 =	sld [smem:$0x3F96]  }
0x1a: {  	s8 =	sadd.s32 $0xFFFFE003, lr  }
0x1b: {  	s9 =	sadd.s32 $0xFFFFFEF7, lr;
	s5 =	simm.s32 $0xFFFFFFFF;
	p2 =	slt.u32 s8, $0xFFFFF086  }
0x1c: {  	p1 =	slt.u32 s9, $0xF7A;
	s5 =	simm.s32 @!p2 $0x0  }
0x1d: {  	s5 =	simm.s32 @p1 $0x1;
	p0 =	seq.s32 s7, s2  }
0x1e: {  	s7 =	smul.u32 @!p0 $0xF7A, s2;
	p2 =	seq.s32 @!p0 s5, $0x0  }
0x1f: {  	s9 =	smul.u32 $0xF7A, s1;
	s8 =	simm.s32 @!p0 $0x1BF5;
	p2 =	por !p2, p0  }
0x20: {  	[sflag:s8] =	ssyncset.s32 @!p0 $0xFFFFF086;
	s6 =	sadd.s32 @!p0 s3, s7;
	s7 =	simm.s32 @!p0 $0x108  }
0x21: {  	s3 =	sadd.s32 s3, s9;
	s6 =	sadd.s32 @!p0 $0x88, s6;
	s7 =	simm.s32 @p2 $0x1082  }
0x22: {  	[simem:s7], [sflag:s8] =	dma.local @!p0 [hbm:s6], $0xF7A  }
0x23: {  	s9 =	sor.u32 $0xD0000000, s2;
	s6 =	simm.s32 $0x108;
	_ =	swait.ge @!p0 [sflag:s8], $0x0  }
0x24: {  	s3 =	sadd.s32 $0x88, s3;
	s6 =	simm.s32 @!p1 $0x1082;
	[sflag:s4] =	ssyncset.s32 $0xFFFFF086  }
0x25: {  	[simem:s6], [sflag:s4] =	dma.local [hbm:s3], $0xF7A  }
0x26: {  	[smem:$0x3F96] =	sst s1;
	(tag) =	ssettag s2;
	_ =	strace s9  }
0x27: {  	s1 =	sld [smem:$0x3FA6]  }
0x28: {  	s2 =	sld [smem:$0x3FA7]  }
0x29: {  	s4 =	sld [smem:$0x3FA9]  }
0x2a: {  	p0 =	seq.s32 s5, $0x0;
	s5 =	sld [smem:$0x3FAA]  }
0x2b: {  	s6 =	sld [smem:$0x3FAB]  }
0x2c: {  	s7 =	sld [smem:$0x3FAC]  }
0x2d: {  	s3 =	simm.s32 $0x108;
	s8 =	sld [smem:$0x3FAD]  }
0x2e: {  	s3 =	simm.s32 @!p0 $0x1082;
	s9 =	sld [smem:$0x3FAE]  }
0x2f: {  	lr =	sadd.s32 s0, s3;
	s0 =	sld [smem:$0x3FA5]  }
0x30: {  	s3 =	sld [smem:$0x3FA8]  }
0x31: {  	[smem:$0x3FB1] =	sst s10  }
0x32: {  	s10 =	sld [smem:$0x3FAF];
	_ =	sdelay $0x3  }
0x33: {  	p0 =	seq.s32 s10, $0x1;
	s10 =	sld [smem:$0x3FB1];
	_ =	sdelay $0x3  }
0x34: {  	[smem:$0x3FB1] =	sst s10  }
0x35: {  	s10 =	sld [smem:$0x3FB0];
	_ =	sdelay $0x3  }
0x36: {  	p1 =	seq.s32 s10, $0x1;
	s10 =	sld [smem:$0x3FB1];
	_ =	sdelay $0x3  }
0x37: {  	[smem:$0x3FB1] =	sst s10  }
0x38: {  	s10 =	sld [smem:$0x3FB2]  }
0x39: {  	_ = 	snop;
	(pc) =	sbr.ind lr, $3  }
0x3a: {  	_ = 	snop  }
0x3b: {  	_ = 	snop  }
0x3c: {  	p2 =	seq.s32 s10, $0x1;
	s10 =	sld [smem:$0x3FB1]  }
0x3d: {  	_ =	shalt  }
0x3e: {  	_ =	shalt  }
0x3f: {  	_ =	shalt  }
0x40: {  	_ =	shalt  }
0x41: {  	_ =	shalt  }
0x42: {  	_ =	shalt  }
0x43: {  	_ =	shalt  }
0x44: {  	_ =	shalt  }
0x45: {  	_ =	shalt  }
0x46: {  	_ =	shalt  }
0x47: {  	_ =	shalt  }
0x48: {  	_ =	shalt  }
0x49: {  	_ =	shalt  }
0x4a: {  	_ =	shalt  }
0x4b: {  	_ =	shalt  }
0x4c: {  	_ =	shalt  }
0x4d: {  	_ =	shalt  }
0x4e: {  	_ =	shalt  }
0x4f: {  	_ =	shalt  }
0x50: {  	_ =	shalt  }
0x51: {  	_ =	shalt  }
0x52: {  	_ =	shalt  }
0x53: {  	_ =	shalt  }
0x54: {  	_ =	shalt  }
0x55: {  	_ =	shalt  }
0x56: {  	_ =	shalt  }
0x57: {  	_ =	shalt  }
0x58: {  	_ =	shalt  }
0x59: {  	_ =	shalt  }
0x5a: {  	_ =	shalt  }
0x5b: {  	_ =	shalt  }
0x5c: {  	_ =	shalt  }
0x5d: {  	_ =	shalt  }
0x5e: {  	_ =	shalt  }
0x5f: {  	_ =	shalt  }
0x60: {  	_ =	shalt  }
0x61: {  	_ =	shalt  }
0x62: {  	_ =	shalt  }
0x63: {  	_ =	shalt  }
0x64: {  	_ =	shalt  }
0x65: {  	_ =	shalt  }
0x66: {  	_ =	shalt  }
0x67: {  	_ =	shalt  }
0x68: {  	_ =	shalt  }
0x69: {  	_ =	shalt  }
0x6a: {  	_ =	shalt  }
0x6b: {  	_ =	shalt  }
0x6c: {  	_ =	shalt  }
0x6d: {  	_ =	shalt  }
0x6e: {  	_ =	shalt  }
0x6f: {  	_ =	shalt  }
0x70: {  	_ =	shalt  }
0x71: {  	_ =	shalt  }
0x72: {  	_ =	shalt  }
0x73: {  	_ =	shalt  }
0x74: {  	_ =	shalt  }
0x75: {  	_ =	shalt  }
0x76: {  	_ =	shalt  }
0x77: {  	_ =	shalt  }
0x78: {  	_ =	shalt  }
0x79: {  	_ =	shalt  }
0x7a: {  	_ =	shalt  }
0x7b: {  	_ =	shalt  }
0x7c: {  	_ =	shalt  }
0x7d: {  	_ =	shalt  }
0x7e: {  	_ =	shalt  }
0x7f: {  	_ =	shalt  }
0x80: {  	_ =	shalt  }
0x81: {  	_ =	shalt  }
0x82: {  	_ =	shalt  }
0x83: {  	_ =	shalt  }
0x84: {  	_ =	shalt  }
0x85: {  	_ =	shalt  }
0x86: {  	_ =	shalt  }
0x87: {  	_ =	shalt  }
.Lfunc_end0:
.L_simem_size_0:
called_computation_lowered:
.L_overlay_start_0:
0x88: {  	s2 =	sld [smem:$0x3FD9]  }
0x89: {  	s3 =	sld [smem:$0x3FFE];
	_ =	sdelay $0x1  }
0x8a: {  	s1 =	srdreg.scid  }
0x8b: {  	s0 =	sand.u32 $0x1, s1  }
0x8c: {  	s17 =	sshll.u32 s0, $0xA;
	s2 =	sadd.s32 s3, s2  }
0x8d: {  	s2 =	sadd.s32 s2, s17  }
0x8e: {  	[smem:$0x3FBD] =	sst s2  }
0x8f: {  	_ = 	snop  }
0x90: {  	s2 =	sld [smem:$0x3FD0];
	(tm) =	ssettm $0x1  }
0x91: {  	s18 =	sld [smem:$0x3FFB];
	_ =	sdelay $0x3  }
0x92: {  	_ =	strace s18  }
0x93: {  	s3 =	sld [smem:$0x3FFC];
	_ =	sdelay $0x3  }
0x94: {  	_ =	strace s3  }
0x95: {  	s3 =	sld [smem:$0x3FFD];
	_ =	sdelay $0x3  }
0x96: {  	_ =	strace s3  }
0x97: {  	_ =	strace $0x8FFFFFFF  }
0x98: {  	s19 =	sld [smem:$0x3FDB];
	_ =	sdelay $0x1  }
0x99: {  	s4 =	simm.s32 $_scs_section_size  }
0x9a: {  	s5 =	simm.s32 $_size__tile_overlayer_lowered;
	s6 =	simm.s32 $_tile_overlayer_lowered  }
0x9b: {  	s22 =	simm.s32 $0x1BFF;
	s21 =	sshll.u32 s6, $0x1;
	s3 =	sadd.s32 s4, s19  }
0x9c: {  	s7 =	simm.s32 $0x0;
	s20 =	sshll.u32 s5, $0x1;
	s5 =	sadd.s32 s21, s3  }
0x9d: {  	[timem:s7], [sflag:s22] =	dma.local [hbm:s5], s20  }
0x9e: {  	_ =	swait.ge [sflag:s22], s20  }
0x9f: {  	s4 =	ssub.s32 $0x0, s20;
	[sflag:s22] =	ssyncset.done $0x0  }
0xa0: {  	[sflag:s22] =	ssyncadd.s32 s4;
	_ =	sdelay $0x1  }
0xa1: {  	s23 =	simm.s32 $0x1B8B  }
0xa2: {  	_ =	swait.ge [sflag:s23], $0x1  }
0xa3: {  	[sflag:s23] =	ssyncset.done $0x0  }
0xa4: {  	s25 =	simm.s32 $0x1B8E;
	s24 =	sld [smem:$0x3FFE];
	[sflag:s23] =	ssyncadd.s32 $0xFFFFFFFF  }
0xa5: {  	s26 =	simm.s32 $execute0_lowered;
	[smem:$0x3FD2] =	sst s25  }
0xa6: {  	s5 =	sshll.u32 s26, $0x1;
	_ =	strace $0x80000046;
	[dreg:$0x1] =	wrdreg $0xFFFFFFFF  }
0xa7: {  	s28 =	simm.s32 $_size_execute0_lowered;
	s3 =	sadd.s32 s3, s5;
	[dreg:$0x0] =	wrdreg $0x0  }
0xa8: {  	s5 =	sshll.u32 s28, $0x1;
	[dreg:$0x2] =	wrdreg s3  }
0xa9: {  	[dreg:$0x3] =	wrdreg s5  }
0xaa: {  	[dreg:$0x4] =	wrdreg $0xC0  }
0xab: {  	_ =	task [dreg:s7], $0x5FFFF  }
0xac: {  	[dreg:$0x1] =	wrdreg $0xFFFFFFFF  }
0xad: {  	[dreg:$0x0] =	wrdreg $0x60  }
0xae: {  	[dreg:$0x2] =	wrdreg s2  }
0xaf: {  	[dreg:$0x3] =	wrdreg s24  }
0xb0: {  	[dreg:$0x4] =	wrdreg $0x9  }
0xb1: {  	_ =	task.clear_ibuf [dreg:s7], $0x5FFFF;
	_ =	strace $0x90000046  }
0xb2: {  	s29 =	simm.s32 $0x9;
	_ =	strace $0x80000048  }
0xb3: {  	_ =	swait.ge [sflag:s29], $0x1  }
0xb4: {  	[sflag:s29] =	ssyncadd.s32 $0xFFFFFFFF  }
0xb5: {  	_ =	strace $0x90000048  }
0xb6: {  	_ =	sfence  }
0xb7: {  	s30 =	sld [smem:$0x0];
	_ =	sdelay $0x2  }
0xb8: {  	s31 =	sshll.u32 s1, $0xD;
	s1 =	sshrl.u32 s1, $0x2  }
0xb9: {  	s3 =	sand.u32 $0x4000, s31;
	s1 =	sadd.s32 s1, s30  }
0xba: {  	s0 =	sor.u32 s3, s0;
	s1 =	sshll.u32 s1, $0x11  }
0xbb: {  	s0 =	sor.u32 s1, s0  }
0xbc: {  	s0 =	sadd.s32 $0x8F2B, s0  }
0xbd: {  	[sflag:s0] =	ssyncadd.remote.s32 $0x1  }
0xbe: {  	_ =	sfence.sel $0xFFFF  }
0xbf: {  	[dreg:$0x0] =	wrdreg $0xFFFFFFFF;
	(pc) =	sbr.abs _section_cstart, $3  }
0xc0: {  	[dreg:$0x1] =	wrdreg $0xFFFFFFFF  }
0xc1: {  	_ =	task.clear_ibuf [dreg:s7], $0x2FFFF;
	_ =	strace $0x9FFFFFFF  }
0xc2: {  	(tm) =	ssettm $0x7FFFFFFF  }
0xc3: {  	_ =	shalt  }
tec
execute0_lowered:
.L_overlay_start_1:
0x0: {  	(tag) =	ssettag $0x1  }
0x1: {  	s0 =	srdreg.scid  }
0x2: {  	s22 =	sand.u32 $0x1, s0  }
0x3: {  	s0 =	stileid.u32;
	s1 =	sshll.u32 s22, $0x4  }
0x4: {  	s9 =	sor.u32 s0, s1  }
0x5: {  	s2 =	rddreg [dreg:$0x0];
	s21 =	smul.u32 $0x1388, s9  }
0x6: {  	s10 =	rddreg [dreg:$0x1];
	s3 =	simm.s32 $0x0;
	s5 =	simm.s32 $0x4  }
0x7: {  	[smem:$0x7FF] =	sst s3;
	s20 =	sadd.s32 $0x4200, s10;
	s4 =	sshrl.u32 s21, $0x3  }
0x8: {  	s1 =	rddreg [dreg:$0x2];
	_ =	strace $0x80000047;
	s4 =	sadd.s32 s20, s4  }
0x9: {  	[tilespmem:s3], [sflag:$0x4] =	stream.linear.gather [hbm4b:s4+s3], $0x3E8, $0x38;
	[tilespmem:$0x101D0] =	vst v63  }
0xa: {  	_ =	swait.ge [sflag:s5], $0x3E8  }
0xb: {  	s6 =	simm.s32 $0x3E8;
	s15 =	sadd.s32 $0x3E8, s21;
	[sflag:s5] =	ssyncset.done $0x0  }
0xc: {  	s7 =	simm.s32 $0x7D0;
	s8 =	sshrl.u32 s15, $0x3;
	[sflag:s5] =	ssyncadd.s32 $0xFFFFFC18  }
0xd: {  	[tilespmem:s7], [sflag:$0x1] =	stream.indirect.gather [hbm4b:s2+s6], $0x20, s3, s6, $0xb8;
	[tilespmem:$0x101D0] =	vst v63  }
0xe: {  	s8 =	sadd.s32 s20, s8  }
0xf: {  	[tilespmem:s6], [sflag:$0x4] =	stream.linear.gather [hbm4b:s8+s3], $0x3E8, $0x38;
	[tilespmem:$0x101D0] =	vst v63  }
0x10: {  	_ =	swait.ge [sflag:s5], $0x3E8  }
0x11: {  	[sflag:s5] =	ssyncset.done $0x0  }
0x12: {  	s11 =	smul.u32 $0x13880, s9;
	s9 =	simm.s32 $0x1;
	[sflag:s5] =	ssyncadd.s32 $0xFFFFFC18  }
0x13: {  	s23 =	sadd.s32 $0x35400, s10;
	_ =	swait.ge [sflag:s9], $0x7D00  }
0x14: {  	s12 =	simm.s32 $0x80;
	s10 =	sadd.s32 s23, s11;
	[sflag:s9] =	ssyncset.done $0x0  }
0x15: {  	s18 =	sadd.s32 $0x7D0, s21;
	s11 =	simm.s32 $0x20;
	[sflag:s9] =	ssyncadd.s32 $0xFFFF8300  }
0x16: {  	[hbm4b:s10+s11] =	stream.strided.scatter [tilespmem:s7], [sflag:$0x2], $0x7D00, s12, s11, $0x38;
	[tilespmem:$0x101D0] =	vst v63  }
0x17: {  	s13 =	simm.s32 $0x84D0;
	s14 =	sshrl.u32 s18, $0x3  }
0x18: {  	[tilespmem:s13], [sflag:$0x1] =	stream.indirect.gather [hbm4b:s2+s6], $0x20, s6, s6, $0xb8;
	[tilespmem:$0x101D0] =	vst v63  }
0x19: {  	s14 =	sadd.s32 s20, s14  }
0x1a: {  	[tilespmem:s3], [sflag:$0x4] =	stream.linear.gather [hbm4b:s14+s3], $0x3E8, $0x38;
	[tilespmem:$0x101D0] =	vst v63  }
0x1b: {  	_ =	swait.ge [sflag:s5], $0x3E8  }
0x1c: {  	[sflag:s5] =	ssyncset.done $0x0  }
0x1d: {  	[sflag:s5] =	ssyncadd.s32 $0xFFFFFC18  }
0x1e: {  	_ =	swait.ge [sflag:s9], $0x7D00  }
0x1f: {  	s15 =	sshll.u32 s15, $0x4;
	[sflag:s9] =	ssyncset.done $0x0  }
0x20: {  	s16 =	sadd.s32 s23, s15;
	s15 =	simm.s32 $0x2;
	[sflag:s9] =	ssyncadd.s32 $0xFFFF8300  }
0x21: {  	[hbm4b:s16+s11] =	stream.strided.scatter [tilespmem:s13], [sflag:$0x3], $0x7D00, s12, s11, $0x38;
	[tilespmem:$0x101D0] =	vst v63  }
0x22: {  	_ =	swait.ge [sflag:s15], $0x7D00  }
0x23: {  	s24 =	sadd.s32 $0xBB8, s21;
	[sflag:s15] =	ssyncset.done $0x0  }
0x24: {  	s17 =	sshrl.u32 s24, $0x3;
	[sflag:s15] =	ssyncadd.s32 $0xFFFF8300  }
0x25: {  	[tilespmem:s7], [sflag:$0x1] =	stream.indirect.gather [hbm4b:s2+s6], $0x20, s3, s6, $0xb8;
	[tilespmem:$0x101D0] =	vst v63  }
0x26: {  	s17 =	sadd.s32 s20, s17  }
0x27: {  	[tilespmem:s6], [sflag:$0x4] =	stream.linear.gather [hbm4b:s17+s3], $0x3E8, $0x38;
	[tilespmem:$0x101D0] =	vst v63  }
0x28: {  	_ =	swait.ge [sflag:s5], $0x3E8  }
0x29: {  	[sflag:s5] =	ssyncset.done $0x0  }
0x2a: {  	[sflag:s5] =	ssyncadd.s32 $0xFFFFFC18  }
0x2b: {  	_ =	swait.ge [sflag:s9], $0x7D00  }
0x2c: {  	s18 =	sshll.u32 s18, $0x4;
	[sflag:s9] =	ssyncset.done $0x0  }
0x2d: {  	s19 =	simm.s32 $0x3;
	s18 =	sadd.s32 s23, s18;
	[sflag:s9] =	ssyncadd.s32 $0xFFFF8300  }
0x2e: {  	[hbm4b:s18+s11] =	stream.strided.scatter [tilespmem:s7], [sflag:$0x2], $0x7D00, s12, s11, $0x38;
	[tilespmem:$0x101D0] =	vst v63  }
0x2f: {  	_ =	swait.ge [sflag:s19], $0x7D00  }
0x30: {  	s25 =	sadd.s32 $0xFA0, s21;
	[sflag:s19] =	ssyncset.done $0x0  }
0x31: {  	s21 =	sshrl.u32 s25, $0x3;
	[sflag:s19] =	ssyncadd.s32 $0xFFFF8300  }
0x32: {  	[tilespmem:s13], [sflag:$0x1] =	stream.indirect.gather [hbm4b:s2+s6], $0x20, s6, s6, $0xb8;
	[tilespmem:$0x101D0] =	vst v63  }
0x33: {  	s20 =	sadd.s32 s20, s21  }
0x34: {  	[tilespmem:s3], [sflag:$0x4] =	stream.linear.gather [hbm4b:s20+s3], $0x3E8, $0x38;
	[tilespmem:$0x101D0] =	vst v63  }
0x35: {  	_ =	swait.ge [sflag:s5], $0x3E8  }
0x36: {  	[sflag:s5] =	ssyncset.done $0x0  }
0x37: {  	[sflag:s5] =	ssyncadd.s32 $0xFFFFFC18  }
0x38: {  	_ =	swait.ge [sflag:s9], $0x7D00  }
0x39: {  	s28 =	sshll.u32 s24, $0x4;
	[sflag:s9] =	ssyncset.done $0x0  }
0x3a: {  	s21 =	sadd.s32 s23, s28;
	[sflag:s9] =	ssyncadd.s32 $0xFFFF8300  }
0x3b: {  	[hbm4b:s21+s11] =	stream.strided.scatter [tilespmem:s13], [sflag:$0x3], $0x7D00, s12, s11, $0x38;
	[tilespmem:$0x101D0] =	vst v63  }
0x3c: {  	_ =	swait.ge [sflag:s15], $0x7D00  }
0x3d: {  	s30 =	ssub.s32 $0x2, s22;
	[sflag:s15] =	ssyncset.done $0x0  }
0x3e: {  	s31 =	sshrl.u32 s30, $0x1;
	s29 =	sshll.u32 s25, $0x4;
	[sflag:s15] =	ssyncadd.s32 $0xFFFF8300  }
0x3f: {  	[tilespmem:s7], [sflag:$0x1] =	stream.indirect.gather [hbm4b:s2+s6], $0x20, s3, s6, $0xb8;
	[tilespmem:$0x101D0] =	vst v63  }
0x40: {  	s22 =	sadd.s32 s23, s29;
	s23 =	ssub.s32 s30, s31;
	_ =	swait.ge [sflag:s9], $0x7D00  }
0x41: {  	s23 =	smax.u32 s23, $0x1;
	[sflag:s9] =	ssyncset.done $0x0  }
0x42: {  	p0 =	sne.s32 s23, $0x1;
	[sflag:s9] =	ssyncadd.s32 $0xFFFF8300  }
0x43: {  	[hbm4b:s22+s11] =	stream.strided.scatter [tilespmem:s7], [sflag:$0x2], $0x7D00, s12, s11, $0x38;
	[tilespmem:$0x101D0] =	vst v63  }
.Ltmp0:
0x44: {  	_ =	swait.ge [sflag:s19], $0x7D00;
	(pc) =	sbr.rel @!p0 .LBB2_2-.Ltmp0, $4  }
0x45: {  	[sflag:s19] =	ssyncset.done $0x0  }
0x46: {  	[sflag:s19] =	ssyncadd.s32 $0xFFFF8300  }
0x47: {  	_ =	swait.ge [sflag:s15], $0x7D00  }
0x48: {  	s23 =	sadd.s32 $0xFFFFFFFF, s23;
	[sflag:s15] =	ssyncset.done $0x0  }
.LBB2_1:
0x49: {  	p0 =	sne.s32 s23, $0x1;
	s23 =	sadd.s32 $0xFFFFFFFF, s23;
	[sflag:s15] =	ssyncadd.s32 $0xFFFF8300  }
0x4a: {  	[tilespmem:s3], [sflag:$0x4] =	stream.linear.gather [hbm4b:s4+s3], $0x3E8, $0x38;
	[tilespmem:$0x101D0] =	vst v63  }
0x4b: {  	_ =	swait.ge [sflag:s5], $0x3E8  }
0x4c: {  	[sflag:s5] =	ssyncset.done $0x0  }
0x4d: {  	[sflag:s5] =	ssyncadd.s32 $0xFFFFFC18  }
0x4e: {  	[tilespmem:s7], [sflag:$0x1] =	stream.indirect.gather [hbm4b:s2+s6], $0x20, s3, s6, $0xb8;
	[tilespmem:$0x101D0] =	vst v63  }
0x4f: {  	_ = 	snop  }
0x50: {  	[tilespmem:s6], [sflag:$0x4] =	stream.linear.gather [hbm4b:s8+s3], $0x3E8, $0x38;
	[tilespmem:$0x101D0] =	vst v63  }
0x51: {  	_ =	swait.ge [sflag:s5], $0x3E8  }
0x52: {  	[sflag:s5] =	ssyncset.done $0x0  }
0x53: {  	[sflag:s5] =	ssyncadd.s32 $0xFFFFFC18  }
0x54: {  	_ =	swait.ge [sflag:s9], $0x7D00  }
0x55: {  	[sflag:s9] =	ssyncset.done $0x0  }
0x56: {  	[sflag:s9] =	ssyncadd.s32 $0xFFFF8300  }
0x57: {  	[hbm4b:s10+s11] =	stream.strided.scatter [tilespmem:s7], [sflag:$0x2], $0x7D00, s12, s11, $0x38;
	[tilespmem:$0x101D0] =	vst v63  }
0x58: {  	_ = 	snop  }
0x59: {  	[tilespmem:s13], [sflag:$0x1] =	stream.indirect.gather [hbm4b:s2+s6], $0x20, s6, s6, $0xb8;
	[tilespmem:$0x101D0] =	vst v63  }
0x5a: {  	_ = 	snop  }
0x5b: {  	[tilespmem:s3], [sflag:$0x4] =	stream.linear.gather [hbm4b:s14+s3], $0x3E8, $0x38;
	[tilespmem:$0x101D0] =	vst v63  }
0x5c: {  	_ =	swait.ge [sflag:s5], $0x3E8  }
0x5d: {  	[sflag:s5] =	ssyncset.done $0x0  }
0x5e: {  	[sflag:s5] =	ssyncadd.s32 $0xFFFFFC18  }
0x5f: {  	_ =	swait.ge [sflag:s9], $0x7D00  }
0x60: {  	[sflag:s9] =	ssyncset.done $0x0  }
0x61: {  	[sflag:s9] =	ssyncadd.s32 $0xFFFF8300  }
0x62: {  	[hbm4b:s16+s11] =	stream.strided.scatter [tilespmem:s13], [sflag:$0x3], $0x7D00, s12, s11, $0x38;
	[tilespmem:$0x101D0] =	vst v63  }
0x63: {  	_ =	swait.ge [sflag:s15], $0x7D00  }
0x64: {  	[sflag:s15] =	ssyncset.done $0x0  }
0x65: {  	[sflag:s15] =	ssyncadd.s32 $0xFFFF8300  }
0x66: {  	[tilespmem:s7], [sflag:$0x1] =	stream.indirect.gather [hbm4b:s2+s6], $0x20, s3, s6, $0xb8;
	[tilespmem:$0x101D0] =	vst v63  }
0x67: {  	_ = 	snop  }
0x68: {  	[tilespmem:s6], [sflag:$0x4] =	stream.linear.gather [hbm4b:s17+s3], $0x3E8, $0x38;
	[tilespmem:$0x101D0] =	vst v63  }
0x69: {  	_ =	swait.ge [sflag:s5], $0x3E8  }
0x6a: {  	[sflag:s5] =	ssyncset.done $0x0  }
0x6b: {  	[sflag:s5] =	ssyncadd.s32 $0xFFFFFC18  }
0x6c: {  	_ =	swait.ge [sflag:s9], $0x7D00  }
0x6d: {  	[sflag:s9] =	ssyncset.done $0x0  }
0x6e: {  	[sflag:s9] =	ssyncadd.s32 $0xFFFF8300  }
0x6f: {  	[hbm4b:s18+s11] =	stream.strided.scatter [tilespmem:s7], [sflag:$0x2], $0x7D00, s12, s11, $0x38;
	[tilespmem:$0x101D0] =	vst v63  }
0x70: {  	_ =	swait.ge [sflag:s19], $0x7D00  }
0x71: {  	[sflag:s19] =	ssyncset.done $0x0  }
0x72: {  	[sflag:s19] =	ssyncadd.s32 $0xFFFF8300  }
0x73: {  	[tilespmem:s13], [sflag:$0x1] =	stream.indirect.gather [hbm4b:s2+s6], $0x20, s6, s6, $0xb8;
	[tilespmem:$0x101D0] =	vst v63  }
0x74: {  	_ = 	snop  }
0x75: {  	[tilespmem:s3], [sflag:$0x4] =	stream.linear.gather [hbm4b:s20+s3], $0x3E8, $0x38;
	[tilespmem:$0x101D0] =	vst v63  }
0x76: {  	_ =	swait.ge [sflag:s5], $0x3E8  }
0x77: {  	[sflag:s5] =	ssyncset.done $0x0  }
0x78: {  	[sflag:s5] =	ssyncadd.s32 $0xFFFFFC18  }
0x79: {  	_ =	swait.ge [sflag:s9], $0x7D00  }
0x7a: {  	[sflag:s9] =	ssyncset.done $0x0  }
0x7b: {  	[sflag:s9] =	ssyncadd.s32 $0xFFFF8300  }
0x7c: {  	[hbm4b:s21+s11] =	stream.strided.scatter [tilespmem:s13], [sflag:$0x3], $0x7D00, s12, s11, $0x38;
	[tilespmem:$0x101D0] =	vst v63  }
0x7d: {  	_ =	swait.ge [sflag:s15], $0x7D00  }
0x7e: {  	[sflag:s15] =	ssyncset.done $0x0  }
0x7f: {  	[sflag:s15] =	ssyncadd.s32 $0xFFFF8300  }
0x80: {  	[tilespmem:s7], [sflag:$0x1] =	stream.indirect.gather [hbm4b:s2+s6], $0x20, s3, s6, $0xb8;
	[tilespmem:$0x101D0] =	vst v63  }
0x81: {  	_ =	swait.ge [sflag:s9], $0x7D00  }
0x82: {  	[sflag:s9] =	ssyncset.done $0x0  }
0x83: {  	[sflag:s9] =	ssyncadd.s32 $0xFFFF8300  }
0x84: {  	[hbm4b:s22+s11] =	stream.strided.scatter [tilespmem:s7], [sflag:$0x2], $0x7D00, s12, s11, $0x38;
	[tilespmem:$0x101D0] =	vst v63  }
.Ltmp1:
0x85: {  	_ =	swait.ge [sflag:s19], $0x7D00;
	(pc) =	sbr.rel @p0 .LBB2_1-.Ltmp1, $4  }
0x86: {  	[sflag:s19] =	ssyncset.done $0x0  }
0x87: {  	[sflag:s19] =	ssyncadd.s32 $0xFFFF8300  }
0x88: {  	_ =	swait.ge [sflag:s15], $0x7D00  }
0x89: {  	[sflag:s15] =	ssyncset.done $0x0  }
.LBB2_2:
0x8a: {  	[sflag:s15] =	ssyncadd.s32 $0xFFFF8300  }
0x8b: {  	_ =	sfence.sel $0x180000  }
0x8c: {  	[bflag:$0x0] =	sbarrier.arrive $0xFFFF  }
0x8d: {  	p0 =	sne.s32 s0, $0x0;
	_ =	strace $0x90000047  }
0x8e: {  	s0 =	sadd.s32 @!p0 $0x100000, s1;
	[bflag:$0x2] =	sbarrier.arrive $0xFFFF  }
0x8f: {  	[sflag:s0] =	ssyncadd.tile.s32 @!p0 $0x1;
	_ =	shalt  }
.Lfunc_end2:
_tile_overlayer_lowered:
.L_overlay_start_2:
0x90: {  	(tag) =	ssettag $0x2  }
0x91: {  	s0 =	rddreg [dreg:$0x0];
	s2 =	stileid.u32  }
0x92: {  	s1 =	rddreg [dreg:$0x1];
	p0 =	sne.s32 s2, $0x0  }
0x93: {  	s3 =	rddreg [dreg:$0x2];
	[bflag:$0x3] =	sbarrier.arrive $0xFFFF;
	s2 =	simm.s32 @!p0 $0x1C04  }
0x94: {  	[timem:s3], [sflag:s2] =	dma.local @!p0 [hbm:s0], s1  }
0x95: {  	s0 =	simm.s32 @!p0 $0x4  }
0x96: {  	_ =	swait.ge @!p0 [sflag:s0], s1  }
0x97: {  	s1 =	ssub.s32 @!p0 $0x0, s1;
	[sflag:s0] =	ssyncset.done @!p0 $0x0  }
0x98: {  	[sflag:s0] =	ssyncadd.s32 @!p0 s1  }
0x99: {  	[bflag:$0x3] =	sbarrier.arrive $0xFFFF  }
0x9a: {  	_ =	shalt  }

// kernel: kernel.13.cloned.1.call-start
scs
__scs_entry_jumppad:
0x0: {  	(pc) =	sbr.rel $0x88, $3  }
0x1: {  	(tag) =	ssettag $0x0;
	lr =	simm.s32 $0x1  }
0x2: {  	[smem:$0x3F96] =	sst lr;
	_ =	strace $0xD0000000  }
0x3: {  	_ = 	snop  }
0x4: {  	_ = 	snop  }
0x5: {  	_ = 	snop  }
0x6: {  	_ = 	snop  }
0x7: {  	_ = 	snop  }
__scs_overlays_trampoline_lowered:
0x8: {  	[smem:$0x3FA5] =	sst s0  }
0x9: {  	[smem:$0x3FA6] =	sst s1  }
0xa: {  	[smem:$0x3FA7] =	sst s2  }
0xb: {  	[smem:$0x3FA8] =	sst s3  }
0xc: {  	[smem:$0x3FA9] =	sst s4  }
0xd: {  	[smem:$0x3FAA] =	sst s5  }
0xe: {  	[smem:$0x3FAB] =	sst s6  }
0xf: {  	[smem:$0x3FAC] =	sst s7  }
0x10: {  	[smem:$0x3FAD] =	sst s8  }
0x11: {  	[smem:$0x3FAE] =	sst s9;
	s0 =	simm.s32 @!p0 $0x0  }
0x12: {  	s1 =	sld [smem:$0x3F94];
	s0 =	simm.s32 @p0 $0x1  }
0x13: {  	[smem:$0x3FAF] =	sst s0;
	s0 =	simm.s32 @!p1 $0x0  }
0x14: {  	s2 =	sld [smem:$0x3F93];
	s0 =	simm.s32 @p1 $0x1  }
0x15: {  	[smem:$0x3FB0] =	sst s0;
	s0 =	simm.s32 @!p2 $0x0  }
0x16: {  	s3 =	sld [smem:$0x3FDB];
	s0 =	simm.s32 @p2 $0x1  }
0x17: {  	s4 =	simm.s32 $0x1BF5;
	[smem:$0x3FB2] =	sst s0  }
0x18: {  	s0 =	sld [smem:$0x3F95];
	_ =	swait.ge [sflag:s4], $0x0  }
0x19: {  	s7 =	sld [smem:$0x3F96]  }
0x1a: {  	s8 =	sadd.s32 $0xFFFFE003, lr  }
0x1b: {  	s9 =	sadd.s32 $0xFFFFFEF7, lr;
	s5 =	simm.s32 $0xFFFFFFFF;
	p2 =	slt.u32 s8, $0xFFFFF086  }
0x1c: {  	p1 =	slt.u32 s9, $0xF7A;
	s5 =	simm.s32 @!p2 $0x0  }
0x1d: {  	s5 =	simm.s32 @p1 $0x1;
	p0 =	seq.s32 s7, s2  }
0x1e: {  	s7 =	smul.u32 @!p0 $0xF7A, s2;
	p2 =	seq.s32 @!p0 s5, $0x0  }
0x1f: {  	s9 =	smul.u32 $0xF7A, s1;
	s8 =	simm.s32 @!p0 $0x1BF5;
	p2 =	por !p2, p0  }
0x20: {  	[sflag:s8] =	ssyncset.s32 @!p0 $0xFFFFF086;
	s6 =	sadd.s32 @!p0 s3, s7;
	s7 =	simm.s32 @!p0 $0x108  }
0x21: {  	s3 =	sadd.s32 s3, s9;
	s6 =	sadd.s32 @!p0 $0x88, s6;
	s7 =	simm.s32 @p2 $0x1082  }
0x22: {  	[simem:s7], [sflag:s8] =	dma.local @!p0 [hbm:s6], $0xF7A  }
0x23: {  	s9 =	sor.u32 $0xD0000000, s2;
	s6 =	simm.s32 $0x108;
	_ =	swait.ge @!p0 [sflag:s8], $0x0  }
0x24: {  	s3 =	sadd.s32 $0x88, s3;
	s6 =	simm.s32 @!p1 $0x1082;
	[sflag:s4] =	ssyncset.s32 $0xFFFFF086  }
0x25: {  	[simem:s6], [sflag:s4] =	dma.local [hbm:s3], $0xF7A  }
0x26: {  	[smem:$0x3F96] =	sst s1;
	(tag) =	ssettag s2;
	_ =	strace s9  }
0x27: {  	s1 =	sld [smem:$0x3FA6]  }
0x28: {  	s2 =	sld [smem:$0x3FA7]  }
0x29: {  	s4 =	sld [smem:$0x3FA9]  }
0x2a: {  	p0 =	seq.s32 s5, $0x0;
	s5 =	sld [smem:$0x3FAA]  }
0x2b: {  	s6 =	sld [smem:$0x3FAB]  }
0x2c: {  	s7 =	sld [smem:$0x3FAC]  }
0x2d: {  	s3 =	simm.s32 $0x108;
	s8 =	sld [smem:$0x3FAD]  }
0x2e: {  	s3 =	simm.s32 @!p0 $0x1082;
	s9 =	sld [smem:$0x3FAE]  }
0x2f: {  	lr =	sadd.s32 s0, s3;
	s0 =	sld [smem:$0x3FA5]  }
0x30: {  	s3 =	sld [smem:$0x3FA8]  }
0x31: {  	[smem:$0x3FB1] =	sst s10  }
0x32: {  	s10 =	sld [smem:$0x3FAF];
	_ =	sdelay $0x3  }
0x33: {  	p0 =	seq.s32 s10, $0x1;
	s10 =	sld [smem:$0x3FB1];
	_ =	sdelay $0x3  }
0x34: {  	[smem:$0x3FB1] =	sst s10  }
0x35: {  	s10 =	sld [smem:$0x3FB0];
	_ =	sdelay $0x3  }
0x36: {  	p1 =	seq.s32 s10, $0x1;
	s10 =	sld [smem:$0x3FB1];
	_ =	sdelay $0x3  }
0x37: {  	[smem:$0x3FB1] =	sst s10  }
0x38: {  	s10 =	sld [smem:$0x3FB2]  }
0x39: {  	_ = 	snop;
	(pc) =	sbr.ind lr, $3  }
0x3a: {  	_ = 	snop  }
0x3b: {  	_ = 	snop  }
0x3c: {  	p2 =	seq.s32 s10, $0x1;
	s10 =	sld [smem:$0x3FB1]  }
0x3d: {  	_ =	shalt  }
0x3e: {  	_ =	shalt  }
0x3f: {  	_ =	shalt  }
0x40: {  	_ =	shalt  }
0x41: {  	_ =	shalt  }
0x42: {  	_ =	shalt  }
0x43: {  	_ =	shalt  }
0x44: {  	_ =	shalt  }
0x45: {  	_ =	shalt  }
0x46: {  	_ =	shalt  }
0x47: {  	_ =	shalt  }
0x48: {  	_ =	shalt  }
0x49: {  	_ =	shalt  }
0x4a: {  	_ =	shalt  }
0x4b: {  	_ =	shalt  }
0x4c: {  	_ =	shalt  }
0x4d: {  	_ =	shalt  }
0x4e: {  	_ =	shalt  }
0x4f: {  	_ =	shalt  }
0x50: {  	_ =	shalt  }
0x51: {  	_ =	shalt  }
0x52: {  	_ =	shalt  }
0x53: {  	_ =	shalt  }
0x54: {  	_ =	shalt  }
0x55: {  	_ =	shalt  }
0x56: {  	_ =	shalt  }
0x57: {  	_ =	shalt  }
0x58: {  	_ =	shalt  }
0x59: {  	_ =	shalt  }
0x5a: {  	_ =	shalt  }
0x5b: {  	_ =	shalt  }
0x5c: {  	_ =	shalt  }
0x5d: {  	_ =	shalt  }
0x5e: {  	_ =	shalt  }
0x5f: {  	_ =	shalt  }
0x60: {  	_ =	shalt  }
0x61: {  	_ =	shalt  }
0x62: {  	_ =	shalt  }
0x63: {  	_ =	shalt  }
0x64: {  	_ =	shalt  }
0x65: {  	_ =	shalt  }
0x66: {  	_ =	shalt  }
0x67: {  	_ =	shalt  }
0x68: {  	_ =	shalt  }
0x69: {  	_ =	shalt  }
0x6a: {  	_ =	shalt  }
0x6b: {  	_ =	shalt  }
0x6c: {  	_ =	shalt  }
0x6d: {  	_ =	shalt  }
0x6e: {  	_ =	shalt  }
0x6f: {  	_ =	shalt  }
0x70: {  	_ =	shalt  }
0x71: {  	_ =	shalt  }
0x72: {  	_ =	shalt  }
0x73: {  	_ =	shalt  }
0x74: {  	_ =	shalt  }
0x75: {  	_ =	shalt  }
0x76: {  	_ =	shalt  }
0x77: {  	_ =	shalt  }
0x78: {  	_ =	shalt  }
0x79: {  	_ =	shalt  }
0x7a: {  	_ =	shalt  }
0x7b: {  	_ =	shalt  }
0x7c: {  	_ =	shalt  }
0x7d: {  	_ =	shalt  }
0x7e: {  	_ =	shalt  }
0x7f: {  	_ =	shalt  }
0x80: {  	_ =	shalt  }
0x81: {  	_ =	shalt  }
0x82: {  	_ =	shalt  }
0x83: {  	_ =	shalt  }
0x84: {  	_ =	shalt  }
0x85: {  	_ =	shalt  }
0x86: {  	_ =	shalt  }
0x87: {  	_ =	shalt  }
.Lfunc_end0:
.L_simem_size_0:
called_computation.1_lowered:
.L_overlay_start_0:
0x88: {  	s2 =	sld [smem:$0x3FD9]  }
0x89: {  	s3 =	sld [smem:$0x3FFE];
	_ =	sdelay $0x1  }
0x8a: {  	s1 =	srdreg.scid  }
0x8b: {  	s0 =	sand.u32 $0x1, s1  }
0x8c: {  	s16 =	sshll.u32 s0, $0xA;
	s2 =	sadd.s32 s3, s2  }
0x8d: {  	s2 =	sadd.s32 s2, s16  }
0x8e: {  	[smem:$0x3FBD] =	sst s2  }
0x8f: {  	_ = 	snop  }
0x90: {  	(tm) =	ssettm $0x1  }
0x91: {  	s17 =	sld [smem:$0x3FFB];
	_ =	sdelay $0x3  }
0x92: {  	_ =	strace s17  }
0x93: {  	s2 =	sld [smem:$0x3FFC];
	_ =	sdelay $0x3  }
0x94: {  	_ =	strace s2  }
0x95: {  	s2 =	sld [smem:$0x3FFD];
	_ =	sdelay $0x3  }
0x96: {  	_ =	strace s2  }
0x97: {  	_ =	strace $0x8FFFFFFF  }
0x98: {  	s18 =	sld [smem:$0x3FDB];
	_ =	sdelay $0x1  }
0x99: {  	s19 =	simm.s32 $_scs_section_size  }
0x9a: {  	s4 =	simm.s32 $_size__tile_overlayer_lowered;
	s5 =	simm.s32 $_tile_overlayer_lowered  }
0x9b: {  	s22 =	simm.s32 $0x1BFF;
	s21 =	sshll.u32 s5, $0x1;
	s2 =	sadd.s32 s19, s18  }
0x9c: {  	s6 =	simm.s32 $0x0;
	s20 =	sshll.u32 s4, $0x1;
	s4 =	sadd.s32 s21, s2  }
0x9d: {  	[timem:s6], [sflag:s22] =	dma.local [hbm:s4], s20  }
0x9e: {  	_ =	swait.ge [sflag:s22], s20  }
0x9f: {  	s3 =	ssub.s32 $0x0, s20;
	[sflag:s22] =	ssyncset.done $0x0  }
0xa0: {  	[sflag:s22] =	ssyncadd.s32 s3;
	_ =	sdelay $0x1  }
0xa1: {  	s23 =	simm.s32 $0x1B8B  }
0xa2: {  	_ =	swait.ge [sflag:s23], $0x1  }
0xa3: {  	[sflag:s23] =	ssyncset.done $0x0  }
0xa4: {  	s25 =	simm.s32 $0x1B8E;
	s24 =	sld [smem:$0x3FFE];
	[sflag:s23] =	ssyncadd.s32 $0xFFFFFFFF  }
0xa5: {  	s26 =	simm.s32 $execute0_lowered;
	[smem:$0x3FD2] =	sst s25  }
0xa6: {  	s4 =	sshll.u32 s26, $0x1;
	_ =	strace $0x80000049;
	[dreg:$0x1] =	wrdreg $0xFFFFFFFF  }
0xa7: {  	s28 =	simm.s32 $_size_execute0_lowered;
	s2 =	sadd.s32 s2, s4;
	[dreg:$0x0] =	wrdreg $0x0  }
0xa8: {  	s4 =	sshll.u32 s28, $0x1;
	[dreg:$0x2] =	wrdreg s2  }
0xa9: {  	[dreg:$0x3] =	wrdreg s4  }
0xaa: {  	[dreg:$0x4] =	wrdreg $0xC0  }
0xab: {  	_ =	task [dreg:s6], $0x5FFFF  }
0xac: {  	[dreg:$0x1] =	wrdreg $0xFFFFFFFF  }
0xad: {  	[dreg:$0x0] =	wrdreg $0x60  }
0xae: {  	[dreg:$0x2] =	wrdreg s24  }
0xaf: {  	[dreg:$0x3] =	wrdreg $0x17ED00  }
0xb0: {  	[dreg:$0x4] =	wrdreg $0x9  }
0xb1: {  	_ =	task.clear_ibuf [dreg:s6], $0x5FFFF;
	_ =	strace $0x90000049  }
0xb2: {  	s29 =	simm.s32 $0x9;
	_ =	strace $0x8000004B  }
0xb3: {  	_ =	swait.ge [sflag:s29], $0x1  }
0xb4: {  	[sflag:s29] =	ssyncadd.s32 $0xFFFFFFFF  }
0xb5: {  	_ =	strace $0x9000004B  }
0xb6: {  	_ =	sfence  }
0xb7: {  	s30 =	sld [smem:$0x0];
	_ =	sdelay $0x2  }
0xb8: {  	s31 =	sshll.u32 s1, $0xD;
	s1 =	sshrl.u32 s1, $0x2  }
0xb9: {  	s3 =	sand.u32 $0x4000, s31;
	s1 =	sadd.s32 s1, s30  }
0xba: {  	s0 =	sor.u32 s3, s0;
	s1 =	sshll.u32 s1, $0x11  }
0xbb: {  	s0 =	sor.u32 s1, s0  }
0xbc: {  	s0 =	sadd.s32 $0x8F2B, s0  }
0xbd: {  	[sflag:s0] =	ssyncadd.remote.s32 $0x1  }
0xbe: {  	_ =	sfence.sel $0xFFFF  }
0xbf: {  	[dreg:$0x0] =	wrdreg $0xFFFFFFFF;
	(pc) =	sbr.abs _section_cstart, $3  }
0xc0: {  	[dreg:$0x1] =	wrdreg $0xFFFFFFFF  }
0xc1: {  	_ =	task.clear_ibuf [dreg:s6], $0x2FFFF;
	_ =	strace $0x9FFFFFFF  }
0xc2: {  	(tm) =	ssettm $0x7FFFFFFF  }
0xc3: {  	_ =	shalt  }
tec
execute0_lowered:
.L_overlay_start_1:
0x0: {  	(tag) =	ssettag $0x1  }
0x1: {  	s25 =	rddreg [dreg:$0x0]  }
0x2: {  	s2 =	rddreg [dreg:$0x1]  }
0x3: {  	s0 =	rddreg [dreg:$0x2];
	s1 =	stileid.u32  }
0x4: {  	s3 =	simm.s32 $0x0;
	s4 =	srdreg.scid;
	s5 =	smul.u32 $0x1E000, s1  }
0x5: {  	[smem:$0x7FF] =	sst s3;
	s26 =	sand.u32 $0x1, s4;
	s4 =	sadd.s32 $0x35400, s25  }
0x6: {  	s31 =	sshll.u32 s1, $0x6;
	s6 =	sshll.u32 s26, $0x4;
	s5 =	sshrl.u32 s5, $0x2  }
0x7: {  	_ =	strace $0x8000004A;
	s9 =	sor.u32 s1, s6;
	s30 =	sadd.s32 s5, s2  }
0x8: {  	s6 =	simm.s32 $0x3;
	s5 =	sor.u32 $0x1C03, s31;
	s7 =	sshrl.u32 s30, $0x3  }
0x9: {  	[spmem:s7], [sflag:s5] =	dma.local [hbm:s4], $0xF00  }
0xa: {  	s28 =	smul.u32 $0x1388, s9;
	_ =	swait.ge [sflag:s6], $0xF00  }
0xb: {  	s10 =	simm.s32 $0x30;
	[sflag:s6] =	ssyncset.done $0x0  }
0xc: {  	s23 =	sadd.s32 $0x9200, s25;
	s8 =	sshrl.u32 s28, $0x3;
	[sflag:s6] =	ssyncadd.s32 $0xFFFFF100  }
0xd: {  	s11 =	simm.s32 $0x80;
	s8 =	sadd.s32 s23, s8;
	[bflag:$0x0] =	sbarrier.arrive $0xFFFF  }
0xe: {  	[tilespmem:s3], [sflag:$0x3] =	stream.linear.gather [hbm4b:s8+s3], $0x3E8, $0x38;
	[tilespmem:$0x1F6D0] =	vst v63  }
0xf: {  	s12 =	simm.s32 $0x7D0;
	s9 =	smul.u32 $0x13880, s9;
	_ =	swait.ge [sflag:s6], $0x3E8  }
0x10: {  	s24 =	sadd.s32 $0x2A7200, s25;
	s15 =	sadd.s32 $0x3E8, s28;
	[sflag:s6] =	ssyncset.done $0x0  }
0x11: {  	s9 =	sadd.s32 s24, s9;
	s13 =	sshrl.u32 s15, $0x3;
	[sflag:s6] =	ssyncadd.s32 $0xFFFFFC18  }
0x12: {  	[tilespmem:s12], [sflag:$0x1] =	stream.strided.gather [hbm4b:s9+s10], $0xBB80, s11, s10, $0x38;
	[tilespmem:$0x1F6D0] =	vst v63  }
0x13: {  	s14 =	simm.s32 $0x3E8;
	s13 =	sadd.s32 s23, s13  }
0x14: {  	[tilespmem:s14], [sflag:$0x3] =	stream.linear.gather [hbm4b:s13+s3], $0x3E8, $0x38;
	[tilespmem:$0x1F6D0] =	vst v63  }
0x15: {  	_ =	swait.ge [sflag:s6], $0x3E8  }
0x16: {  	s16 =	simm.s32 $0xC350;
	s15 =	sshll.u32 s15, $0x4;
	[sflag:s6] =	ssyncset.done $0x0  }
0x17: {  	s17 =	simm.s32 $0x1;
	s15 =	sadd.s32 s24, s15;
	[sflag:s6] =	ssyncadd.s32 $0xFFFFFC18  }
0x18: {  	[tilespmem:s16], [sflag:$0x2] =	stream.strided.gather [hbm4b:s15+s10], $0xBB80, s11, s10, $0x38;
	[tilespmem:$0x1F6D0] =	vst v63  }
0x19: {  	_ =	swait.ge [sflag:s17], $0xBB80  }
0x1a: {  	[sflag:s17] =	ssyncset.done $0x0  }
0x1b: {  	[sflag:s17] =	ssyncadd.s32 $0xFFFF4480  }
0x1c: {  	[spmem:s2] =	stream.indirect.scatter.add.f32 [tilespmem:s12], [sflag:$0x3], $0x30, s3, s14, $0xb8;
	[tilespmem:$0x1F6D0] =	vst v63  }
0x1d: {  	s19 =	sadd.s32 $0x7D0, s28;
	_ =	swait.ge [sflag:s6], $0xBB80  }
0x1e: {  	s18 =	sshrl.u32 s19, $0x3;
	[sflag:s6] =	ssyncset.done $0x0  }
0x1f: {  	s18 =	sadd.s32 s23, s18;
	[sflag:s6] =	ssyncadd.s32 $0xFFFF4480  }
0x20: {  	[tilespmem:s3], [sflag:$0x3] =	stream.linear.gather [hbm4b:s18+s3], $0x3E8, $0x38;
	[tilespmem:$0x1F6D0] =	vst v63  }
0x21: {  	_ =	swait.ge [sflag:s6], $0x3E8  }
0x22: {  	s19 =	sshll.u32 s19, $0x4;
	[sflag:s6] =	ssyncset.done $0x0  }
0x23: {  	s20 =	simm.s32 $0x2;
	s19 =	sadd.s32 s24, s19;
	[sflag:s6] =	ssyncadd.s32 $0xFFFFFC18  }
0x24: {  	[tilespmem:s12], [sflag:$0x1] =	stream.strided.gather [hbm4b:s19+s10], $0xBB80, s11, s10, $0x38;
	[tilespmem:$0x1F6D0] =	vst v63  }
0x25: {  	_ =	swait.ge [sflag:s20], $0xBB80  }
0x26: {  	[sflag:s20] =	ssyncset.done $0x0  }
0x27: {  	[sflag:s20] =	ssyncadd.s32 $0xFFFF4480  }
0x28: {  	[spmem:s2] =	stream.indirect.scatter.add.f32 [tilespmem:s16], [sflag:$0x3], $0x30, s14, s14, $0xb8;
	[tilespmem:$0x1F6D0] =	vst v63  }
0x29: {  	s22 =	sadd.s32 $0xBB8, s28;
	_ =	swait.ge [sflag:s6], $0xBB80  }
0x2a: {  	s21 =	sshrl.u32 s22, $0x3;
	[sflag:s6] =	ssyncset.done $0x0  }
0x2b: {  	s21 =	sadd.s32 s23, s21;
	[sflag:s6] =	ssyncadd.s32 $0xFFFF4480  }
0x2c: {  	[tilespmem:s14], [sflag:$0x3] =	stream.linear.gather [hbm4b:s21+s3], $0x3E8, $0x38;
	[tilespmem:$0x1F6D0] =	vst v63  }
0x2d: {  	_ =	swait.ge [sflag:s6], $0x3E8  }
0x2e: {  	s22 =	sshll.u32 s22, $0x4;
	[sflag:s6] =	ssyncset.done $0x0  }
0x2f: {  	s22 =	sadd.s32 s24, s22;
	[sflag:s6] =	ssyncadd.s32 $0xFFFFFC18  }
0x30: {  	[tilespmem:s16], [sflag:$0x2] =	stream.strided.gather [hbm4b:s22+s10], $0xBB80, s11, s10, $0x38;
	[tilespmem:$0x1F6D0] =	vst v63  }
0x31: {  	_ =	swait.ge [sflag:s17], $0xBB80  }
0x32: {  	[sflag:s17] =	ssyncset.done $0x0  }
0x33: {  	[sflag:s17] =	ssyncadd.s32 $0xFFFF4480  }
0x34: {  	[spmem:s2] =	stream.indirect.scatter.add.f32 [tilespmem:s12], [sflag:$0x3], $0x30, s3, s14, $0xb8;
	[tilespmem:$0x1F6D0] =	vst v63  }
0x35: {  	s28 =	sadd.s32 $0xFA0, s28;
	_ =	swait.ge [sflag:s6], $0xBB80  }
0x36: {  	s29 =	sshrl.u32 s28, $0x3;
	[sflag:s6] =	ssyncset.done $0x0  }
0x37: {  	s23 =	sadd.s32 s23, s29;
	[sflag:s6] =	ssyncadd.s32 $0xFFFF4480  }
0x38: {  	[tilespmem:s3], [sflag:$0x3] =	stream.linear.gather [hbm4b:s23+s3], $0x3E8, $0x38;
	[tilespmem:$0x1F6D0] =	vst v63  }
0x39: {  	_ =	swait.ge [sflag:s6], $0x3E8  }
0x3a: {  	s28 =	sshll.u32 s28, $0x4;
	[sflag:s6] =	ssyncset.done $0x0  }
0x3b: {  	s24 =	sadd.s32 s24, s28;
	[sflag:s6] =	ssyncadd.s32 $0xFFFFFC18  }
0x3c: {  	[tilespmem:s12], [sflag:$0x1] =	stream.strided.gather [hbm4b:s24+s10], $0xBB80, s11, s10, $0x38;
	[tilespmem:$0x1F6D0] =	vst v63  }
0x3d: {  	_ =	swait.ge [sflag:s20], $0xBB80  }
0x3e: {  	[sflag:s20] =	ssyncset.done $0x0  }
0x3f: {  	[sflag:s20] =	ssyncadd.s32 $0xFFFF4480  }
0x40: {  	[spmem:s2] =	stream.indirect.scatter.add.f32 [tilespmem:s16], [sflag:$0x3], $0x30, s14, s14, $0xb8;
	[tilespmem:$0x1F6D0] =	vst v63  }
0x41: {  	_ =	swait.ge [sflag:s6], $0xBB80  }
0x42: {  	s28 =	smul.u32 $0x28000, s26;
	[sflag:s6] =	ssyncset.done $0x0  }
0x43: {  	s29 =	smul.u32 $0x2800, s1;
	[sflag:s6] =	ssyncadd.s32 $0xFFFF4480  }
0x44: {  	s26 =	ssub.s32 $0x2, s26;
	_ =	swait.ge [sflag:s17], $0xBB80  }
0x45: {  	s28 =	sadd.s32 s29, s28;
	s29 =	sshrl.u32 s26, $0x1;
	[sflag:s17] =	ssyncset.done $0x0  }
0x46: {  	s26 =	ssub.s32 s26, s29;
	[sflag:s17] =	ssyncadd.s32 $0xFFFF4480  }
0x47: {  	[spmem:s2] =	stream.indirect.scatter.add.f32 [tilespmem:s12], [sflag:$0x3], $0x30, s3, s14, $0xb8;
	[tilespmem:$0x1F6D0] =	vst v63  }
0x48: {  	s29 =	smax.u32 s26, $0x1;
	_ =	swait.ge [sflag:s6], $0xBB80  }
0x49: {  	s25 =	sadd.s32 s28, s25;
	p0 =	sne.s32 s29, $0x1;
	[sflag:s6] =	ssyncset.done $0x0  }
.Ltmp0:
0x4a: {  	s28 =	simm.s32 $0x6;
	[sflag:s6] =	ssyncadd.s32 $0xFFFF4480;
	(pc) =	sbr.rel @!p0 .LBB2_2-.Ltmp0, $4  }
0x4b: {  	s25 =	sadd.s32 $0x36400, s25;
	s26 =	simm.s32 $0x10;
	[bflag:$0x0] =	sbarrier.arrive $0xFFFF  }
0x4c: {  	[hbm:s25@s26], [sflag:s5] =	dma.strided [spmem:s7@s28], $0xF00, s17, $0x6   }
0x4d: {  	_ =	swait.ge [sflag:s6], $0xF00  }
0x4e: {  	s29 =	sadd.s32 $0xFFFFFFFF, s29;
	[sflag:s6] =	ssyncset.done $0x0  }
.LBB2_1:
0x4f: {  	p0 =	sne.s32 s29, $0x1;
	s29 =	sadd.s32 $0xFFFFFFFF, s29;
	[sflag:s6] =	ssyncadd.s32 $0xFFFFF100  }
0x50: {  	[spmem:s7], [sflag:s5] =	dma.local [hbm:s4], $0xF00  }
0x51: {  	_ =	swait.ge [sflag:s6], $0xF00  }
0x52: {  	[sflag:s6] =	ssyncset.done $0x0  }
0x53: {  	[sflag:s6] =	ssyncadd.s32 $0xFFFFF100  }
0x54: {  	[bflag:$0x0] =	sbarrier.arrive $0xFFFF  }
0x55: {  	[tilespmem:s3], [sflag:$0x3] =	stream.linear.gather [hbm4b:s8+s3], $0x3E8, $0x38;
	[tilespmem:$0x1F6D0] =	vst v63  }
0x56: {  	_ =	swait.ge [sflag:s6], $0x3E8  }
0x57: {  	[sflag:s6] =	ssyncset.done $0x0  }
0x58: {  	[sflag:s6] =	ssyncadd.s32 $0xFFFFFC18  }
0x59: {  	[tilespmem:s12], [sflag:$0x1] =	stream.strided.gather [hbm4b:s9+s10], $0xBB80, s11, s10, $0x38;
	[tilespmem:$0x1F6D0] =	vst v63  }
0x5a: {  	_ = 	snop  }
0x5b: {  	[tilespmem:s14], [sflag:$0x3] =	stream.linear.gather [hbm4b:s13+s3], $0x3E8, $0x38;
	[tilespmem:$0x1F6D0] =	vst v63  }
0x5c: {  	_ =	swait.ge [sflag:s6], $0x3E8  }
0x5d: {  	[sflag:s6] =	ssyncset.done $0x0  }
0x5e: {  	[sflag:s6] =	ssyncadd.s32 $0xFFFFFC18  }
0x5f: {  	[tilespmem:s16], [sflag:$0x2] =	stream.strided.gather [hbm4b:s15+s10], $0xBB80, s11, s10, $0x38;
	[tilespmem:$0x1F6D0] =	vst v63  }
0x60: {  	_ =	swait.ge [sflag:s17], $0xBB80  }
0x61: {  	[sflag:s17] =	ssyncset.done $0x0  }
0x62: {  	[sflag:s17] =	ssyncadd.s32 $0xFFFF4480  }
0x63: {  	[spmem:s2] =	stream.indirect.scatter.add.f32 [tilespmem:s12], [sflag:$0x3], $0x30, s3, s14, $0xb8;
	[tilespmem:$0x1F6D0] =	vst v63  }
0x64: {  	_ =	swait.ge [sflag:s6], $0xBB80  }
0x65: {  	[sflag:s6] =	ssyncset.done $0x0  }
0x66: {  	[sflag:s6] =	ssyncadd.s32 $0xFFFF4480  }
0x67: {  	[tilespmem:s3], [sflag:$0x3] =	stream.linear.gather [hbm4b:s18+s3], $0x3E8, $0x38;
	[tilespmem:$0x1F6D0] =	vst v63  }
0x68: {  	_ =	swait.ge [sflag:s6], $0x3E8  }
0x69: {  	[sflag:s6] =	ssyncset.done $0x0  }
0x6a: {  	[sflag:s6] =	ssyncadd.s32 $0xFFFFFC18  }
0x6b: {  	[tilespmem:s12], [sflag:$0x1] =	stream.strided.gather [hbm4b:s19+s10], $0xBB80, s11, s10, $0x38;
	[tilespmem:$0x1F6D0] =	vst v63  }
0x6c: {  	_ =	swait.ge [sflag:s20], $0xBB80  }
0x6d: {  	[sflag:s20] =	ssyncset.done $0x0  }
0x6e: {  	[sflag:s20] =	ssyncadd.s32 $0xFFFF4480  }
0x6f: {  	[spmem:s2] =	stream.indirect.scatter.add.f32 [tilespmem:s16], [sflag:$0x3], $0x30, s14, s14, $0xb8;
	[tilespmem:$0x1F6D0] =	vst v63  }
0x70: {  	_ =	swait.ge [sflag:s6], $0xBB80  }
0x71: {  	[sflag:s6] =	ssyncset.done $0x0  }
0x72: {  	[sflag:s6] =	ssyncadd.s32 $0xFFFF4480  }
0x73: {  	[tilespmem:s14], [sflag:$0x3] =	stream.linear.gather [hbm4b:s21+s3], $0x3E8, $0x38;
	[tilespmem:$0x1F6D0] =	vst v63  }
0x74: {  	_ =	swait.ge [sflag:s6], $0x3E8  }
0x75: {  	[sflag:s6] =	ssyncset.done $0x0  }
0x76: {  	[sflag:s6] =	ssyncadd.s32 $0xFFFFFC18  }
0x77: {  	[tilespmem:s16], [sflag:$0x2] =	stream.strided.gather [hbm4b:s22+s10], $0xBB80, s11, s10, $0x38;
	[tilespmem:$0x1F6D0] =	vst v63  }
0x78: {  	_ =	swait.ge [sflag:s17], $0xBB80  }
0x79: {  	[sflag:s17] =	ssyncset.done $0x0  }
0x7a: {  	[sflag:s17] =	ssyncadd.s32 $0xFFFF4480  }
0x7b: {  	[spmem:s2] =	stream.indirect.scatter.add.f32 [tilespmem:s12], [sflag:$0x3], $0x30, s3, s14, $0xb8;
	[tilespmem:$0x1F6D0] =	vst v63  }
0x7c: {  	_ =	swait.ge [sflag:s6], $0xBB80  }
0x7d: {  	[sflag:s6] =	ssyncset.done $0x0  }
0x7e: {  	[sflag:s6] =	ssyncadd.s32 $0xFFFF4480  }
0x7f: {  	[tilespmem:s3], [sflag:$0x3] =	stream.linear.gather [hbm4b:s23+s3], $0x3E8, $0x38;
	[tilespmem:$0x1F6D0] =	vst v63  }
0x80: {  	_ =	swait.ge [sflag:s6], $0x3E8  }
0x81: {  	[sflag:s6] =	ssyncset.done $0x0  }
0x82: {  	[sflag:s6] =	ssyncadd.s32 $0xFFFFFC18  }
0x83: {  	[tilespmem:s12], [sflag:$0x1] =	stream.strided.gather [hbm4b:s24+s10], $0xBB80, s11, s10, $0x38;
	[tilespmem:$0x1F6D0] =	vst v63  }
0x84: {  	_ =	swait.ge [sflag:s20], $0xBB80  }
0x85: {  	[sflag:s20] =	ssyncset.done $0x0  }
0x86: {  	[sflag:s20] =	ssyncadd.s32 $0xFFFF4480  }
0x87: {  	[spmem:s2] =	stream.indirect.scatter.add.f32 [tilespmem:s16], [sflag:$0x3], $0x30, s14, s14, $0xb8;
	[tilespmem:$0x1F6D0] =	vst v63  }
0x88: {  	_ =	swait.ge [sflag:s6], $0xBB80  }
0x89: {  	[sflag:s6] =	ssyncset.done $0x0  }
0x8a: {  	[sflag:s6] =	ssyncadd.s32 $0xFFFF4480  }
0x8b: {  	_ =	swait.ge [sflag:s17], $0xBB80  }
0x8c: {  	[sflag:s17] =	ssyncset.done $0x0  }
0x8d: {  	[sflag:s17] =	ssyncadd.s32 $0xFFFF4480  }
0x8e: {  	[spmem:s2] =	stream.indirect.scatter.add.f32 [tilespmem:s12], [sflag:$0x3], $0x30, s3, s14, $0xb8;
	[tilespmem:$0x1F6D0] =	vst v63  }
0x8f: {  	_ =	swait.ge [sflag:s6], $0xBB80  }
0x90: {  	[sflag:s6] =	ssyncset.done $0x0  }
.Ltmp1:
0x91: {  	[sflag:s6] =	ssyncadd.s32 $0xFFFF4480;
	(pc) =	sbr.rel @p0 .LBB2_1-.Ltmp1, $4  }
0x92: {  	[bflag:$0x0] =	sbarrier.arrive $0xFFFF  }
0x93: {  	[hbm:s25@s26], [sflag:s5] =	dma.strided [spmem:s7@s28], $0xF00, s17, $0x6   }
0x94: {  	_ =	swait.ge [sflag:s6], $0xF00  }
0x95: {  	[sflag:s6] =	ssyncset.done $0x0  }
.LBB2_2:
0x96: {  	[sflag:s6] =	ssyncadd.s32 $0xFFFFF100  }
0x97: {  	_ =	sfence.sel $0x180000  }
0x98: {  	[bflag:$0x0] =	sbarrier.arrive $0xFFFF  }
0x99: {  	p0 =	sne.s32 s1, $0x0;
	_ =	strace $0x9000004A  }
0x9a: {  	s0 =	sadd.s32 @!p0 $0x100000, s0;
	[bflag:$0x2] =	sbarrier.arrive $0xFFFF  }
0x9b: {  	[sflag:s0] =	ssyncadd.tile.s32 @!p0 $0x1;
	_ =	shalt  }
.Lfunc_end2:
_tile_overlayer_lowered:
.L_overlay_start_2:
0x9c: {  	(tag) =	ssettag $0x2  }
0x9d: {  	s0 =	rddreg [dreg:$0x0];
	s2 =	stileid.u32  }
0x9e: {  	s1 =	rddreg [dreg:$0x1];
	p0 =	sne.s32 s2, $0x0  }
0x9f: {  	s3 =	rddreg [dreg:$0x2];
	[bflag:$0x3] =	sbarrier.arrive $0xFFFF;
	s2 =	simm.s32 @!p0 $0x1C03  }
0xa0: {  	[timem:s3], [sflag:s2] =	dma.local @!p0 [hbm:s0], s1  }
0xa1: {  	s0 =	simm.s32 @!p0 $0x3  }
0xa2: {  	_ =	swait.ge @!p0 [sflag:s0], s1  }
0xa3: {  	s1 =	ssub.s32 @!p0 $0x0, s1;
	[sflag:s0] =	ssyncset.done @!p0 $0x0  }
0xa4: {  	[sflag:s0] =	ssyncadd.s32 @!p0 s1  }
0xa5: {  	[bflag:$0x3] =	sbarrier.arrive $0xFFFF  }
0xa6: {  	_ =	shalt  }

// kernel: kernel.16.cloned.1.call-start
scs
__scs_entry_jumppad:
0x0: {  	(pc) =	sbr.rel $0x88, $3  }
0x1: {  	(tag) =	ssettag $0x0;
	lr =	simm.s32 $0x1  }
0x2: {  	[smem:$0x3F96] =	sst lr;
	_ =	strace $0xD0000000  }
0x3: {  	_ = 	snop  }
0x4: {  	_ = 	snop  }
0x5: {  	_ = 	snop  }
0x6: {  	_ = 	snop  }
0x7: {  	_ = 	snop  }
__scs_overlays_trampoline_lowered:
0x8: {  	[smem:$0x3FA5] =	sst s0  }
0x9: {  	[smem:$0x3FA6] =	sst s1  }
0xa: {  	[smem:$0x3FA7] =	sst s2  }
0xb: {  	[smem:$0x3FA8] =	sst s3  }
0xc: {  	[smem:$0x3FA9] =	sst s4  }
0xd: {  	[smem:$0x3FAA] =	sst s5  }
0xe: {  	[smem:$0x3FAB] =	sst s6  }
0xf: {  	[smem:$0x3FAC] =	sst s7  }
0x10: {  	[smem:$0x3FAD] =	sst s8  }
0x11: {  	[smem:$0x3FAE] =	sst s9;
	s0 =	simm.s32 @!p0 $0x0  }
0x12: {  	s1 =	sld [smem:$0x3F94];
	s0 =	simm.s32 @p0 $0x1  }
0x13: {  	[smem:$0x3FAF] =	sst s0;
	s0 =	simm.s32 @!p1 $0x0  }
0x14: {  	s2 =	sld [smem:$0x3F93];
	s0 =	simm.s32 @p1 $0x1  }
0x15: {  	[smem:$0x3FB0] =	sst s0;
	s0 =	simm.s32 @!p2 $0x0  }
0x16: {  	s3 =	sld [smem:$0x3FDB];
	s0 =	simm.s32 @p2 $0x1  }
0x17: {  	s4 =	simm.s32 $0x1BF5;
	[smem:$0x3FB2] =	sst s0  }
0x18: {  	s0 =	sld [smem:$0x3F95];
	_ =	swait.ge [sflag:s4], $0x0  }
0x19: {  	s7 =	sld [smem:$0x3F96]  }
0x1a: {  	s8 =	sadd.s32 $0xFFFFE003, lr  }
0x1b: {  	s9 =	sadd.s32 $0xFFFFFEF7, lr;
	s5 =	simm.s32 $0xFFFFFFFF;
	p2 =	slt.u32 s8, $0xFFFFF086  }
0x1c: {  	p1 =	slt.u32 s9, $0xF7A;
	s5 =	simm.s32 @!p2 $0x0  }
0x1d: {  	s5 =	simm.s32 @p1 $0x1;
	p0 =	seq.s32 s7, s2  }
0x1e: {  	s7 =	smul.u32 @!p0 $0xF7A, s2;
	p2 =	seq.s32 @!p0 s5, $0x0  }
0x1f: {  	s9 =	smul.u32 $0xF7A, s1;
	s8 =	simm.s32 @!p0 $0x1BF5;
	p2 =	por !p2, p0  }
0x20: {  	[sflag:s8] =	ssyncset.s32 @!p0 $0xFFFFF086;
	s6 =	sadd.s32 @!p0 s3, s7;
	s7 =	simm.s32 @!p0 $0x108  }
0x21: {  	s3 =	sadd.s32 s3, s9;
	s6 =	sadd.s32 @!p0 $0x88, s6;
	s7 =	simm.s32 @p2 $0x1082  }
0x22: {  	[simem:s7], [sflag:s8] =	dma.local @!p0 [hbm:s6], $0xF7A  }
0x23: {  	s9 =	sor.u32 $0xD0000000, s2;
	s6 =	simm.s32 $0x108;
	_ =	swait.ge @!p0 [sflag:s8], $0x0  }
0x24: {  	s3 =	sadd.s32 $0x88, s3;
	s6 =	simm.s32 @!p1 $0x1082;
	[sflag:s4] =	ssyncset.s32 $0xFFFFF086  }
0x25: {  	[simem:s6], [sflag:s4] =	dma.local [hbm:s3], $0xF7A  }
0x26: {  	[smem:$0x3F96] =	sst s1;
	(tag) =	ssettag s2;
	_ =	strace s9  }
0x27: {  	s1 =	sld [smem:$0x3FA6]  }
0x28: {  	s2 =	sld [smem:$0x3FA7]  }
0x29: {  	s4 =	sld [smem:$0x3FA9]  }
0x2a: {  	p0 =	seq.s32 s5, $0x0;
	s5 =	sld [smem:$0x3FAA]  }
0x2b: {  	s6 =	sld [smem:$0x3FAB]  }
0x2c: {  	s7 =	sld [smem:$0x3FAC]  }
0x2d: {  	s3 =	simm.s32 $0x108;
	s8 =	sld [smem:$0x3FAD]  }
0x2e: {  	s3 =	simm.s32 @!p0 $0x1082;
	s9 =	sld [smem:$0x3FAE]  }
0x2f: {  	lr =	sadd.s32 s0, s3;
	s0 =	sld [smem:$0x3FA5]  }
0x30: {  	s3 =	sld [smem:$0x3FA8]  }
0x31: {  	[smem:$0x3FB1] =	sst s10  }
0x32: {  	s10 =	sld [smem:$0x3FAF];
	_ =	sdelay $0x3  }
0x33: {  	p0 =	seq.s32 s10, $0x1;
	s10 =	sld [smem:$0x3FB1];
	_ =	sdelay $0x3  }
0x34: {  	[smem:$0x3FB1] =	sst s10  }
0x35: {  	s10 =	sld [smem:$0x3FB0];
	_ =	sdelay $0x3  }
0x36: {  	p1 =	seq.s32 s10, $0x1;
	s10 =	sld [smem:$0x3FB1];
	_ =	sdelay $0x3  }
0x37: {  	[smem:$0x3FB1] =	sst s10  }
0x38: {  	s10 =	sld [smem:$0x3FB2]  }
0x39: {  	_ = 	snop;
	(pc) =	sbr.ind lr, $3  }
0x3a: {  	_ = 	snop  }
0x3b: {  	_ = 	snop  }
0x3c: {  	p2 =	seq.s32 s10, $0x1;
	s10 =	sld [smem:$0x3FB1]  }
0x3d: {  	_ =	shalt  }
0x3e: {  	_ =	shalt  }
0x3f: {  	_ =	shalt  }
0x40: {  	_ =	shalt  }
0x41: {  	_ =	shalt  }
0x42: {  	_ =	shalt  }
0x43: {  	_ =	shalt  }
0x44: {  	_ =	shalt  }
0x45: {  	_ =	shalt  }
0x46: {  	_ =	shalt  }
0x47: {  	_ =	shalt  }
0x48: {  	_ =	shalt  }
0x49: {  	_ =	shalt  }
0x4a: {  	_ =	shalt  }
0x4b: {  	_ =	shalt  }
0x4c: {  	_ =	shalt  }
0x4d: {  	_ =	shalt  }
0x4e: {  	_ =	shalt  }
0x4f: {  	_ =	shalt  }
0x50: {  	_ =	shalt  }
0x51: {  	_ =	shalt  }
0x52: {  	_ =	shalt  }
0x53: {  	_ =	shalt  }
0x54: {  	_ =	shalt  }
0x55: {  	_ =	shalt  }
0x56: {  	_ =	shalt  }
0x57: {  	_ =	shalt  }
0x58: {  	_ =	shalt  }
0x59: {  	_ =	shalt  }
0x5a: {  	_ =	shalt  }
0x5b: {  	_ =	shalt  }
0x5c: {  	_ =	shalt  }
0x5d: {  	_ =	shalt  }
0x5e: {  	_ =	shalt  }
0x5f: {  	_ =	shalt  }
0x60: {  	_ =	shalt  }
0x61: {  	_ =	shalt  }
0x62: {  	_ =	shalt  }
0x63: {  	_ =	shalt  }
0x64: {  	_ =	shalt  }
0x65: {  	_ =	shalt  }
0x66: {  	_ =	shalt  }
0x67: {  	_ =	shalt  }
0x68: {  	_ =	shalt  }
0x69: {  	_ =	shalt  }
0x6a: {  	_ =	shalt  }
0x6b: {  	_ =	shalt  }
0x6c: {  	_ =	shalt  }
0x6d: {  	_ =	shalt  }
0x6e: {  	_ =	shalt  }
0x6f: {  	_ =	shalt  }
0x70: {  	_ =	shalt  }
0x71: {  	_ =	shalt  }
0x72: {  	_ =	shalt  }
0x73: {  	_ =	shalt  }
0x74: {  	_ =	shalt  }
0x75: {  	_ =	shalt  }
0x76: {  	_ =	shalt  }
0x77: {  	_ =	shalt  }
0x78: {  	_ =	shalt  }
0x79: {  	_ =	shalt  }
0x7a: {  	_ =	shalt  }
0x7b: {  	_ =	shalt  }
0x7c: {  	_ =	shalt  }
0x7d: {  	_ =	shalt  }
0x7e: {  	_ =	shalt  }
0x7f: {  	_ =	shalt  }
0x80: {  	_ =	shalt  }
0x81: {  	_ =	shalt  }
0x82: {  	_ =	shalt  }
0x83: {  	_ =	shalt  }
0x84: {  	_ =	shalt  }
0x85: {  	_ =	shalt  }
0x86: {  	_ =	shalt  }
0x87: {  	_ =	shalt  }
.Lfunc_end0:
.L_simem_size_0:
called_computation.2_lowered:
.L_overlay_start_0:
0x88: {  	s2 =	sld [smem:$0x3FD9]  }
0x89: {  	s3 =	sld [smem:$0x3FFE];
	_ =	sdelay $0x1  }
0x8a: {  	s1 =	srdreg.scid  }
0x8b: {  	s0 =	sand.u32 $0x1, s1  }
0x8c: {  	s17 =	sshll.u32 s0, $0xA;
	s2 =	sadd.s32 s3, s2  }
0x8d: {  	s2 =	sadd.s32 s2, s17  }
0x8e: {  	[smem:$0x3FBD] =	sst s2  }
0x8f: {  	_ = 	snop  }
0x90: {  	s2 =	sld [smem:$0x3FD0];
	(tm) =	ssettm $0x1  }
0x91: {  	s18 =	sld [smem:$0x3FFB];
	_ =	sdelay $0x3  }
0x92: {  	_ =	strace s18  }
0x93: {  	s3 =	sld [smem:$0x3FFC];
	_ =	sdelay $0x3  }
0x94: {  	_ =	strace s3  }
0x95: {  	s3 =	sld [smem:$0x3FFD];
	_ =	sdelay $0x3  }
0x96: {  	_ =	strace s3  }
0x97: {  	_ =	strace $0x8FFFFFFF  }
0x98: {  	s19 =	sld [smem:$0x3FDB];
	_ =	sdelay $0x1  }
0x99: {  	s4 =	simm.s32 $_scs_section_size  }
0x9a: {  	s5 =	simm.s32 $_size__tile_overlayer_lowered;
	s6 =	simm.s32 $_tile_overlayer_lowered  }
0x9b: {  	s22 =	simm.s32 $0x1BFF;
	s21 =	sshll.u32 s6, $0x1;
	s3 =	sadd.s32 s4, s19  }
0x9c: {  	s7 =	simm.s32 $0x0;
	s20 =	sshll.u32 s5, $0x1;
	s5 =	sadd.s32 s21, s3  }
0x9d: {  	[timem:s7], [sflag:s22] =	dma.local [hbm:s5], s20  }
0x9e: {  	_ =	swait.ge [sflag:s22], s20  }
0x9f: {  	s4 =	ssub.s32 $0x0, s20;
	[sflag:s22] =	ssyncset.done $0x0  }
0xa0: {  	[sflag:s22] =	ssyncadd.s32 s4;
	_ =	sdelay $0x1  }
0xa1: {  	s23 =	simm.s32 $0x1B8B  }
0xa2: {  	_ =	swait.ge [sflag:s23], $0x1  }
0xa3: {  	[sflag:s23] =	ssyncset.done $0x0  }
0xa4: {  	s25 =	simm.s32 $0x1B8E;
	s24 =	sld [smem:$0x3FFE];
	[sflag:s23] =	ssyncadd.s32 $0xFFFFFFFF  }
0xa5: {  	s26 =	simm.s32 $execute0_lowered;
	[smem:$0x3FD2] =	sst s25  }
0xa6: {  	s5 =	sshll.u32 s26, $0x1;
	_ =	strace $0x8000004C;
	[dreg:$0x1] =	wrdreg $0xFFFFFFFF  }
0xa7: {  	s28 =	simm.s32 $_size_execute0_lowered;
	s3 =	sadd.s32 s3, s5;
	[dreg:$0x0] =	wrdreg $0x0  }
0xa8: {  	s5 =	sshll.u32 s28, $0x1;
	[dreg:$0x2] =	wrdreg s3  }
0xa9: {  	[dreg:$0x3] =	wrdreg s5  }
0xaa: {  	[dreg:$0x4] =	wrdreg $0xC0  }
0xab: {  	_ =	task [dreg:s7], $0x5FFFF  }
0xac: {  	[dreg:$0x1] =	wrdreg $0xFFFFFFFF  }
0xad: {  	[dreg:$0x0] =	wrdreg $0x60  }
0xae: {  	[dreg:$0x2] =	wrdreg s2  }
0xaf: {  	[dreg:$0x3] =	wrdreg s24  }
0xb0: {  	[dreg:$0x4] =	wrdreg $0x9  }
0xb1: {  	_ =	task.clear_ibuf [dreg:s7], $0x5FFFF;
	_ =	strace $0x9000004C  }
0xb2: {  	s29 =	simm.s32 $0x9;
	_ =	strace $0x8000004E  }
0xb3: {  	_ =	swait.ge [sflag:s29], $0x1  }
0xb4: {  	[sflag:s29] =	ssyncadd.s32 $0xFFFFFFFF  }
0xb5: {  	_ =	strace $0x9000004E  }
0xb6: {  	_ =	sfence  }
0xb7: {  	s30 =	sld [smem:$0x0];
	_ =	sdelay $0x2  }
0xb8: {  	s31 =	sshll.u32 s1, $0xD;
	s1 =	sshrl.u32 s1, $0x2  }
0xb9: {  	s3 =	sand.u32 $0x4000, s31;
	s1 =	sadd.s32 s1, s30  }
0xba: {  	s0 =	sor.u32 s3, s0;
	s1 =	sshll.u32 s1, $0x11  }
0xbb: {  	s0 =	sor.u32 s1, s0  }
0xbc: {  	s0 =	sadd.s32 $0x8F2B, s0  }
0xbd: {  	[sflag:s0] =	ssyncadd.remote.s32 $0x1  }
0xbe: {  	_ =	sfence.sel $0xFFFF  }
0xbf: {  	[dreg:$0x0] =	wrdreg $0xFFFFFFFF;
	(pc) =	sbr.abs _section_cstart, $3  }
0xc0: {  	[dreg:$0x1] =	wrdreg $0xFFFFFFFF  }
0xc1: {  	_ =	task.clear_ibuf [dreg:s7], $0x2FFFF;
	_ =	strace $0x9FFFFFFF  }
0xc2: {  	(tm) =	ssettm $0x7FFFFFFF  }
0xc3: {  	_ =	shalt  }
tec
execute0_lowered:
.L_overlay_start_1:
0x0: {  	(tag) =	ssettag $0x1  }
0x1: {  	s0 =	srdreg.scid  }
0x2: {  	s22 =	sand.u32 $0x1, s0  }
0x3: {  	s0 =	stileid.u32;
	s1 =	sshll.u32 s22, $0x4  }
0x4: {  	s9 =	sor.u32 s0, s1  }
0x5: {  	s2 =	rddreg [dreg:$0x0];
	s21 =	smul.u32 $0x1388, s9  }
0x6: {  	s10 =	rddreg [dreg:$0x1];
	s3 =	simm.s32 $0x0;
	s5 =	simm.s32 $0x4  }
0x7: {  	[smem:$0x7FF] =	sst s3;
	s20 =	sadd.s32 $0x4200, s10;
	s4 =	sshrl.u32 s21, $0x3  }
0x8: {  	s1 =	rddreg [dreg:$0x2];
	_ =	strace $0x8000004D;
	s4 =	sadd.s32 s20, s4  }
0x9: {  	[tilespmem:s3], [sflag:$0x4] =	stream.linear.gather [hbm4b:s4+s3], $0x3E8, $0x38;
	[tilespmem:$0x101D0] =	vst v63  }
0xa: {  	_ =	swait.ge [sflag:s5], $0x3E8  }
0xb: {  	s6 =	simm.s32 $0x3E8;
	s15 =	sadd.s32 $0x3E8, s21;
	[sflag:s5] =	ssyncset.done $0x0  }
0xc: {  	s7 =	simm.s32 $0x7D0;
	s8 =	sshrl.u32 s15, $0x3;
	[sflag:s5] =	ssyncadd.s32 $0xFFFFFC18  }
0xd: {  	[tilespmem:s7], [sflag:$0x1] =	stream.indirect.gather [hbm4b:s2+s6], $0x20, s3, s6, $0xb8;
	[tilespmem:$0x101D0] =	vst v63  }
0xe: {  	s8 =	sadd.s32 s20, s8  }
0xf: {  	[tilespmem:s6], [sflag:$0x4] =	stream.linear.gather [hbm4b:s8+s3], $0x3E8, $0x38;
	[tilespmem:$0x101D0] =	vst v63  }
0x10: {  	_ =	swait.ge [sflag:s5], $0x3E8  }
0x11: {  	[sflag:s5] =	ssyncset.done $0x0  }
0x12: {  	s11 =	smul.u32 $0x13880, s9;
	s9 =	simm.s32 $0x1;
	[sflag:s5] =	ssyncadd.s32 $0xFFFFFC18  }
0x13: {  	s23 =	sadd.s32 $0x2A7200, s10;
	_ =	swait.ge [sflag:s9], $0x7D00  }
0x14: {  	s12 =	simm.s32 $0x80;
	s10 =	sadd.s32 s23, s11;
	[sflag:s9] =	ssyncset.done $0x0  }
0x15: {  	s18 =	sadd.s32 $0x7D0, s21;
	s11 =	simm.s32 $0x20;
	[sflag:s9] =	ssyncadd.s32 $0xFFFF8300  }
0x16: {  	[hbm4b:s10+s11] =	stream.strided.scatter [tilespmem:s7], [sflag:$0x2], $0x7D00, s12, s11, $0x38;
	[tilespmem:$0x101D0] =	vst v63  }
0x17: {  	s13 =	simm.s32 $0x84D0;
	s14 =	sshrl.u32 s18, $0x3  }
0x18: {  	[tilespmem:s13], [sflag:$0x1] =	stream.indirect.gather [hbm4b:s2+s6], $0x20, s6, s6, $0xb8;
	[tilespmem:$0x101D0] =	vst v63  }
0x19: {  	s14 =	sadd.s32 s20, s14  }
0x1a: {  	[tilespmem:s3], [sflag:$0x4] =	stream.linear.gather [hbm4b:s14+s3], $0x3E8, $0x38;
	[tilespmem:$0x101D0] =	vst v63  }
0x1b: {  	_ =	swait.ge [sflag:s5], $0x3E8  }
0x1c: {  	[sflag:s5] =	ssyncset.done $0x0  }
0x1d: {  	[sflag:s5] =	ssyncadd.s32 $0xFFFFFC18  }
0x1e: {  	_ =	swait.ge [sflag:s9], $0x7D00  }
0x1f: {  	s15 =	sshll.u32 s15, $0x4;
	[sflag:s9] =	ssyncset.done $0x0  }
0x20: {  	s16 =	sadd.s32 s23, s15;
	s15 =	simm.s32 $0x2;
	[sflag:s9] =	ssyncadd.s32 $0xFFFF8300  }
0x21: {  	[hbm4b:s16+s11] =	stream.strided.scatter [tilespmem:s13], [sflag:$0x3], $0x7D00, s12, s11, $0x38;
	[tilespmem:$0x101D0] =	vst v63  }
0x22: {  	_ =	swait.ge [sflag:s15], $0x7D00  }
0x23: {  	s24 =	sadd.s32 $0xBB8, s21;
	[sflag:s15] =	ssyncset.done $0x0  }
0x24: {  	s17 =	sshrl.u32 s24, $0x3;
	[sflag:s15] =	ssyncadd.s32 $0xFFFF8300  }
0x25: {  	[tilespmem:s7], [sflag:$0x1] =	stream.indirect.gather [hbm4b:s2+s6], $0x20, s3, s6, $0xb8;
	[tilespmem:$0x101D0] =	vst v63  }
0x26: {  	s17 =	sadd.s32 s20, s17  }
0x27: {  	[tilespmem:s6], [sflag:$0x4] =	stream.linear.gather [hbm4b:s17+s3], $0x3E8, $0x38;
	[tilespmem:$0x101D0] =	vst v63  }
0x28: {  	_ =	swait.ge [sflag:s5], $0x3E8  }
0x29: {  	[sflag:s5] =	ssyncset.done $0x0  }
0x2a: {  	[sflag:s5] =	ssyncadd.s32 $0xFFFFFC18  }
0x2b: {  	_ =	swait.ge [sflag:s9], $0x7D00  }
0x2c: {  	s18 =	sshll.u32 s18, $0x4;
	[sflag:s9] =	ssyncset.done $0x0  }
0x2d: {  	s19 =	simm.s32 $0x3;
	s18 =	sadd.s32 s23, s18;
	[sflag:s9] =	ssyncadd.s32 $0xFFFF8300  }
0x2e: {  	[hbm4b:s18+s11] =	stream.strided.scatter [tilespmem:s7], [sflag:$0x2], $0x7D00, s12, s11, $0x38;
	[tilespmem:$0x101D0] =	vst v63  }
0x2f: {  	_ =	swait.ge [sflag:s19], $0x7D00  }
0x30: {  	s25 =	sadd.s32 $0xFA0, s21;
	[sflag:s19] =	ssyncset.done $0x0  }
0x31: {  	s21 =	sshrl.u32 s25, $0x3;
	[sflag:s19] =	ssyncadd.s32 $0xFFFF8300  }
0x32: {  	[tilespmem:s13], [sflag:$0x1] =	stream.indirect.gather [hbm4b:s2+s6], $0x20, s6, s6, $0xb8;
	[tilespmem:$0x101D0] =	vst v63  }
0x33: {  	s20 =	sadd.s32 s20, s21  }
0x34: {  	[tilespmem:s3], [sflag:$0x4] =	stream.linear.gather [hbm4b:s20+s3], $0x3E8, $0x38;
	[tilespmem:$0x101D0] =	vst v63  }
0x35: {  	_ =	swait.ge [sflag:s5], $0x3E8  }
0x36: {  	[sflag:s5] =	ssyncset.done $0x0  }
0x37: {  	[sflag:s5] =	ssyncadd.s32 $0xFFFFFC18  }
0x38: {  	_ =	swait.ge [sflag:s9], $0x7D00  }
0x39: {  	s28 =	sshll.u32 s24, $0x4;
	[sflag:s9] =	ssyncset.done $0x0  }
0x3a: {  	s21 =	sadd.s32 s23, s28;
	[sflag:s9] =	ssyncadd.s32 $0xFFFF8300  }
0x3b: {  	[hbm4b:s21+s11] =	stream.strided.scatter [tilespmem:s13], [sflag:$0x3], $0x7D00, s12, s11, $0x38;
	[tilespmem:$0x101D0] =	vst v63  }
0x3c: {  	_ =	swait.ge [sflag:s15], $0x7D00  }
0x3d: {  	s30 =	ssub.s32 $0x2, s22;
	[sflag:s15] =	ssyncset.done $0x0  }
0x3e: {  	s31 =	sshrl.u32 s30, $0x1;
	s29 =	sshll.u32 s25, $0x4;
	[sflag:s15] =	ssyncadd.s32 $0xFFFF8300  }
0x3f: {  	[tilespmem:s7], [sflag:$0x1] =	stream.indirect.gather [hbm4b:s2+s6], $0x20, s3, s6, $0xb8;
	[tilespmem:$0x101D0] =	vst v63  }
0x40: {  	s22 =	sadd.s32 s23, s29;
	s23 =	ssub.s32 s30, s31;
	_ =	swait.ge [sflag:s9], $0x7D00  }
0x41: {  	s23 =	smax.u32 s23, $0x1;
	[sflag:s9] =	ssyncset.done $0x0  }
0x42: {  	p0 =	sne.s32 s23, $0x1;
	[sflag:s9] =	ssyncadd.s32 $0xFFFF8300  }
0x43: {  	[hbm4b:s22+s11] =	stream.strided.scatter [tilespmem:s7], [sflag:$0x2], $0x7D00, s12, s11, $0x38;
	[tilespmem:$0x101D0] =	vst v63  }
.Ltmp0:
0x44: {  	_ =	swait.ge [sflag:s19], $0x7D00;
	(pc) =	sbr.rel @!p0 .LBB2_2-.Ltmp0, $4  }
0x45: {  	[sflag:s19] =	ssyncset.done $0x0  }
0x46: {  	[sflag:s19] =	ssyncadd.s32 $0xFFFF8300  }
0x47: {  	_ =	swait.ge [sflag:s15], $0x7D00  }
0x48: {  	s23 =	sadd.s32 $0xFFFFFFFF, s23;
	[sflag:s15] =	ssyncset.done $0x0  }
.LBB2_1:
0x49: {  	p0 =	sne.s32 s23, $0x1;
	s23 =	sadd.s32 $0xFFFFFFFF, s23;
	[sflag:s15] =	ssyncadd.s32 $0xFFFF8300  }
0x4a: {  	[tilespmem:s3], [sflag:$0x4] =	stream.linear.gather [hbm4b:s4+s3], $0x3E8, $0x38;
	[tilespmem:$0x101D0] =	vst v63  }
0x4b: {  	_ =	swait.ge [sflag:s5], $0x3E8  }
0x4c: {  	[sflag:s5] =	ssyncset.done $0x0  }
0x4d: {  	[sflag:s5] =	ssyncadd.s32 $0xFFFFFC18  }
0x4e: {  	[tilespmem:s7], [sflag:$0x1] =	stream.indirect.gather [hbm4b:s2+s6], $0x20, s3, s6, $0xb8;
	[tilespmem:$0x101D0] =	vst v63  }
0x4f: {  	_ = 	snop  }
0x50: {  	[tilespmem:s6], [sflag:$0x4] =	stream.linear.gather [hbm4b:s8+s3], $0x3E8, $0x38;
	[tilespmem:$0x101D0] =	vst v63  }
0x51: {  	_ =	swait.ge [sflag:s5], $0x3E8  }
0x52: {  	[sflag:s5] =	ssyncset.done $0x0  }
0x53: {  	[sflag:s5] =	ssyncadd.s32 $0xFFFFFC18  }
0x54: {  	_ =	swait.ge [sflag:s9], $0x7D00  }
0x55: {  	[sflag:s9] =	ssyncset.done $0x0  }
0x56: {  	[sflag:s9] =	ssyncadd.s32 $0xFFFF8300  }
0x57: {  	[hbm4b:s10+s11] =	stream.strided.scatter [tilespmem:s7], [sflag:$0x2], $0x7D00, s12, s11, $0x38;
	[tilespmem:$0x101D0] =	vst v63  }
0x58: {  	_ = 	snop  }
0x59: {  	[tilespmem:s13], [sflag:$0x1] =	stream.indirect.gather [hbm4b:s2+s6], $0x20, s6, s6, $0xb8;
	[tilespmem:$0x101D0] =	vst v63  }
0x5a: {  	_ = 	snop  }
0x5b: {  	[tilespmem:s3], [sflag:$0x4] =	stream.linear.gather [hbm4b:s14+s3], $0x3E8, $0x38;
	[tilespmem:$0x101D0] =	vst v63  }
0x5c: {  	_ =	swait.ge [sflag:s5], $0x3E8  }
0x5d: {  	[sflag:s5] =	ssyncset.done $0x0  }
0x5e: {  	[sflag:s5] =	ssyncadd.s32 $0xFFFFFC18  }
0x5f: {  	_ =	swait.ge [sflag:s9], $0x7D00  }
0x60: {  	[sflag:s9] =	ssyncset.done $0x0  }
0x61: {  	[sflag:s9] =	ssyncadd.s32 $0xFFFF8300  }
0x62: {  	[hbm4b:s16+s11] =	stream.strided.scatter [tilespmem:s13], [sflag:$0x3], $0x7D00, s12, s11, $0x38;
	[tilespmem:$0x101D0] =	vst v63  }
0x63: {  	_ =	swait.ge [sflag:s15], $0x7D00  }
0x64: {  	[sflag:s15] =	ssyncset.done $0x0  }
0x65: {  	[sflag:s15] =	ssyncadd.s32 $0xFFFF8300  }
0x66: {  	[tilespmem:s7], [sflag:$0x1] =	stream.indirect.gather [hbm4b:s2+s6], $0x20, s3, s6, $0xb8;
	[tilespmem:$0x101D0] =	vst v63  }
0x67: {  	_ = 	snop  }
0x68: {  	[tilespmem:s6], [sflag:$0x4] =	stream.linear.gather [hbm4b:s17+s3], $0x3E8, $0x38;
	[tilespmem:$0x101D0] =	vst v63  }
0x69: {  	_ =	swait.ge [sflag:s5], $0x3E8  }
0x6a: {  	[sflag:s5] =	ssyncset.done $0x0  }
0x6b: {  	[sflag:s5] =	ssyncadd.s32 $0xFFFFFC18  }
0x6c: {  	_ =	swait.ge [sflag:s9], $0x7D00  }
0x6d: {  	[sflag:s9] =	ssyncset.done $0x0  }
0x6e: {  	[sflag:s9] =	ssyncadd.s32 $0xFFFF8300  }
0x6f: {  	[hbm4b:s18+s11] =	stream.strided.scatter [tilespmem:s7], [sflag:$0x2], $0x7D00, s12, s11, $0x38;
	[tilespmem:$0x101D0] =	vst v63  }
0x70: {  	_ =	swait.ge [sflag:s19], $0x7D00  }
0x71: {  	[sflag:s19] =	ssyncset.done $0x0  }
0x72: {  	[sflag:s19] =	ssyncadd.s32 $0xFFFF8300  }
0x73: {  	[tilespmem:s13], [sflag:$0x1] =	stream.indirect.gather [hbm4b:s2+s6], $0x20, s6, s6, $0xb8;
	[tilespmem:$0x101D0] =	vst v63  }
0x74: {  	_ = 	snop  }
0x75: {  	[tilespmem:s3], [sflag:$0x4] =	stream.linear.gather [hbm4b:s20+s3], $0x3E8, $0x38;
	[tilespmem:$0x101D0] =	vst v63  }
0x76: {  	_ =	swait.ge [sflag:s5], $0x3E8  }
0x77: {  	[sflag:s5] =	ssyncset.done $0x0  }
0x78: {  	[sflag:s5] =	ssyncadd.s32 $0xFFFFFC18  }
0x79: {  	_ =	swait.ge [sflag:s9], $0x7D00  }
0x7a: {  	[sflag:s9] =	ssyncset.done $0x0  }
0x7b: {  	[sflag:s9] =	ssyncadd.s32 $0xFFFF8300  }
0x7c: {  	[hbm4b:s21+s11] =	stream.strided.scatter [tilespmem:s13], [sflag:$0x3], $0x7D00, s12, s11, $0x38;
	[tilespmem:$0x101D0] =	vst v63  }
0x7d: {  	_ =	swait.ge [sflag:s15], $0x7D00  }
0x7e: {  	[sflag:s15] =	ssyncset.done $0x0  }
0x7f: {  	[sflag:s15] =	ssyncadd.s32 $0xFFFF8300  }
0x80: {  	[tilespmem:s7], [sflag:$0x1] =	stream.indirect.gather [hbm4b:s2+s6], $0x20, s3, s6, $0xb8;
	[tilespmem:$0x101D0] =	vst v63  }
0x81: {  	_ =	swait.ge [sflag:s9], $0x7D00  }
0x82: {  	[sflag:s9] =	ssyncset.done $0x0  }
0x83: {  	[sflag:s9] =	ssyncadd.s32 $0xFFFF8300  }
0x84: {  	[hbm4b:s22+s11] =	stream.strided.scatter [tilespmem:s7], [sflag:$0x2], $0x7D00, s12, s11, $0x38;
	[tilespmem:$0x101D0] =	vst v63  }
.Ltmp1:
0x85: {  	_ =	swait.ge [sflag:s19], $0x7D00;
	(pc) =	sbr.rel @p0 .LBB2_1-.Ltmp1, $4  }
0x86: {  	[sflag:s19] =	ssyncset.done $0x0  }
0x87: {  	[sflag:s19] =	ssyncadd.s32 $0xFFFF8300  }
0x88: {  	_ =	swait.ge [sflag:s15], $0x7D00  }
0x89: {  	[sflag:s15] =	ssyncset.done $0x0  }
.LBB2_2:
0x8a: {  	[sflag:s15] =	ssyncadd.s32 $0xFFFF8300  }
0x8b: {  	_ =	sfence.sel $0x180000  }
0x8c: {  	[bflag:$0x0] =	sbarrier.arrive $0xFFFF  }
0x8d: {  	p0 =	sne.s32 s0, $0x0;
	_ =	strace $0x9000004D  }
0x8e: {  	s0 =	sadd.s32 @!p0 $0x100000, s1;
	[bflag:$0x2] =	sbarrier.arrive $0xFFFF  }
0x8f: {  	[sflag:s0] =	ssyncadd.tile.s32 @!p0 $0x1;
	_ =	shalt  }
.Lfunc_end2:
_tile_overlayer_lowered:
.L_overlay_start_2:
0x90: {  	(tag) =	ssettag $0x2  }
0x91: {  	s0 =	rddreg [dreg:$0x0];
	s2 =	stileid.u32  }
0x92: {  	s1 =	rddreg [dreg:$0x1];
	p0 =	sne.s32 s2, $0x0  }
0x93: {  	s3 =	rddreg [dreg:$0x2];
	[bflag:$0x3] =	sbarrier.arrive $0xFFFF;
	s2 =	simm.s32 @!p0 $0x1C04  }
0x94: {  	[timem:s3], [sflag:s2] =	dma.local @!p0 [hbm:s0], s1  }
0x95: {  	s0 =	simm.s32 @!p0 $0x4  }
0x96: {  	_ =	swait.ge @!p0 [sflag:s0], s1  }
0x97: {  	s1 =	ssub.s32 @!p0 $0x0, s1;
	[sflag:s0] =	ssyncset.done @!p0 $0x0  }
0x98: {  	[sflag:s0] =	ssyncadd.s32 @!p0 s1  }
0x99: {  	[bflag:$0x3] =	sbarrier.arrive $0xFFFF  }
0x9a: {  	_ =	shalt  }

// kernel: kernel.19.cloned.1.call-start
scs
__scs_entry_jumppad:
0x0: {  	(pc) =	sbr.rel $0x88, $3  }
0x1: {  	(tag) =	ssettag $0x0;
	lr =	simm.s32 $0x1  }
0x2: {  	[smem:$0x3F96] =	sst lr;
	_ =	strace $0xD0000000  }
0x3: {  	_ = 	snop  }
0x4: {  	_ = 	snop  }
0x5: {  	_ = 	snop  }
0x6: {  	_ = 	snop  }
0x7: {  	_ = 	snop  }
__scs_overlays_trampoline_lowered:
0x8: {  	[smem:$0x3FA5] =	sst s0  }
0x9: {  	[smem:$0x3FA6] =	sst s1  }
0xa: {  	[smem:$0x3FA7] =	sst s2  }
0xb: {  	[smem:$0x3FA8] =	sst s3  }
0xc: {  	[smem:$0x3FA9] =	sst s4  }
0xd: {  	[smem:$0x3FAA] =	sst s5  }
0xe: {  	[smem:$0x3FAB] =	sst s6  }
0xf: {  	[smem:$0x3FAC] =	sst s7  }
0x10: {  	[smem:$0x3FAD] =	sst s8  }
0x11: {  	[smem:$0x3FAE] =	sst s9;
	s0 =	simm.s32 @!p0 $0x0  }
0x12: {  	s1 =	sld [smem:$0x3F94];
	s0 =	simm.s32 @p0 $0x1  }
0x13: {  	[smem:$0x3FAF] =	sst s0;
	s0 =	simm.s32 @!p1 $0x0  }
0x14: {  	s2 =	sld [smem:$0x3F93];
	s0 =	simm.s32 @p1 $0x1  }
0x15: {  	[smem:$0x3FB0] =	sst s0;
	s0 =	simm.s32 @!p2 $0x0  }
0x16: {  	s3 =	sld [smem:$0x3FDB];
	s0 =	simm.s32 @p2 $0x1  }
0x17: {  	s4 =	simm.s32 $0x1BF5;
	[smem:$0x3FB2] =	sst s0  }
0x18: {  	s0 =	sld [smem:$0x3F95];
	_ =	swait.ge [sflag:s4], $0x0  }
0x19: {  	s7 =	sld [smem:$0x3F96]  }
0x1a: {  	s8 =	sadd.s32 $0xFFFFE003, lr  }
0x1b: {  	s9 =	sadd.s32 $0xFFFFFEF7, lr;
	s5 =	simm.s32 $0xFFFFFFFF;
	p2 =	slt.u32 s8, $0xFFFFF086  }
0x1c: {  	p1 =	slt.u32 s9, $0xF7A;
	s5 =	simm.s32 @!p2 $0x0  }
0x1d: {  	s5 =	simm.s32 @p1 $0x1;
	p0 =	seq.s32 s7, s2  }
0x1e: {  	s7 =	smul.u32 @!p0 $0xF7A, s2;
	p2 =	seq.s32 @!p0 s5, $0x0  }
0x1f: {  	s9 =	smul.u32 $0xF7A, s1;
	s8 =	simm.s32 @!p0 $0x1BF5;
	p2 =	por !p2, p0  }
0x20: {  	[sflag:s8] =	ssyncset.s32 @!p0 $0xFFFFF086;
	s6 =	sadd.s32 @!p0 s3, s7;
	s7 =	simm.s32 @!p0 $0x108  }
0x21: {  	s3 =	sadd.s32 s3, s9;
	s6 =	sadd.s32 @!p0 $0x88, s6;
	s7 =	simm.s32 @p2 $0x1082  }
0x22: {  	[simem:s7], [sflag:s8] =	dma.local @!p0 [hbm:s6], $0xF7A  }
0x23: {  	s9 =	sor.u32 $0xD0000000, s2;
	s6 =	simm.s32 $0x108;
	_ =	swait.ge @!p0 [sflag:s8], $0x0  }
0x24: {  	s3 =	sadd.s32 $0x88, s3;
	s6 =	simm.s32 @!p1 $0x1082;
	[sflag:s4] =	ssyncset.s32 $0xFFFFF086  }
0x25: {  	[simem:s6], [sflag:s4] =	dma.local [hbm:s3], $0xF7A  }
0x26: {  	[smem:$0x3F96] =	sst s1;
	(tag) =	ssettag s2;
	_ =	strace s9  }
0x27: {  	s1 =	sld [smem:$0x3FA6]  }
0x28: {  	s2 =	sld [smem:$0x3FA7]  }
0x29: {  	s4 =	sld [smem:$0x3FA9]  }
0x2a: {  	p0 =	seq.s32 s5, $0x0;
	s5 =	sld [smem:$0x3FAA]  }
0x2b: {  	s6 =	sld [smem:$0x3FAB]  }
0x2c: {  	s7 =	sld [smem:$0x3FAC]  }
0x2d: {  	s3 =	simm.s32 $0x108;
	s8 =	sld [smem:$0x3FAD]  }
0x2e: {  	s3 =	simm.s32 @!p0 $0x1082;
	s9 =	sld [smem:$0x3FAE]  }
0x2f: {  	lr =	sadd.s32 s0, s3;
	s0 =	sld [smem:$0x3FA5]  }
0x30: {  	s3 =	sld [smem:$0x3FA8]  }
0x31: {  	[smem:$0x3FB1] =	sst s10  }
0x32: {  	s10 =	sld [smem:$0x3FAF];
	_ =	sdelay $0x3  }
0x33: {  	p0 =	seq.s32 s10, $0x1;
	s10 =	sld [smem:$0x3FB1];
	_ =	sdelay $0x3  }
0x34: {  	[smem:$0x3FB1] =	sst s10  }
0x35: {  	s10 =	sld [smem:$0x3FB0];
	_ =	sdelay $0x3  }
0x36: {  	p1 =	seq.s32 s10, $0x1;
	s10 =	sld [smem:$0x3FB1];
	_ =	sdelay $0x3  }
0x37: {  	[smem:$0x3FB1] =	sst s10  }
0x38: {  	s10 =	sld [smem:$0x3FB2]  }
0x39: {  	_ = 	snop;
	(pc) =	sbr.ind lr, $3  }
0x3a: {  	_ = 	snop  }
0x3b: {  	_ = 	snop  }
0x3c: {  	p2 =	seq.s32 s10, $0x1;
	s10 =	sld [smem:$0x3FB1]  }
0x3d: {  	_ =	shalt  }
0x3e: {  	_ =	shalt  }
0x3f: {  	_ =	shalt  }
0x40: {  	_ =	shalt  }
0x41: {  	_ =	shalt  }
0x42: {  	_ =	shalt  }
0x43: {  	_ =	shalt  }
0x44: {  	_ =	shalt  }
0x45: {  	_ =	shalt  }
0x46: {  	_ =	shalt  }
0x47: {  	_ =	shalt  }
0x48: {  	_ =	shalt  }
0x49: {  	_ =	shalt  }
0x4a: {  	_ =	shalt  }
0x4b: {  	_ =	shalt  }
0x4c: {  	_ =	shalt  }
0x4d: {  	_ =	shalt  }
0x4e: {  	_ =	shalt  }
0x4f: {  	_ =	shalt  }
0x50: {  	_ =	shalt  }
0x51: {  	_ =	shalt  }
0x52: {  	_ =	shalt  }
0x53: {  	_ =	shalt  }
0x54: {  	_ =	shalt  }
0x55: {  	_ =	shalt  }
0x56: {  	_ =	shalt  }
0x57: {  	_ =	shalt  }
0x58: {  	_ =	shalt  }
0x59: {  	_ =	shalt  }
0x5a: {  	_ =	shalt  }
0x5b: {  	_ =	shalt  }
0x5c: {  	_ =	shalt  }
0x5d: {  	_ =	shalt  }
0x5e: {  	_ =	shalt  }
0x5f: {  	_ =	shalt  }
0x60: {  	_ =	shalt  }
0x61: {  	_ =	shalt  }
0x62: {  	_ =	shalt  }
0x63: {  	_ =	shalt  }
0x64: {  	_ =	shalt  }
0x65: {  	_ =	shalt  }
0x66: {  	_ =	shalt  }
0x67: {  	_ =	shalt  }
0x68: {  	_ =	shalt  }
0x69: {  	_ =	shalt  }
0x6a: {  	_ =	shalt  }
0x6b: {  	_ =	shalt  }
0x6c: {  	_ =	shalt  }
0x6d: {  	_ =	shalt  }
0x6e: {  	_ =	shalt  }
0x6f: {  	_ =	shalt  }
0x70: {  	_ =	shalt  }
0x71: {  	_ =	shalt  }
0x72: {  	_ =	shalt  }
0x73: {  	_ =	shalt  }
0x74: {  	_ =	shalt  }
0x75: {  	_ =	shalt  }
0x76: {  	_ =	shalt  }
0x77: {  	_ =	shalt  }
0x78: {  	_ =	shalt  }
0x79: {  	_ =	shalt  }
0x7a: {  	_ =	shalt  }
0x7b: {  	_ =	shalt  }
0x7c: {  	_ =	shalt  }
0x7d: {  	_ =	shalt  }
0x7e: {  	_ =	shalt  }
0x7f: {  	_ =	shalt  }
0x80: {  	_ =	shalt  }
0x81: {  	_ =	shalt  }
0x82: {  	_ =	shalt  }
0x83: {  	_ =	shalt  }
0x84: {  	_ =	shalt  }
0x85: {  	_ =	shalt  }
0x86: {  	_ =	shalt  }
0x87: {  	_ =	shalt  }
.Lfunc_end0:
.L_simem_size_0:
called_computation.3_lowered:
.L_overlay_start_0:
0x88: {  	s2 =	sld [smem:$0x3FD9]  }
0x89: {  	s3 =	sld [smem:$0x3FFE];
	_ =	sdelay $0x1  }
0x8a: {  	s1 =	srdreg.scid  }
0x8b: {  	s0 =	sand.u32 $0x1, s1  }
0x8c: {  	s16 =	sshll.u32 s0, $0xA;
	s2 =	sadd.s32 s3, s2  }
0x8d: {  	s2 =	sadd.s32 s2, s16  }
0x8e: {  	[smem:$0x3FBD] =	sst s2  }
0x8f: {  	_ = 	snop  }
0x90: {  	(tm) =	ssettm $0x1  }
0x91: {  	s17 =	sld [smem:$0x3FFB];
	_ =	sdelay $0x3  }
0x92: {  	_ =	strace s17  }
0x93: {  	s2 =	sld [smem:$0x3FFC];
	_ =	sdelay $0x3  }
0x94: {  	_ =	strace s2  }
0x95: {  	s2 =	sld [smem:$0x3FFD];
	_ =	sdelay $0x3  }
0x96: {  	_ =	strace s2  }
0x97: {  	_ =	strace $0x8FFFFFFF  }
0x98: {  	s18 =	sld [smem:$0x3FDB];
	_ =	sdelay $0x1  }
0x99: {  	s19 =	simm.s32 $_scs_section_size  }
0x9a: {  	s4 =	simm.s32 $_size__tile_overlayer_lowered;
	s5 =	simm.s32 $_tile_overlayer_lowered  }
0x9b: {  	s22 =	simm.s32 $0x1BFF;
	s21 =	sshll.u32 s5, $0x1;
	s2 =	sadd.s32 s19, s18  }
0x9c: {  	s6 =	simm.s32 $0x0;
	s20 =	sshll.u32 s4, $0x1;
	s4 =	sadd.s32 s21, s2  }
0x9d: {  	[timem:s6], [sflag:s22] =	dma.local [hbm:s4], s20  }
0x9e: {  	_ =	swait.ge [sflag:s22], s20  }
0x9f: {  	s3 =	ssub.s32 $0x0, s20;
	[sflag:s22] =	ssyncset.done $0x0  }
0xa0: {  	[sflag:s22] =	ssyncadd.s32 s3;
	_ =	sdelay $0x1  }
0xa1: {  	s23 =	simm.s32 $0x1B8B  }
0xa2: {  	_ =	swait.ge [sflag:s23], $0x1  }
0xa3: {  	[sflag:s23] =	ssyncset.done $0x0  }
0xa4: {  	s25 =	simm.s32 $0x1B8E;
	s24 =	sld [smem:$0x3FFE];
	[sflag:s23] =	ssyncadd.s32 $0xFFFFFFFF  }
0xa5: {  	s26 =	simm.s32 $execute0_lowered;
	[smem:$0x3FD2] =	sst s25  }
0xa6: {  	s4 =	sshll.u32 s26, $0x1;
	_ =	strace $0x8000004F;
	[dreg:$0x1] =	wrdreg $0xFFFFFFFF  }
0xa7: {  	s28 =	simm.s32 $_size_execute0_lowered;
	s2 =	sadd.s32 s2, s4;
	[dreg:$0x0] =	wrdreg $0x0  }
0xa8: {  	s4 =	sshll.u32 s28, $0x1;
	[dreg:$0x2] =	wrdreg s2  }
0xa9: {  	[dreg:$0x3] =	wrdreg s4  }
0xaa: {  	[dreg:$0x4] =	wrdreg $0xC0  }
0xab: {  	_ =	task [dreg:s6], $0x5FFFF  }
0xac: {  	[dreg:$0x1] =	wrdreg $0xFFFFFFFF  }
0xad: {  	[dreg:$0x0] =	wrdreg $0x60  }
0xae: {  	[dreg:$0x2] =	wrdreg s24  }
0xaf: {  	[dreg:$0x3] =	wrdreg $0x17ED00  }
0xb0: {  	[dreg:$0x4] =	wrdreg $0x9  }
0xb1: {  	_ =	task.clear_ibuf [dreg:s6], $0x5FFFF;
	_ =	strace $0x9000004F  }
0xb2: {  	s29 =	simm.s32 $0x9;
	_ =	strace $0x80000051  }
0xb3: {  	_ =	swait.ge [sflag:s29], $0x1  }
0xb4: {  	[sflag:s29] =	ssyncadd.s32 $0xFFFFFFFF  }
0xb5: {  	_ =	strace $0x90000051  }
0xb6: {  	_ =	sfence  }
0xb7: {  	s30 =	sld [smem:$0x0];
	_ =	sdelay $0x2  }
0xb8: {  	s31 =	sshll.u32 s1, $0xD;
	s1 =	sshrl.u32 s1, $0x2  }
0xb9: {  	s3 =	sand.u32 $0x4000, s31;
	s1 =	sadd.s32 s1, s30  }
0xba: {  	s0 =	sor.u32 s3, s0;
	s1 =	sshll.u32 s1, $0x11  }
0xbb: {  	s0 =	sor.u32 s1, s0  }
0xbc: {  	s0 =	sadd.s32 $0x8F2B, s0  }
0xbd: {  	[sflag:s0] =	ssyncadd.remote.s32 $0x1  }
0xbe: {  	_ =	sfence.sel $0xFFFF  }
0xbf: {  	[dreg:$0x0] =	wrdreg $0xFFFFFFFF;
	(pc) =	sbr.abs _section_cstart, $3  }
0xc0: {  	[dreg:$0x1] =	wrdreg $0xFFFFFFFF  }
0xc1: {  	_ =	task.clear_ibuf [dreg:s6], $0x2FFFF;
	_ =	strace $0x9FFFFFFF  }
0xc2: {  	(tm) =	ssettm $0x7FFFFFFF  }
0xc3: {  	_ =	shalt  }
tec
execute0_lowered:
.L_overlay_start_1:
0x0: {  	(tag) =	ssettag $0x1  }
0x1: {  	s25 =	rddreg [dreg:$0x0]  }
0x2: {  	s2 =	rddreg [dreg:$0x1]  }
0x3: {  	s0 =	rddreg [dreg:$0x2];
	s1 =	stileid.u32  }
0x4: {  	s3 =	simm.s32 $0x0;
	s4 =	srdreg.scid;
	s5 =	smul.u32 $0x1E000, s1  }
0x5: {  	[smem:$0x7FF] =	sst s3;
	s26 =	sand.u32 $0x1, s4;
	s4 =	sadd.s32 $0x35400, s25  }
0x6: {  	s31 =	sshll.u32 s1, $0x6;
	s6 =	sshll.u32 s26, $0x4;
	s5 =	sshrl.u32 s5, $0x2  }
0x7: {  	_ =	strace $0x80000050;
	s9 =	sor.u32 s1, s6;
	s30 =	sadd.s32 s5, s2  }
0x8: {  	s6 =	simm.s32 $0x3;
	s5 =	sor.u32 $0x1C03, s31;
	s7 =	sshrl.u32 s30, $0x3  }
0x9: {  	[spmem:s7], [sflag:s5] =	dma.local [hbm:s4], $0xF00  }
0xa: {  	s28 =	smul.u32 $0x1388, s9;
	_ =	swait.ge [sflag:s6], $0xF00  }
0xb: {  	s10 =	simm.s32 $0x30;
	[sflag:s6] =	ssyncset.done $0x0  }
0xc: {  	s23 =	sadd.s32 $0x9200, s25;
	s8 =	sshrl.u32 s28, $0x3;
	[sflag:s6] =	ssyncadd.s32 $0xFFFFF100  }
0xd: {  	s11 =	simm.s32 $0x80;
	s8 =	sadd.s32 s23, s8;
	[bflag:$0x0] =	sbarrier.arrive $0xFFFF  }
0xe: {  	[tilespmem:s3], [sflag:$0x3] =	stream.linear.gather [hbm4b:s8+s3], $0x3E8, $0x38;
	[tilespmem:$0x1F6D0] =	vst v63  }
0xf: {  	s12 =	simm.s32 $0x7D0;
	s9 =	smul.u32 $0x13880, s9;
	_ =	swait.ge [sflag:s6], $0x3E8  }
0x10: {  	s24 =	sadd.s32 $0x518200, s25;
	s15 =	sadd.s32 $0x3E8, s28;
	[sflag:s6] =	ssyncset.done $0x0  }
0x11: {  	s9 =	sadd.s32 s24, s9;
	s13 =	sshrl.u32 s15, $0x3;
	[sflag:s6] =	ssyncadd.s32 $0xFFFFFC18  }
0x12: {  	[tilespmem:s12], [sflag:$0x1] =	stream.strided.gather [hbm4b:s9+s10], $0xBB80, s11, s10, $0x38;
	[tilespmem:$0x1F6D0] =	vst v63  }
0x13: {  	s14 =	simm.s32 $0x3E8;
	s13 =	sadd.s32 s23, s13  }
0x14: {  	[tilespmem:s14], [sflag:$0x3] =	stream.linear.gather [hbm4b:s13+s3], $0x3E8, $0x38;
	[tilespmem:$0x1F6D0] =	vst v63  }
0x15: {  	_ =	swait.ge [sflag:s6], $0x3E8  }
0x16: {  	s16 =	simm.s32 $0xC350;
	s15 =	sshll.u32 s15, $0x4;
	[sflag:s6] =	ssyncset.done $0x0  }
0x17: {  	s17 =	simm.s32 $0x1;
	s15 =	sadd.s32 s24, s15;
	[sflag:s6] =	ssyncadd.s32 $0xFFFFFC18  }
0x18: {  	[tilespmem:s16], [sflag:$0x2] =	stream.strided.gather [hbm4b:s15+s10], $0xBB80, s11, s10, $0x38;
	[tilespmem:$0x1F6D0] =	vst v63  }
0x19: {  	_ =	swait.ge [sflag:s17], $0xBB80  }
0x1a: {  	[sflag:s17] =	ssyncset.done $0x0  }
0x1b: {  	[sflag:s17] =	ssyncadd.s32 $0xFFFF4480  }
0x1c: {  	[spmem:s2] =	stream.indirect.scatter.add.f32 [tilespmem:s12], [sflag:$0x3], $0x30, s3, s14, $0xb8;
	[tilespmem:$0x1F6D0] =	vst v63  }
0x1d: {  	s19 =	sadd.s32 $0x7D0, s28;
	_ =	swait.ge [sflag:s6], $0xBB80  }
0x1e: {  	s18 =	sshrl.u32 s19, $0x3;
	[sflag:s6] =	ssyncset.done $0x0  }
0x1f: {  	s18 =	sadd.s32 s23, s18;
	[sflag:s6] =	ssyncadd.s32 $0xFFFF4480  }
0x20: {  	[tilespmem:s3], [sflag:$0x3] =	stream.linear.gather [hbm4b:s18+s3], $0x3E8, $0x38;
	[tilespmem:$0x1F6D0] =	vst v63  }
0x21: {  	_ =	swait.ge [sflag:s6], $0x3E8  }
0x22: {  	s19 =	sshll.u32 s19, $0x4;
	[sflag:s6] =	ssyncset.done $0x0  }
0x23: {  	s20 =	simm.s32 $0x2;
	s19 =	sadd.s32 s24, s19;
	[sflag:s6] =	ssyncadd.s32 $0xFFFFFC18  }
0x24: {  	[tilespmem:s12], [sflag:$0x1] =	stream.strided.gather [hbm4b:s19+s10], $0xBB80, s11, s10, $0x38;
	[tilespmem:$0x1F6D0] =	vst v63  }
0x25: {  	_ =	swait.ge [sflag:s20], $0xBB80  }
0x26: {  	[sflag:s20] =	ssyncset.done $0x0  }
0x27: {  	[sflag:s20] =	ssyncadd.s32 $0xFFFF4480  }
0x28: {  	[spmem:s2] =	stream.indirect.scatter.add.f32 [tilespmem:s16], [sflag:$0x3], $0x30, s14, s14, $0xb8;
	[tilespmem:$0x1F6D0] =	vst v63  }
0x29: {  	s22 =	sadd.s32 $0xBB8, s28;
	_ =	swait.ge [sflag:s6], $0xBB80  }
0x2a: {  	s21 =	sshrl.u32 s22, $0x3;
	[sflag:s6] =	ssyncset.done $0x0  }
0x2b: {  	s21 =	sadd.s32 s23, s21;
	[sflag:s6] =	ssyncadd.s32 $0xFFFF4480  }
0x2c: {  	[tilespmem:s14], [sflag:$0x3] =	stream.linear.gather [hbm4b:s21+s3], $0x3E8, $0x38;
	[tilespmem:$0x1F6D0] =	vst v63  }
0x2d: {  	_ =	swait.ge [sflag:s6], $0x3E8  }
0x2e: {  	s22 =	sshll.u32 s22, $0x4;
	[sflag:s6] =	ssyncset.done $0x0  }
0x2f: {  	s22 =	sadd.s32 s24, s22;
	[sflag:s6] =	ssyncadd.s32 $0xFFFFFC18  }
0x30: {  	[tilespmem:s16], [sflag:$0x2] =	stream.strided.gather [hbm4b:s22+s10], $0xBB80, s11, s10, $0x38;
	[tilespmem:$0x1F6D0] =	vst v63  }
0x31: {  	_ =	swait.ge [sflag:s17], $0xBB80  }
0x32: {  	[sflag:s17] =	ssyncset.done $0x0  }
0x33: {  	[sflag:s17] =	ssyncadd.s32 $0xFFFF4480  }
0x34: {  	[spmem:s2] =	stream.indirect.scatter.add.f32 [tilespmem:s12], [sflag:$0x3], $0x30, s3, s14, $0xb8;
	[tilespmem:$0x1F6D0] =	vst v63  }
0x35: {  	s28 =	sadd.s32 $0xFA0, s28;
	_ =	swait.ge [sflag:s6], $0xBB80  }
0x36: {  	s29 =	sshrl.u32 s28, $0x3;
	[sflag:s6] =	ssyncset.done $0x0  }
0x37: {  	s23 =	sadd.s32 s23, s29;
	[sflag:s6] =	ssyncadd.s32 $0xFFFF4480  }
0x38: {  	[tilespmem:s3], [sflag:$0x3] =	stream.linear.gather [hbm4b:s23+s3], $0x3E8, $0x38;
	[tilespmem:$0x1F6D0] =	vst v63  }
0x39: {  	_ =	swait.ge [sflag:s6], $0x3E8  }
0x3a: {  	s28 =	sshll.u32 s28, $0x4;
	[sflag:s6] =	ssyncset.done $0x0  }
0x3b: {  	s24 =	sadd.s32 s24, s28;
	[sflag:s6] =	ssyncadd.s32 $0xFFFFFC18  }
0x3c: {  	[tilespmem:s12], [sflag:$0x1] =	stream.strided.gather [hbm4b:s24+s10], $0xBB80, s11, s10, $0x38;
	[tilespmem:$0x1F6D0] =	vst v63  }
0x3d: {  	_ =	swait.ge [sflag:s20], $0xBB80  }
0x3e: {  	[sflag:s20] =	ssyncset.done $0x0  }
0x3f: {  	[sflag:s20] =	ssyncadd.s32 $0xFFFF4480  }
0x40: {  	[spmem:s2] =	stream.indirect.scatter.add.f32 [tilespmem:s16], [sflag:$0x3], $0x30, s14, s14, $0xb8;
	[tilespmem:$0x1F6D0] =	vst v63  }
0x41: {  	_ =	swait.ge [sflag:s6], $0xBB80  }
0x42: {  	s28 =	smul.u32 $0x28000, s26;
	[sflag:s6] =	ssyncset.done $0x0  }
0x43: {  	s29 =	smul.u32 $0x2800, s1;
	[sflag:s6] =	ssyncadd.s32 $0xFFFF4480  }
0x44: {  	s26 =	ssub.s32 $0x2, s26;
	_ =	swait.ge [sflag:s17], $0xBB80  }
0x45: {  	s28 =	sadd.s32 s29, s28;
	s29 =	sshrl.u32 s26, $0x1;
	[sflag:s17] =	ssyncset.done $0x0  }
0x46: {  	s26 =	ssub.s32 s26, s29;
	[sflag:s17] =	ssyncadd.s32 $0xFFFF4480  }
0x47: {  	[spmem:s2] =	stream.indirect.scatter.add.f32 [tilespmem:s12], [sflag:$0x3], $0x30, s3, s14, $0xb8;
	[tilespmem:$0x1F6D0] =	vst v63  }
0x48: {  	s29 =	smax.u32 s26, $0x1;
	_ =	swait.ge [sflag:s6], $0xBB80  }
0x49: {  	s25 =	sadd.s32 s28, s25;
	p0 =	sne.s32 s29, $0x1;
	[sflag:s6] =	ssyncset.done $0x0  }
.Ltmp0:
0x4a: {  	s28 =	simm.s32 $0x6;
	[sflag:s6] =	ssyncadd.s32 $0xFFFF4480;
	(pc) =	sbr.rel @!p0 .LBB2_2-.Ltmp0, $4  }
0x4b: {  	s25 =	sadd.s32 $0x5E400, s25;
	s26 =	simm.s32 $0x10;
	[bflag:$0x0] =	sbarrier.arrive $0xFFFF  }
0x4c: {  	[hbm:s25@s26], [sflag:s5] =	dma.strided [spmem:s7@s28], $0xF00, s17, $0x6   }
0x4d: {  	_ =	swait.ge [sflag:s6], $0xF00  }
0x4e: {  	s29 =	sadd.s32 $0xFFFFFFFF, s29;
	[sflag:s6] =	ssyncset.done $0x0  }
.LBB2_1:
0x4f: {  	p0 =	sne.s32 s29, $0x1;
	s29 =	sadd.s32 $0xFFFFFFFF, s29;
	[sflag:s6] =	ssyncadd.s32 $0xFFFFF100  }
0x50: {  	[spmem:s7], [sflag:s5] =	dma.local [hbm:s4], $0xF00  }
0x51: {  	_ =	swait.ge [sflag:s6], $0xF00  }
0x52: {  	[sflag:s6] =	ssyncset.done $0x0  }
0x53: {  	[sflag:s6] =	ssyncadd.s32 $0xFFFFF100  }
0x54: {  	[bflag:$0x0] =	sbarrier.arrive $0xFFFF  }
0x55: {  	[tilespmem:s3], [sflag:$0x3] =	stream.linear.gather [hbm4b:s8+s3], $0x3E8, $0x38;
	[tilespmem:$0x1F6D0] =	vst v63  }
0x56: {  	_ =	swait.ge [sflag:s6], $0x3E8  }
0x57: {  	[sflag:s6] =	ssyncset.done $0x0  }
0x58: {  	[sflag:s6] =	ssyncadd.s32 $0xFFFFFC18  }
0x59: {  	[tilespmem:s12], [sflag:$0x1] =	stream.strided.gather [hbm4b:s9+s10], $0xBB80, s11, s10, $0x38;
	[tilespmem:$0x1F6D0] =	vst v63  }
0x5a: {  	_ = 	snop  }
0x5b: {  	[tilespmem:s14], [sflag:$0x3] =	stream.linear.gather [hbm4b:s13+s3], $0x3E8, $0x38;
	[tilespmem:$0x1F6D0] =	vst v63  }
0x5c: {  	_ =	swait.ge [sflag:s6], $0x3E8  }
0x5d: {  	[sflag:s6] =	ssyncset.done $0x0  }
0x5e: {  	[sflag:s6] =	ssyncadd.s32 $0xFFFFFC18  }
0x5f: {  	[tilespmem:s16], [sflag:$0x2] =	stream.strided.gather [hbm4b:s15+s10], $0xBB80, s11, s10, $0x38;
	[tilespmem:$0x1F6D0] =	vst v63  }
0x60: {  	_ =	swait.ge [sflag:s17], $0xBB80  }
0x61: {  	[sflag:s17] =	ssyncset.done $0x0  }
0x62: {  	[sflag:s17] =	ssyncadd.s32 $0xFFFF4480  }
0x63: {  	[spmem:s2] =	stream.indirect.scatter.add.f32 [tilespmem:s12], [sflag:$0x3], $0x30, s3, s14, $0xb8;
	[tilespmem:$0x1F6D0] =	vst v63  }
0x64: {  	_ =	swait.ge [sflag:s6], $0xBB80  }
0x65: {  	[sflag:s6] =	ssyncset.done $0x0  }
0x66: {  	[sflag:s6] =	ssyncadd.s32 $0xFFFF4480  }
0x67: {  	[tilespmem:s3], [sflag:$0x3] =	stream.linear.gather [hbm4b:s18+s3], $0x3E8, $0x38;
	[tilespmem:$0x1F6D0] =	vst v63  }
0x68: {  	_ =	swait.ge [sflag:s6], $0x3E8  }
0x69: {  	[sflag:s6] =	ssyncset.done $0x0  }
0x6a: {  	[sflag:s6] =	ssyncadd.s32 $0xFFFFFC18  }
0x6b: {  	[tilespmem:s12], [sflag:$0x1] =	stream.strided.gather [hbm4b:s19+s10], $0xBB80, s11, s10, $0x38;
	[tilespmem:$0x1F6D0] =	vst v63  }
0x6c: {  	_ =	swait.ge [sflag:s20], $0xBB80  }
0x6d: {  	[sflag:s20] =	ssyncset.done $0x0  }
0x6e: {  	[sflag:s20] =	ssyncadd.s32 $0xFFFF4480  }
0x6f: {  	[spmem:s2] =	stream.indirect.scatter.add.f32 [tilespmem:s16], [sflag:$0x3], $0x30, s14, s14, $0xb8;
	[tilespmem:$0x1F6D0] =	vst v63  }
0x70: {  	_ =	swait.ge [sflag:s6], $0xBB80  }
0x71: {  	[sflag:s6] =	ssyncset.done $0x0  }
0x72: {  	[sflag:s6] =	ssyncadd.s32 $0xFFFF4480  }
0x73: {  	[tilespmem:s14], [sflag:$0x3] =	stream.linear.gather [hbm4b:s21+s3], $0x3E8, $0x38;
	[tilespmem:$0x1F6D0] =	vst v63  }
0x74: {  	_ =	swait.ge [sflag:s6], $0x3E8  }
0x75: {  	[sflag:s6] =	ssyncset.done $0x0  }
0x76: {  	[sflag:s6] =	ssyncadd.s32 $0xFFFFFC18  }
0x77: {  	[tilespmem:s16], [sflag:$0x2] =	stream.strided.gather [hbm4b:s22+s10], $0xBB80, s11, s10, $0x38;
	[tilespmem:$0x1F6D0] =	vst v63  }
0x78: {  	_ =	swait.ge [sflag:s17], $0xBB80  }
0x79: {  	[sflag:s17] =	ssyncset.done $0x0  }
0x7a: {  	[sflag:s17] =	ssyncadd.s32 $0xFFFF4480  }
0x7b: {  	[spmem:s2] =	stream.indirect.scatter.add.f32 [tilespmem:s12], [sflag:$0x3], $0x30, s3, s14, $0xb8;
	[tilespmem:$0x1F6D0] =	vst v63  }
0x7c: {  	_ =	swait.ge [sflag:s6], $0xBB80  }
0x7d: {  	[sflag:s6] =	ssyncset.done $0x0  }
0x7e: {  	[sflag:s6] =	ssyncadd.s32 $0xFFFF4480  }
0x7f: {  	[tilespmem:s3], [sflag:$0x3] =	stream.linear.gather [hbm4b:s23+s3], $0x3E8, $0x38;
	[tilespmem:$0x1F6D0] =	vst v63  }
0x80: {  	_ =	swait.ge [sflag:s6], $0x3E8  }
0x81: {  	[sflag:s6] =	ssyncset.done $0x0  }
0x82: {  	[sflag:s6] =	ssyncadd.s32 $0xFFFFFC18  }
0x83: {  	[tilespmem:s12], [sflag:$0x1] =	stream.strided.gather [hbm4b:s24+s10], $0xBB80, s11, s10, $0x38;
	[tilespmem:$0x1F6D0] =	vst v63  }
0x84: {  	_ =	swait.ge [sflag:s20], $0xBB80  }
0x85: {  	[sflag:s20] =	ssyncset.done $0x0  }
0x86: {  	[sflag:s20] =	ssyncadd.s32 $0xFFFF4480  }
0x87: {  	[spmem:s2] =	stream.indirect.scatter.add.f32 [tilespmem:s16], [sflag:$0x3], $0x30, s14, s14, $0xb8;
	[tilespmem:$0x1F6D0] =	vst v63  }
0x88: {  	_ =	swait.ge [sflag:s6], $0xBB80  }
0x89: {  	[sflag:s6] =	ssyncset.done $0x0  }
0x8a: {  	[sflag:s6] =	ssyncadd.s32 $0xFFFF4480  }
0x8b: {  	_ =	swait.ge [sflag:s17], $0xBB80  }
0x8c: {  	[sflag:s17] =	ssyncset.done $0x0  }
0x8d: {  	[sflag:s17] =	ssyncadd.s32 $0xFFFF4480  }
0x8e: {  	[spmem:s2] =	stream.indirect.scatter.add.f32 [tilespmem:s12], [sflag:$0x3], $0x30, s3, s14, $0xb8;
	[tilespmem:$0x1F6D0] =	vst v63  }
0x8f: {  	_ =	swait.ge [sflag:s6], $0xBB80  }
0x90: {  	[sflag:s6] =	ssyncset.done $0x0  }
.Ltmp1:
0x91: {  	[sflag:s6] =	ssyncadd.s32 $0xFFFF4480;
	(pc) =	sbr.rel @p0 .LBB2_1-.Ltmp1, $4  }
0x92: {  	[bflag:$0x0] =	sbarrier.arrive $0xFFFF  }
0x93: {  	[hbm:s25@s26], [sflag:s5] =	dma.strided [spmem:s7@s28], $0xF00, s17, $0x6   }
0x94: {  	_ =	swait.ge [sflag:s6], $0xF00  }
0x95: {  	[sflag:s6] =	ssyncset.done $0x0  }
.LBB2_2:
0x96: {  	[sflag:s6] =	ssyncadd.s32 $0xFFFFF100  }
0x97: {  	_ =	sfence.sel $0x180000  }
0x98: {  	[bflag:$0x0] =	sbarrier.arrive $0xFFFF  }
0x99: {  	p0 =	sne.s32 s1, $0x0;
	_ =	strace $0x90000050  }
0x9a: {  	s0 =	sadd.s32 @!p0 $0x100000, s0;
	[bflag:$0x2] =	sbarrier.arrive $0xFFFF  }
0x9b: {  	[sflag:s0] =	ssyncadd.tile.s32 @!p0 $0x1;
	_ =	shalt  }
.Lfunc_end2:
_tile_overlayer_lowered:
.L_overlay_start_2:
0x9c: {  	(tag) =	ssettag $0x2  }
0x9d: {  	s0 =	rddreg [dreg:$0x0];
	s2 =	stileid.u32  }
0x9e: {  	s1 =	rddreg [dreg:$0x1];
	p0 =	sne.s32 s2, $0x0  }
0x9f: {  	s3 =	rddreg [dreg:$0x2];
	[bflag:$0x3] =	sbarrier.arrive $0xFFFF;
	s2 =	simm.s32 @!p0 $0x1C03  }
0xa0: {  	[timem:s3], [sflag:s2] =	dma.local @!p0 [hbm:s0], s1  }
0xa1: {  	s0 =	simm.s32 @!p0 $0x3  }
0xa2: {  	_ =	swait.ge @!p0 [sflag:s0], s1  }
0xa3: {  	s1 =	ssub.s32 @!p0 $0x0, s1;
	[sflag:s0] =	ssyncset.done @!p0 $0x0  }
0xa4: {  	[sflag:s0] =	ssyncadd.s32 @!p0 s1  }
0xa5: {  	[bflag:$0x3] =	sbarrier.arrive $0xFFFF  }
0xa6: {  	_ =	shalt  }

</sc_bundles>
